<compile_context>
chip_gen: v7x
topology: tpu7x:2x2x1
jax: 0.10.2.dev20260603
libtpu: 0.0.44.dev20260713+nightly
codegen_flags: <defaults>
</compile_context>

<pallas_src>
import functools

import jax
import jax.numpy as jnp
from jax import lax
from jax.experimental import pallas as pl
from jax.experimental.pallas import tpu as pltpu
from jax.experimental.pallas import tpu_sc as plsc

NC = 2
NS = 16
NW = NC * NS
LANE = 16
EGROUP = 128
NUM_GROUPS_POOL = 16


def _round_up(v, m):
    return -(-v // m) * m


def _sc_mesh():
    return plsc.VectorSubcoreMesh(core_axis_name="c", subcore_axis_name="s")


def _make_deg_kernel(n_nodes, n_groups):
    gpw = n_groups // NW
    npad = _round_up(n_nodes + 1, NS * 8)
    stripe = npad // NS

    @functools.partial(
        pl.kernel,
        out_type=jax.ShapeDtypeStruct((NC, NS, stripe, LANE), jnp.float32),
        mesh=_sc_mesh(),
        scratch_types=[
            pltpu.VMEM((gpw, EGROUP), jnp.int32),
            pltpu.VMEM((EGROUP, LANE), jnp.float32),
            pltpu.VMEM((EGROUP, LANE), jnp.float32),
            pltpu.VMEM_SHARED((npad, LANE), jnp.float32),
        ],
        compiler_params=pltpu.CompilerParams(use_tc_tiling_on_sc=False),
    )
    def deg_kernel(dst_hbm, out_hbm, dstbuf, ones_v, zeros_v, acc_sh):
        cid = lax.axis_index("c")
        sid = lax.axis_index("s")
        wid = sid * NC + cid

        def fill(i, carry):
            ones_v[i, :] = jnp.full((LANE,), 1.0, jnp.float32)
            zeros_v[i, :] = jnp.zeros((LANE,), jnp.float32)
            return carry
        lax.fori_loop(0, EGROUP, fill, 0)

        base = sid * stripe
        nfull = stripe // EGROUP
        for k in range(nfull):
            pltpu.sync_copy(zeros_v, acc_sh.at[pl.ds(base + k * EGROUP, EGROUP)])
        rem = stripe - nfull * EGROUP
        if rem:
            pltpu.sync_copy(zeros_v.at[pl.ds(0, rem)],
                            acc_sh.at[pl.ds(base + nfull * EGROUP, rem)])
        plsc.subcore_barrier()

        pltpu.sync_copy(dst_hbm.at[pl.ds(wid * gpw, gpw)], dstbuf)

        def step(j, carry):
            pltpu.sync_copy(ones_v, acc_sh.at[dstbuf.at[j]], add=True)
            return carry
        lax.fori_loop(0, gpw, step, 0)
        plsc.subcore_barrier()

        pltpu.sync_copy(acc_sh.at[pl.ds(base, stripe)],
                        out_hbm.at[cid].at[sid])

    return deg_kernel


def _make_agg_kernel(n_nodes, n_groups, h_dim):
    gpw = n_groups // NW
    npad = _round_up(n_nodes + 1, NS * 8)
    stripe = npad // NS

    @functools.partial(
        pl.kernel,
        out_type=jax.ShapeDtypeStruct((NC, NS, stripe, h_dim), jnp.float32),
        mesh=_sc_mesh(),
        scratch_types=[
            pltpu.VMEM((gpw, EGROUP), jnp.int32),
            pltpu.VMEM((gpw, EGROUP), jnp.int32),
            pltpu.VMEM((2, EGROUP, h_dim), jnp.float32),
            pltpu.VMEM_SHARED((npad, h_dim), jnp.float32),
            pltpu.VMEM_SHARED((npad, h_dim), jnp.float32),
            pltpu.SemaphoreType.DMA,
            pltpu.SemaphoreType.DMA,
        ],
        compiler_params=pltpu.CompilerParams(use_tc_tiling_on_sc=False),
    )
    def agg_kernel(src_hbm, dst_hbm, h_hbm, out_hbm,
                   srcbuf, dstbuf, rows_v, acc_sh, h_sh,
                   sem_a, sem_b):
        cid = lax.axis_index("c")
        sid = lax.axis_index("s")
        wid = sid * NC + cid

        def zfill(i, carry):
            for k in range(h_dim // LANE):
                rows_v[0, i, pl.ds(k * LANE, LANE)] = jnp.zeros((LANE,), jnp.float32)
            return carry
        lax.fori_loop(0, EGROUP, zfill, 0)

        base = sid * stripe
        nfull = stripe // EGROUP
        for k in range(nfull):
            pltpu.sync_copy(rows_v.at[0],
                            acc_sh.at[pl.ds(base + k * EGROUP, EGROUP)])
        rem = stripe - nfull * EGROUP
        if rem:
            pltpu.sync_copy(rows_v.at[0].at[pl.ds(0, rem)],
                            acc_sh.at[pl.ds(base + nfull * EGROUP, rem)])

        nfull_h = n_nodes // EGROUP
        tail_h = n_nodes - nfull_h * EGROUP
        nck = -(-(nfull_h + (1 if tail_h else 0)) // NS)
        for kk in range(nck):
            k = kk * NS + sid

            @pl.when(k < nfull_h)
            def _():
                pltpu.sync_copy(h_hbm.at[pl.ds(k * EGROUP, EGROUP)],
                                h_sh.at[pl.ds(k * EGROUP, EGROUP)])
            if tail_h:
                @pl.when(k == nfull_h)
                def _():
                    pltpu.sync_copy(h_hbm.at[pl.ds(nfull_h * EGROUP, tail_h)],
                                    h_sh.at[pl.ds(nfull_h * EGROUP, tail_h)])
        plsc.subcore_barrier()

        pltpu.sync_copy(src_hbm.at[pl.ds(wid * gpw, gpw)], srcbuf)
        pltpu.sync_copy(dst_hbm.at[pl.ds(wid * gpw, gpw)], dstbuf)

        pltpu.async_copy(h_sh.at[srcbuf.at[0]], rows_v.at[0], sem_a)

        def step2(jj, carry):
            j = jj * 2
            pltpu.async_copy(h_sh.at[srcbuf.at[j + 1]], rows_v.at[1], sem_b)
            pltpu.make_async_copy(h_sh.at[srcbuf.at[j]],
                                  rows_v.at[0], sem_a).wait()
            pltpu.sync_copy(rows_v.at[0], acc_sh.at[dstbuf.at[j]], add=True)

            @pl.when(jj + 1 < gpw // 2)
            def _():
                pltpu.async_copy(h_sh.at[srcbuf.at[j + 2]],
                                 rows_v.at[0], sem_a)
            pltpu.make_async_copy(h_sh.at[srcbuf.at[j + 1]],
                                  rows_v.at[1], sem_b).wait()
            pltpu.sync_copy(rows_v.at[1], acc_sh.at[dstbuf.at[j + 1]], add=True)
            return carry
        lax.fori_loop(0, gpw // 2, step2, 0)
        plsc.subcore_barrier()

        pltpu.sync_copy(acc_sh.at[pl.ds(base, stripe)],
                        out_hbm.at[cid].at[sid])

    return agg_kernel


def _dinv_from(deg_ref):
    deg = deg_ref[0, :, 0] + deg_ref[1, :, 0] + 1.0
    return lax.rsqrt(deg)


def _tc_matmul_scale(x, w, degp, bn):
    n, d = x.shape
    h = w.shape[1]

    def body(x_ref, w_ref, deg_ref, o_ref):
        dinv = _dinv_from(deg_ref)
        acc = jnp.dot(x_ref[...], w_ref[...], preferred_element_type=jnp.float32)
        o_ref[...] = acc * dinv[:, None]

    return pl.pallas_call(
        body,
        grid=(n // bn,),
        in_specs=[
            pl.BlockSpec((bn, d), lambda i: (i, 0)),
            pl.BlockSpec((d, h), lambda i: (0, 0)),
            pl.BlockSpec((2, bn, LANE), lambda i: (0, i, 0)),
        ],
        out_specs=pl.BlockSpec((bn, h), lambda i: (i, 0)),
        out_shape=jax.ShapeDtypeStruct((n, h), jnp.float32),
    )(x, w, degp)


def _tc_mid(accp, hp, degp, b, w2, bn):
    n, h = hp.shape
    h2 = w2.shape[1]

    def body(acc_ref, hp_ref, deg_ref, b_ref, w_ref, o_ref):
        dinv = _dinv_from(deg_ref)
        s = (acc_ref[0] + acc_ref[1] + hp_ref[...]) * dinv[:, None] + b_ref[...]
        hrelu = jnp.maximum(s, 0.0)
        o_ref[...] = jnp.dot(hrelu, w_ref[...],
                             preferred_element_type=jnp.float32) * dinv[:, None]

    return pl.pallas_call(
        body,
        grid=(n // bn,),
        in_specs=[
            pl.BlockSpec((2, bn, h), lambda i: (0, i, 0)),
            pl.BlockSpec((bn, h), lambda i: (i, 0)),
            pl.BlockSpec((2, bn, LANE), lambda i: (0, i, 0)),
            pl.BlockSpec((1, h), lambda i: (0, 0)),
            pl.BlockSpec((h, h2), lambda i: (0, 0)),
        ],
        out_specs=pl.BlockSpec((bn, h), lambda i: (i, 0)),
        out_shape=jax.ShapeDtypeStruct((n, h), jnp.float32),
    )(accp, hp, degp, b, w2)


def _tc_final(accp, hp, degp, b, batch3, wfc, bfc, bn):
    n, h = hp.shape
    c = wfc.shape[1]
    g = NUM_GROUPS_POOL
    nblk = n // bn

    def body(acc_ref, hp_ref, deg_ref, b_ref, batch_ref, wfc_ref, bfc_ref,
             o_ref, psum, cnt):
        i = pl.program_id(0)
        dinv = _dinv_from(deg_ref)
        s = (acc_ref[0] + acc_ref[1] + hp_ref[...]) * dinv[:, None] + b_ref[...]
        hrelu = jnp.maximum(s, 0.0)
        bvec = batch_ref[0, 0, :]
        oh = (bvec[:, None] == lax.broadcasted_iota(jnp.int32, (1, g), 1)
              ).astype(jnp.float32)
        contrib = lax.dot_general(oh, hrelu, (((0,), (0,)), ((), ())),
                                  preferred_element_type=jnp.float32)
        cnt_c = jnp.sum(oh, axis=0)[None, :]

        @pl.when(i == 0)
        def _():
            psum[...] = jnp.zeros_like(psum)
            cnt[...] = jnp.zeros_like(cnt)

        psum[...] += contrib
        cnt[...] += cnt_c

        @pl.when(i == nblk - 1)
        def _():
            pooled = psum[...] / jnp.maximum(cnt[...], 1.0)[0][:, None]
            o_ref[...] = jnp.dot(pooled, wfc_ref[...],
                                 preferred_element_type=jnp.float32) + bfc_ref[...]

    return pl.pallas_call(
        body,
        grid=(nblk,),
        in_specs=[
            pl.BlockSpec((2, bn, h), lambda i: (0, i, 0)),
            pl.BlockSpec((bn, h), lambda i: (i, 0)),
            pl.BlockSpec((2, bn, LANE), lambda i: (0, i, 0)),
            pl.BlockSpec((1, h), lambda i: (0, 0)),
            pl.BlockSpec((1, 1, bn), lambda i: (i, 0, 0)),
            pl.BlockSpec((h, c), lambda i: (0, 0)),
            pl.BlockSpec((1, c), lambda i: (0, 0)),
        ],
        out_specs=pl.BlockSpec((g, c), lambda i: (0, 0)),
        out_shape=jax.ShapeDtypeStruct((g, c), jnp.float32),
        scratch_shapes=[
            pltpu.VMEM((g, h), jnp.float32),
            pltpu.VMEM((1, g), jnp.float32),
        ],
    )(accp, hp, degp, b, batch3, wfc, bfc)


def kernel(x, edge_index, batch, W1, b1, W2, b2, Wfc, bfc):
    n, d = x.shape
    h_dim = W1.shape[1]
    e = edge_index.shape[1]
    bn = 2000

    ng = _round_up(_round_up(e, EGROUP) // EGROUP, NW * 8)
    epad = ng * EGROUP - e
    npad = _round_up(n + 1, NS * 8)
    src = jnp.concatenate(
        [edge_index[0], jnp.zeros((epad,), jnp.int32)]).reshape(ng, EGROUP)
    dst = jnp.concatenate(
        [edge_index[1], jnp.full((epad,), n, jnp.int32)]).reshape(ng, EGROUP)
    batch3 = batch.reshape(n // bn, 1, bn)
    b1r = b1.reshape(1, -1)
    b2r = b2.reshape(1, -1)
    bfcr = bfc.reshape(1, -1)

    deg_k = _make_deg_kernel(n, ng)
    agg_k = _make_agg_kernel(n, ng, h_dim)

    degp = deg_k(dst).reshape(NC, npad, LANE)
    h1p = _tc_matmul_scale(x, W1, degp, bn)
    acc1 = agg_k(src, dst, h1p).reshape(NC, npad, h_dim)
    h2p = _tc_mid(acc1, h1p, degp, b1r, W2, bn)
    acc2 = agg_k(src, dst, h2p).reshape(NC, npad, h_dim)
    return _tc_final(acc2, h2p, degp, b2r, batch3, Wfc, bfcr, bn)

# --- scband reference (transcript-rebuilt; emitter-appended) ---
"""Pipeline reference for scband-graph-gcn-88072599372182 (READ-ONLY COPY).

The authoritative reference and input builder live on the scoring server;
editing this copy changes nothing except your own understanding.
"""

import jax, jax.numpy as jnp
import numpy as np

N = 10000
E = 320000
D = 128
H = 64
C = 10
G = 16


def setup_inputs(seed: int = 0) -> dict:
    key = jax.random.key(seed)
    ks = jax.random.split(key, 9)
    x = jax.random.normal(ks[0], (N, D), dtype=jnp.float32)
    edge_index = jax.random.randint(ks[1], (2, E), 0, N, dtype=jnp.int32)
    batch = jnp.sort(jax.random.randint(ks[2], (N,), 0, G, dtype=jnp.int32))
    W1 = jax.random.normal(ks[3], (D, H), dtype=jnp.float32) * (1.0 / np.sqrt(D))
    b1 = jnp.zeros((H,), dtype=jnp.float32)
    W2 = jax.random.normal(ks[4], (H, H), dtype=jnp.float32) * (1.0 / np.sqrt(H))
    b2 = jnp.zeros((H,), dtype=jnp.float32)
    Wfc = jax.random.normal(ks[5], (H, C), dtype=jnp.float32) * (1.0 / np.sqrt(H))
    bfc = jnp.zeros((C,), dtype=jnp.float32)
    return {"x": x, "edge_index": edge_index, "batch": batch,
            "W1": W1, "b1": b1, "W2": W2, "b2": b2, "Wfc": Wfc, "bfc": bfc}


def _gcn_conv(x, edge_index, W, b):
    n = x.shape[0]
    h = x @ W
    loop = jnp.arange(n, dtype=edge_index.dtype)
    src = jnp.concatenate([edge_index[0], loop])
    dst = jnp.concatenate([edge_index[1], loop])
    ones = jnp.ones(src.shape[0], dtype=h.dtype)
    deg = jax.ops.segment_sum(ones, dst, num_segments=n)
    dinv = jnp.where(deg > 0, jax.lax.rsqrt(jnp.maximum(deg, 1e-12)), 0.0)
    norm = dinv[src] * dinv[dst]
    msg = h[src] * norm[:, None]
    out = jax.ops.segment_sum(msg, dst, num_segments=n)
    return out + b


def reference(x, edge_index, batch, W1, b1, W2, b2, Wfc, bfc):
    h = jax.nn.relu(_gcn_conv(x, edge_index, W1, b1))
    h = jax.nn.relu(_gcn_conv(h, edge_index, W2, b2))
    counts = jax.ops.segment_sum(jnp.ones((h.shape[0],), dtype=h.dtype), batch, num_segments=G)
    pooled = jax.ops.segment_sum(h, batch, num_segments=G) / jnp.maximum(counts, 1.0)[:, None]
    return pooled @ Wfc + bfc

if __name__ == "__main__":
    import jax
    _d = setup_inputs()
    print(jax.jit(kernel)(*tuple(_d.values())))

</pallas_src>

<mosaic_0001>
#map = affine_map<(d0, d1) -> (0, 0)>
#map1 = affine_map<(d0, d1) -> (0, 0, 0, 0)>
module attributes {stable_mosaic.version = 14 : i64} {
  func.func @deg_kernel(%arg0: i32, %arg1: i32, %arg2: memref<2560x128xi32, #tpu.memory_space<hbm>>, %arg3: memref<2x16x632x16xf32, #tpu.memory_space<hbm>>, %arg4: memref<80x128xi32, #tpu.memory_space<vmem>>, %arg5: memref<128x16xf32, #tpu.memory_space<vmem>>, %arg6: memref<128x16xf32, #tpu.memory_space<vmem>>, %arg7: memref<10112x16xf32, #tpu.memory_space<vmem_shared>>) attributes {dimension_semantics = [#tpu.dimension_semantics<core_parallel>, #tpu.dimension_semantics<subcore_parallel>], iteration_bounds = array<i64: 2, 16>, scalar_prefetch = 0 : i64, scratch_operands = 4 : i64, tpu.core_type = #tpu.core_type<sc_vector_subcore>, window_params = [{transform_indices = #map}, {transform_indices = #map1}]} {
    %mul3A = arith.constant 2 : i32
    %mul3A_0 = arith.muli %arg1, %mul3A : i32
    %add3A = arith.addi %mul3A_0, %arg0 : i32
    %scan3A = arith.constant 0 : i32
    %scan3A_1 = arith.constant 0 : i32
    %scan3A_2 = arith.constant 128 : i32
    %scan3A_3 = arith.addi %scan3A_1, %scan3A_2 : i32
    %scan3A_4 = arith.constant 1 : i32
    scf.for %scan3A_27 = %scan3A_1 to %scan3A_3 step %scan3A_4  : i32 {
      %broadcast_in_dim3A = arith.constant 1.000000e+00 : f32
      %broadcast_in_dim3A_28 = vector.broadcast %broadcast_in_dim3A : f32 to vector<16xf32>
      %swap3A = arith.index_cast %scan3A_27 : i32 to index
      %swap3A_29 = arith.constant 0 : index
      %swap3A_30 = tpu.vector_load %arg5[%swap3A, %swap3A_29] {strides = array<i32>} : memref<128x16xf32, #tpu.memory_space<vmem>>, vector<1x16xf32>,
      %swap3A_31 = vector.shape_cast %swap3A_30 : vector<1x16xf32> to vector<16xf32>
      %swap3A_32 = vector.shape_cast %broadcast_in_dim3A_28 : vector<16xf32> to vector<1x16xf32>
      tpu.vector_store %arg5[%swap3A, %swap3A_29], %swap3A_32 {strides = array<i32>} : memref<128x16xf32, #tpu.memory_space<vmem>>, vector<1x16xf32>,
      %broadcast_in_dim3A_33 = arith.constant 0.000000e+00 : f32
      %broadcast_in_dim3A_34 = vector.broadcast %broadcast_in_dim3A_33 : f32 to vector<16xf32>
      %swap3A_35 = arith.index_cast %scan3A_27 : i32 to index
      %swap3A_36 = arith.constant 0 : index
      %swap3A_37 = tpu.vector_load %arg6[%swap3A_35, %swap3A_36] {strides = array<i32>} : memref<128x16xf32, #tpu.memory_space<vmem>>, vector<1x16xf32>,
      %swap3A_38 = vector.shape_cast %swap3A_37 : vector<1x16xf32> to vector<16xf32>
      %swap3A_39 = vector.shape_cast %broadcast_in_dim3A_34 : vector<16xf32> to vector<1x16xf32>
      tpu.vector_store %arg6[%swap3A_35, %swap3A_36], %swap3A_39 {strides = array<i32>} : memref<128x16xf32, #tpu.memory_space<vmem>>, vector<1x16xf32>,
    }
    %scan3A_5 = arith.constant 128 : i32
    %mul3A_6 = arith.constant 632 : i32
    %mul3A_7 = arith.muli %arg1, %mul3A_6 : i32
    %add3A_8 = arith.constant 0 : i32
    %add3A_9 = arith.addi %mul3A_7, %add3A_8 : i32
    "tpu.region"() ({
      %run_scoped3A = tpu.sem_alloc : memref<!tpu.dma_semaphore, #tpu.memory_space<semaphore_mem>>
      %dma_start3A = arith.constant 0 : i32
      %dma_start3A_27 = tpu.memref_slice %arg7[%add3A_9, %dma_start3A] : memref<10112x16xf32, #tpu.memory_space<vmem_shared>> -> memref<128x16xf32, #tpu.memory_space<vmem_shared>>
      %dma_start3A_28 = arith.constant 0 : i32
      %dma_start3A_29 = tpu.memref_slice %arg7[%add3A_9, %dma_start3A_28] : memref<10112x16xf32, #tpu.memory_space<vmem_shared>> -> memref<128x16xf32, #tpu.memory_space<vmem_shared>>
      tpu.enqueue_dma source(%arg6 : memref<128x16xf32, #tpu.memory_space<vmem>>) target(%dma_start3A_29 : memref<128x16xf32, #tpu.memory_space<vmem_shared>>) target_semaphore(%run_scoped3A : memref<!tpu.dma_semaphore, #tpu.memory_space<semaphore_mem>>)
      %dma_wait3A = arith.constant 0 : i32
      %dma_wait3A_30 = tpu.memref_slice %arg7[%add3A_9, %dma_wait3A] : memref<10112x16xf32, #tpu.memory_space<vmem_shared>> -> memref<128x16xf32, #tpu.memory_space<vmem_shared>>
      %dma_wait3A_31 = arith.constant 0 : i32
      %dma_wait3A_32 = tpu.memref_slice %arg7[%add3A_9, %dma_wait3A_31] : memref<10112x16xf32, #tpu.memory_space<vmem_shared>> -> memref<128x16xf32, #tpu.memory_space<vmem_shared>>
      tpu.wait_dma2 semaphore(%run_scoped3A : memref<!tpu.dma_semaphore, #tpu.memory_space<semaphore_mem>>) src(%arg6 : memref<128x16xf32, #tpu.memory_space<vmem>>) dst(%dma_wait3A_32 : memref<128x16xf32, #tpu.memory_space<vmem_shared>>)
      tpu.yield
    }) : () -> ()
    %add3A_10 = arith.constant 128 : i32
    %add3A_11 = arith.addi %mul3A_7, %add3A_10 : i32
    "tpu.region"() ({
      %run_scoped3A = tpu.sem_alloc : memref<!tpu.dma_semaphore, #tpu.memory_space<semaphore_mem>>
      %dma_start3A = arith.constant 0 : i32
      %dma_start3A_27 = tpu.memref_slice %arg7[%add3A_11, %dma_start3A] : memref<10112x16xf32, #tpu.memory_space<vmem_shared>> -> memref<128x16xf32, #tpu.memory_space<vmem_shared>>
      %dma_start3A_28 = arith.constant 0 : i32
      %dma_start3A_29 = tpu.memref_slice %arg7[%add3A_11, %dma_start3A_28] : memref<10112x16xf32, #tpu.memory_space<vmem_shared>> -> memref<128x16xf32, #tpu.memory_space<vmem_shared>>
      tpu.enqueue_dma source(%arg6 : memref<128x16xf32, #tpu.memory_space<vmem>>) target(%dma_start3A_29 : memref<128x16xf32, #tpu.memory_space<vmem_shared>>) target_semaphore(%run_scoped3A : memref<!tpu.dma_semaphore, #tpu.memory_space<semaphore_mem>>)
      %dma_wait3A = arith.constant 0 : i32
      %dma_wait3A_30 = tpu.memref_slice %arg7[%add3A_11, %dma_wait3A] : memref<10112x16xf32, #tpu.memory_space<vmem_shared>> -> memref<128x16xf32, #tpu.memory_space<vmem_shared>>
      %dma_wait3A_31 = arith.constant 0 : i32
      %dma_wait3A_32 = tpu.memref_slice %arg7[%add3A_11, %dma_wait3A_31] : memref<10112x16xf32, #tpu.memory_space<vmem_shared>> -> memref<128x16xf32, #tpu.memory_space<vmem_shared>>
      tpu.wait_dma2 semaphore(%run_scoped3A : memref<!tpu.dma_semaphore, #tpu.memory_space<semaphore_mem>>) src(%arg6 : memref<128x16xf32, #tpu.memory_space<vmem>>) dst(%dma_wait3A_32 : memref<128x16xf32, #tpu.memory_space<vmem_shared>>)
      tpu.yield
    }) : () -> ()
    %add3A_12 = arith.constant 256 : i32
    %add3A_13 = arith.addi %mul3A_7, %add3A_12 : i32
    "tpu.region"() ({
      %run_scoped3A = tpu.sem_alloc : memref<!tpu.dma_semaphore, #tpu.memory_space<semaphore_mem>>
      %dma_start3A = arith.constant 0 : i32
      %dma_start3A_27 = tpu.memref_slice %arg7[%add3A_13, %dma_start3A] : memref<10112x16xf32, #tpu.memory_space<vmem_shared>> -> memref<128x16xf32, #tpu.memory_space<vmem_shared>>
      %dma_start3A_28 = arith.constant 0 : i32
      %dma_start3A_29 = tpu.memref_slice %arg7[%add3A_13, %dma_start3A_28] : memref<10112x16xf32, #tpu.memory_space<vmem_shared>> -> memref<128x16xf32, #tpu.memory_space<vmem_shared>>
      tpu.enqueue_dma source(%arg6 : memref<128x16xf32, #tpu.memory_space<vmem>>) target(%dma_start3A_29 : memref<128x16xf32, #tpu.memory_space<vmem_shared>>) target_semaphore(%run_scoped3A : memref<!tpu.dma_semaphore, #tpu.memory_space<semaphore_mem>>)
      %dma_wait3A = arith.constant 0 : i32
      %dma_wait3A_30 = tpu.memref_slice %arg7[%add3A_13, %dma_wait3A] : memref<10112x16xf32, #tpu.memory_space<vmem_shared>> -> memref<128x16xf32, #tpu.memory_space<vmem_shared>>
      %dma_wait3A_31 = arith.constant 0 : i32
      %dma_wait3A_32 = tpu.memref_slice %arg7[%add3A_13, %dma_wait3A_31] : memref<10112x16xf32, #tpu.memory_space<vmem_shared>> -> memref<128x16xf32, #tpu.memory_space<vmem_shared>>
      tpu.wait_dma2 semaphore(%run_scoped3A : memref<!tpu.dma_semaphore, #tpu.memory_space<semaphore_mem>>) src(%arg6 : memref<128x16xf32, #tpu.memory_space<vmem>>) dst(%dma_wait3A_32 : memref<128x16xf32, #tpu.memory_space<vmem_shared>>)
      tpu.yield
    }) : () -> ()
    %add3A_14 = arith.constant 384 : i32
    %add3A_15 = arith.addi %mul3A_7, %add3A_14 : i32
    "tpu.region"() ({
      %run_scoped3A = tpu.sem_alloc : memref<!tpu.dma_semaphore, #tpu.memory_space<semaphore_mem>>
      %dma_start3A = arith.constant 0 : i32
      %dma_start3A_27 = tpu.memref_slice %arg7[%add3A_15, %dma_start3A] : memref<10112x16xf32, #tpu.memory_space<vmem_shared>> -> memref<128x16xf32, #tpu.memory_space<vmem_shared>>
      %dma_start3A_28 = arith.constant 0 : i32
      %dma_start3A_29 = tpu.memref_slice %arg7[%add3A_15, %dma_start3A_28] : memref<10112x16xf32, #tpu.memory_space<vmem_shared>> -> memref<128x16xf32, #tpu.memory_space<vmem_shared>>
      tpu.enqueue_dma source(%arg6 : memref<128x16xf32, #tpu.memory_space<vmem>>) target(%dma_start3A_29 : memref<128x16xf32, #tpu.memory_space<vmem_shared>>) target_semaphore(%run_scoped3A : memref<!tpu.dma_semaphore, #tpu.memory_space<semaphore_mem>>)
      %dma_wait3A = arith.constant 0 : i32
      %dma_wait3A_30 = tpu.memref_slice %arg7[%add3A_15, %dma_wait3A] : memref<10112x16xf32, #tpu.memory_space<vmem_shared>> -> memref<128x16xf32, #tpu.memory_space<vmem_shared>>
      %dma_wait3A_31 = arith.constant 0 : i32
      %dma_wait3A_32 = tpu.memref_slice %arg7[%add3A_15, %dma_wait3A_31] : memref<10112x16xf32, #tpu.memory_space<vmem_shared>> -> memref<128x16xf32, #tpu.memory_space<vmem_shared>>
      tpu.wait_dma2 semaphore(%run_scoped3A : memref<!tpu.dma_semaphore, #tpu.memory_space<semaphore_mem>>) src(%arg6 : memref<128x16xf32, #tpu.memory_space<vmem>>) dst(%dma_wait3A_32 : memref<128x16xf32, #tpu.memory_space<vmem_shared>>)
      tpu.yield
    }) : () -> ()
    %add3A_16 = arith.constant 512 : i32
    %add3A_17 = arith.addi %mul3A_7, %add3A_16 : i32
    "tpu.region"() ({
      %run_scoped3A = tpu.sem_alloc : memref<!tpu.dma_semaphore, #tpu.memory_space<semaphore_mem>>
      %dma_start3A = arith.constant 0 : i32
      %dma_start3A_27 = arith.constant 0 : i32
      %dma_start3A_28 = tpu.memref_slice %arg6[%dma_start3A, %dma_start3A_27] : memref<128x16xf32, #tpu.memory_space<vmem>> -> memref<120x16xf32, #tpu.memory_space<vmem>>
      %dma_start3A_29 = arith.constant 0 : i32
      %dma_start3A_30 = tpu.memref_slice %arg7[%add3A_17, %dma_start3A_29] : memref<10112x16xf32, #tpu.memory_space<vmem_shared>> -> memref<120x16xf32, #tpu.memory_space<vmem_shared>>
      %dma_start3A_31 = arith.constant 0 : i32
      %dma_start3A_32 = tpu.memref_slice %arg7[%add3A_17, %dma_start3A_31] : memref<10112x16xf32, #tpu.memory_space<vmem_shared>> -> memref<120x16xf32, #tpu.memory_space<vmem_shared>>
      %dma_start3A_33 = arith.constant 0 : i32
      %dma_start3A_34 = arith.constant 0 : i32
      %dma_start3A_35 = tpu.memref_slice %arg6[%dma_start3A_33, %dma_start3A_34] : memref<128x16xf32, #tpu.memory_space<vmem>> -> memref<120x16xf32, #tpu.memory_space<vmem>>
      tpu.enqueue_dma source(%dma_start3A_35 : memref<120x16xf32, #tpu.memory_space<vmem>>) target(%dma_start3A_32 : memref<120x16xf32, #tpu.memory_space<vmem_shared>>) target_semaphore(%run_scoped3A : memref<!tpu.dma_semaphore, #tpu.memory_space<semaphore_mem>>)
      %dma_wait3A = arith.constant 0 : i32
      %dma_wait3A_36 = arith.constant 0 : i32
      %dma_wait3A_37 = tpu.memref_slice %arg6[%dma_wait3A, %dma_wait3A_36] : memref<128x16xf32, #tpu.memory_space<vmem>> -> memref<120x16xf32, #tpu.memory_space<vmem>>
      %dma_wait3A_38 = arith.constant 0 : i32
      %dma_wait3A_39 = tpu.memref_slice %arg7[%add3A_17, %dma_wait3A_38] : memref<10112x16xf32, #tpu.memory_space<vmem_shared>> -> memref<120x16xf32, #tpu.memory_space<vmem_shared>>
      %dma_wait3A_40 = arith.constant 0 : i32
      %dma_wait3A_41 = tpu.memref_slice %arg7[%add3A_17, %dma_wait3A_40] : memref<10112x16xf32, #tpu.memory_space<vmem_shared>> -> memref<120x16xf32, #tpu.memory_space<vmem_shared>>
      %dma_wait3A_42 = arith.constant 0 : i32
      %dma_wait3A_43 = arith.constant 0 : i32
      %dma_wait3A_44 = tpu.memref_slice %arg6[%dma_wait3A_42, %dma_wait3A_43] : memref<128x16xf32, #tpu.memory_space<vmem>> -> memref<120x16xf32, #tpu.memory_space<vmem>>
      tpu.wait_dma2 semaphore(%run_scoped3A : memref<!tpu.dma_semaphore, #tpu.memory_space<semaphore_mem>>) src(%dma_wait3A_44 : memref<120x16xf32, #tpu.memory_space<vmem>>) dst(%dma_wait3A_41 : memref<120x16xf32, #tpu.memory_space<vmem_shared>>)
      tpu.yield
    }) : () -> ()
    %barrier3A = arith.constant 0 : index
    tpu.barrier barrier_id(%barrier3A)
    %mul3A_18 = arith.constant 80 : i32
    %mul3A_19 = arith.muli %add3A, %mul3A_18 : i32
    "tpu.region"() ({
      %run_scoped3A = tpu.sem_alloc : memref<!tpu.dma_semaphore, #tpu.memory_space<semaphore_mem>>
      %dma_start3A = arith.constant 0 : i32
      %dma_start3A_27 = tpu.memref_slice %arg2[%mul3A_19, %dma_start3A] : memref<2560x128xi32, #tpu.memory_space<hbm>> -> memref<80x128xi32, #tpu.memory_space<hbm>>
      %dma_start3A_28 = arith.constant 0 : i32
      %dma_start3A_29 = tpu.memref_slice %arg2[%mul3A_19, %dma_start3A_28] : memref<2560x128xi32, #tpu.memory_space<hbm>> -> memref<80x128xi32, #tpu.memory_space<hbm>>
      tpu.enqueue_dma source(%dma_start3A_29 : memref<80x128xi32, #tpu.memory_space<hbm>>) target(%arg4 : memref<80x128xi32, #tpu.memory_space<vmem>>) target_semaphore(%run_scoped3A : memref<!tpu.dma_semaphore, #tpu.memory_space<semaphore_mem>>)
      %dma_wait3A = arith.constant 0 : i32
      %dma_wait3A_30 = tpu.memref_slice %arg2[%mul3A_19, %dma_wait3A] : memref<2560x128xi32, #tpu.memory_space<hbm>> -> memref<80x128xi32, #tpu.memory_space<hbm>>
      %dma_wait3A_31 = arith.constant 0 : i32
      %dma_wait3A_32 = tpu.memref_slice %arg2[%mul3A_19, %dma_wait3A_31] : memref<2560x128xi32, #tpu.memory_space<hbm>> -> memref<80x128xi32, #tpu.memory_space<hbm>>
      tpu.wait_dma2 semaphore(%run_scoped3A : memref<!tpu.dma_semaphore, #tpu.memory_space<semaphore_mem>>) src(%dma_wait3A_32 : memref<80x128xi32, #tpu.memory_space<hbm>>) dst(%arg4 : memref<80x128xi32, #tpu.memory_space<vmem>>)
      tpu.yield
    }) : () -> ()
    %scan3A_20 = arith.constant 0 : i32
    %scan3A_21 = arith.constant 0 : i32
    %scan3A_22 = arith.constant 80 : i32
    %scan3A_23 = arith.addi %scan3A_21, %scan3A_22 : i32
    %scan3A_24 = arith.constant 1 : i32
    scf.for %scan3A_27 = %scan3A_21 to %scan3A_23 step %scan3A_24  : i32 {
      "tpu.region"() ({
        %run_scoped3A = tpu.sem_alloc : memref<!tpu.dma_semaphore, #tpu.memory_space<semaphore_mem>>
        %dma_start3A = arith.constant 0 : i32
        %dma_start3A_28 = tpu.memref_slice %arg4[%scan3A_27, %dma_start3A] : memref<80x128xi32, #tpu.memory_space<vmem>> -> memref<1x128xi32, #tpu.memory_space<vmem>>
        %dma_start3A_29 = tpu.memref_squeeze %dma_start3A_28 : memref<1x128xi32, #tpu.memory_space<vmem>> -> memref<128xi32, #tpu.memory_space<vmem>>
        %dma_start3A_30 = arith.constant 0 : i32
        %dma_start3A_31 = arith.constant 0 : i32
        %dma_start3A_32 = tpu.memref_slice %arg7[%dma_start3A_30, %dma_start3A_31] : memref<10112x16xf32, #tpu.memory_space<vmem_shared>> -> memref<10112x16xf32, #tpu.memory_space<vmem_shared>>
        tpu.enqueue_indirect_dma source(%arg5 : memref<128x16xf32, #tpu.memory_space<vmem>>) target(%dma_start3A_32 : memref<10112x16xf32, #tpu.memory_space<vmem_shared>>) offsets(%dma_start3A_29 : memref<128xi32, #tpu.memory_space<vmem>>) semaphore(%run_scoped3A : memref<!tpu.dma_semaphore, #tpu.memory_space<semaphore_mem>>) {add = true}
        %dma_wait3A = arith.constant 0 : i32
        %dma_wait3A_33 = tpu.memref_slice %arg4[%scan3A_27, %dma_wait3A] : memref<80x128xi32, #tpu.memory_space<vmem>> -> memref<1x128xi32, #tpu.memory_space<vmem>>
        %dma_wait3A_34 = tpu.memref_squeeze %dma_wait3A_33 : memref<1x128xi32, #tpu.memory_space<vmem>> -> memref<128xi32, #tpu.memory_space<vmem>>
        %dma_wait3A_35 = arith.constant 0 : i32
        %dma_wait3A_36 = arith.constant 0 : i32
        %dma_wait3A_37 = tpu.memref_slice %arg7[%dma_wait3A_35, %dma_wait3A_36] : memref<10112x16xf32, #tpu.memory_space<vmem_shared>> -> memref<10112x16xf32, #tpu.memory_space<vmem_shared>>
        tpu.wait_indirect_dma semaphore(%run_scoped3A : memref<!tpu.dma_semaphore, #tpu.memory_space<semaphore_mem>>) src(%arg5 : memref<128x16xf32, #tpu.memory_space<vmem>>) dst(%dma_wait3A_37 : memref<10112x16xf32, #tpu.memory_space<vmem_shared>>)
        tpu.yield
      }) : () -> ()
    }
    %scan3A_25 = arith.constant 80 : i32
    %barrier3A_26 = arith.constant 0 : index
    tpu.barrier barrier_id(%barrier3A_26)
    "tpu.region"() ({
      %run_scoped3A = tpu.sem_alloc : memref<!tpu.dma_semaphore, #tpu.memory_space<semaphore_mem>>
      %dma_start3A = arith.constant 0 : i32
      %dma_start3A_27 = arith.constant 0 : i32
      %dma_start3A_28 = arith.constant 0 : i32
      %dma_start3A_29 = tpu.memref_slice %arg3[%arg0, %dma_start3A, %dma_start3A_27, %dma_start3A_28] : memref<2x16x632x16xf32, #tpu.memory_space<hbm>> -> memref<1x16x632x16xf32, #tpu.memory_space<hbm>>
      %dma_start3A_30 = tpu.memref_squeeze %dma_start3A_29 : memref<1x16x632x16xf32, #tpu.memory_space<hbm>> -> memref<16x632x16xf32, #tpu.memory_space<hbm>>
      %dma_start3A_31 = arith.constant 0 : i32
      %dma_start3A_32 = arith.constant 0 : i32
      %dma_start3A_33 = tpu.memref_slice %dma_start3A_30[%arg1, %dma_start3A_31, %dma_start3A_32] : memref<16x632x16xf32, #tpu.memory_space<hbm>> -> memref<1x632x16xf32, #tpu.memory_space<hbm>>
      %dma_start3A_34 = tpu.memref_squeeze %dma_start3A_33 : memref<1x632x16xf32, #tpu.memory_space<hbm>> -> memref<632x16xf32, #tpu.memory_space<hbm>>
      %dma_start3A_35 = arith.constant 0 : i32
      %dma_start3A_36 = tpu.memref_slice %arg7[%mul3A_7, %dma_start3A_35] : memref<10112x16xf32, #tpu.memory_space<vmem_shared>> -> memref<632x16xf32, #tpu.memory_space<vmem_shared>>
      tpu.enqueue_dma source(%dma_start3A_36 : memref<632x16xf32, #tpu.memory_space<vmem_shared>>) target(%dma_start3A_34 : memref<632x16xf32, #tpu.memory_space<hbm>>) target_semaphore(%run_scoped3A : memref<!tpu.dma_semaphore, #tpu.memory_space<semaphore_mem>>)
      %dma_wait3A = arith.constant 0 : i32
      %dma_wait3A_37 = arith.constant 0 : i32
      %dma_wait3A_38 = arith.constant 0 : i32
      %dma_wait3A_39 = tpu.memref_slice %arg3[%arg0, %dma_wait3A, %dma_wait3A_37, %dma_wait3A_38] : memref<2x16x632x16xf32, #tpu.memory_space<hbm>> -> memref<1x16x632x16xf32, #tpu.memory_space<hbm>>
      %dma_wait3A_40 = tpu.memref_squeeze %dma_wait3A_39 : memref<1x16x632x16xf32, #tpu.memory_space<hbm>> -> memref<16x632x16xf32, #tpu.memory_space<hbm>>
      %dma_wait3A_41 = arith.constant 0 : i32
      %dma_wait3A_42 = arith.constant 0 : i32
      %dma_wait3A_43 = tpu.memref_slice %dma_wait3A_40[%arg1, %dma_wait3A_41, %dma_wait3A_42] : memref<16x632x16xf32, #tpu.memory_space<hbm>> -> memref<1x632x16xf32, #tpu.memory_space<hbm>>
      %dma_wait3A_44 = tpu.memref_squeeze %dma_wait3A_43 : memref<1x632x16xf32, #tpu.memory_space<hbm>> -> memref<632x16xf32, #tpu.memory_space<hbm>>
      %dma_wait3A_45 = arith.constant 0 : i32
      %dma_wait3A_46 = tpu.memref_slice %arg7[%mul3A_7, %dma_wait3A_45] : memref<10112x16xf32, #tpu.memory_space<vmem_shared>> -> memref<632x16xf32, #tpu.memory_space<vmem_shared>>
      tpu.wait_dma2 semaphore(%run_scoped3A : memref<!tpu.dma_semaphore, #tpu.memory_space<semaphore_mem>>) src(%dma_wait3A_46 : memref<632x16xf32, #tpu.memory_space<vmem_shared>>) dst(%dma_wait3A_44 : memref<632x16xf32, #tpu.memory_space<hbm>>)
      tpu.yield
    }) : () -> ()
    return
  }
}

#map = affine_map<(d0, d1) -> (0, 0)>
#map1 = affine_map<(d0, d1) -> (0, 0, 0, 0)>
module attributes {stable_mosaic.version = 14 : i64} {
  func.func @agg_kernel(%arg0: i32, %arg1: i32, %arg2: memref<2560x128xi32, #tpu.memory_space<hbm>>, %arg3: memref<2560x128xi32, #tpu.memory_space<hbm>>, %arg4: memref<10000x64xf32, #tpu.memory_space<hbm>>, %arg5: memref<2x16x632x64xf32, #tpu.memory_space<hbm>>, %arg6: memref<80x128xi32, #tpu.memory_space<vmem>>, %arg7: memref<80x128xi32, #tpu.memory_space<vmem>>, %arg8: memref<2x128x64xf32, #tpu.memory_space<vmem>>, %arg9: memref<10112x64xf32, #tpu.memory_space<vmem_shared>>, %arg10: memref<10112x64xf32, #tpu.memory_space<vmem_shared>>, %arg11: memref<!tpu.dma_semaphore, #tpu.memory_space<semaphore_mem>>, %arg12: memref<!tpu.dma_semaphore, #tpu.memory_space<semaphore_mem>>) attributes {dimension_semantics = [#tpu.dimension_semantics<core_parallel>, #tpu.dimension_semantics<subcore_parallel>], iteration_bounds = array<i64: 2, 16>, scalar_prefetch = 0 : i64, scratch_operands = 7 : i64, tpu.core_type = #tpu.core_type<sc_vector_subcore>, window_params = [{transform_indices = #map}, {transform_indices = #map}, {transform_indices = #map}, {transform_indices = #map1}]} {
    %mul3A = arith.constant 2 : i32
    %mul3A_0 = arith.muli %arg1, %mul3A : i32
    %add3A = arith.addi %mul3A_0, %arg0 : i32
    %scan3A = arith.constant 0 : i32
    %scan3A_1 = arith.constant 0 : i32
    %scan3A_2 = arith.constant 128 : i32
    %scan3A_3 = arith.addi %scan3A_1, %scan3A_2 : i32
    %scan3A_4 = arith.constant 1 : i32
    scf.for %scan3A_100 = %scan3A_1 to %scan3A_3 step %scan3A_4  : i32 {
      %broadcast_in_dim3A = arith.constant 0.000000e+00 : f32
      %broadcast_in_dim3A_101 = vector.broadcast %broadcast_in_dim3A : f32 to vector<16xf32>
      %swap3A = arith.constant 0 : i32
      %swap3A_102 = arith.index_cast %swap3A : i32 to index
      %swap3A_103 = arith.index_cast %scan3A_100 : i32 to index
      %swap3A_104 = arith.constant 0 : index
      %swap3A_105 = tpu.vector_load %arg8[%swap3A_102, %swap3A_103, %swap3A_104] {strides = array<i32>} : memref<2x128x64xf32, #tpu.memory_space<vmem>>, vector<1x1x16xf32>,
      %swap3A_106 = vector.shape_cast %swap3A_105 : vector<1x1x16xf32> to vector<16xf32>
      %swap3A_107 = vector.shape_cast %broadcast_in_dim3A_101 : vector<16xf32> to vector<1x1x16xf32>
      tpu.vector_store %arg8[%swap3A_102, %swap3A_103, %swap3A_104], %swap3A_107 {strides = array<i32>} : memref<2x128x64xf32, #tpu.memory_space<vmem>>, vector<1x1x16xf32>,
      %broadcast_in_dim3A_108 = arith.constant 0.000000e+00 : f32
      %broadcast_in_dim3A_109 = vector.broadcast %broadcast_in_dim3A_108 : f32 to vector<16xf32>
      %swap3A_110 = arith.constant 0 : i32
      %swap3A_111 = arith.index_cast %swap3A_110 : i32 to index
      %swap3A_112 = arith.index_cast %scan3A_100 : i32 to index
      %swap3A_113 = arith.constant 16 : index
      %swap3A_114 = tpu.vector_load %arg8[%swap3A_111, %swap3A_112, %swap3A_113] {strides = array<i32>} : memref<2x128x64xf32, #tpu.memory_space<vmem>>, vector<1x1x16xf32>,
      %swap3A_115 = vector.shape_cast %swap3A_114 : vector<1x1x16xf32> to vector<16xf32>
      %swap3A_116 = vector.shape_cast %broadcast_in_dim3A_109 : vector<16xf32> to vector<1x1x16xf32>
      tpu.vector_store %arg8[%swap3A_111, %swap3A_112, %swap3A_113], %swap3A_116 {strides = array<i32>} : memref<2x128x64xf32, #tpu.memory_space<vmem>>, vector<1x1x16xf32>,
      %broadcast_in_dim3A_117 = arith.constant 0.000000e+00 : f32
      %broadcast_in_dim3A_118 = vector.broadcast %broadcast_in_dim3A_117 : f32 to vector<16xf32>
      %swap3A_119 = arith.constant 0 : i32
      %swap3A_120 = arith.index_cast %swap3A_119 : i32 to index
      %swap3A_121 = arith.index_cast %scan3A_100 : i32 to index
      %swap3A_122 = arith.constant 32 : index
      %swap3A_123 = tpu.vector_load %arg8[%swap3A_120, %swap3A_121, %swap3A_122] {strides = array<i32>} : memref<2x128x64xf32, #tpu.memory_space<vmem>>, vector<1x1x16xf32>,
      %swap3A_124 = vector.shape_cast %swap3A_123 : vector<1x1x16xf32> to vector<16xf32>
      %swap3A_125 = vector.shape_cast %broadcast_in_dim3A_118 : vector<16xf32> to vector<1x1x16xf32>
      tpu.vector_store %arg8[%swap3A_120, %swap3A_121, %swap3A_122], %swap3A_125 {strides = array<i32>} : memref<2x128x64xf32, #tpu.memory_space<vmem>>, vector<1x1x16xf32>,
      %broadcast_in_dim3A_126 = arith.constant 0.000000e+00 : f32
      %broadcast_in_dim3A_127 = vector.broadcast %broadcast_in_dim3A_126 : f32 to vector<16xf32>
      %swap3A_128 = arith.constant 0 : i32
      %swap3A_129 = arith.index_cast %swap3A_128 : i32 to index
      %swap3A_130 = arith.index_cast %scan3A_100 : i32 to index
      %swap3A_131 = arith.constant 48 : index
      %swap3A_132 = tpu.vector_load %arg8[%swap3A_129, %swap3A_130, %swap3A_131] {strides = array<i32>} : memref<2x128x64xf32, #tpu.memory_space<vmem>>, vector<1x1x16xf32>,
      %swap3A_133 = vector.shape_cast %swap3A_132 : vector<1x1x16xf32> to vector<16xf32>
      %swap3A_134 = vector.shape_cast %broadcast_in_dim3A_127 : vector<16xf32> to vector<1x1x16xf32>
      tpu.vector_store %arg8[%swap3A_129, %swap3A_130, %swap3A_131], %swap3A_134 {strides = array<i32>} : memref<2x128x64xf32, #tpu.memory_space<vmem>>, vector<1x1x16xf32>,
    }
    %scan3A_5 = arith.constant 128 : i32
    %mul3A_6 = arith.constant 632 : i32
    %mul3A_7 = arith.muli %arg1, %mul3A_6 : i32
    %add3A_8 = arith.constant 0 : i32
    %add3A_9 = arith.addi %mul3A_7, %add3A_8 : i32
    %run_scoped3A = arith.constant 0 : i32
    "tpu.region"() ({
      %run_scoped3A_100 = tpu.sem_alloc : memref<!tpu.dma_semaphore, #tpu.memory_space<semaphore_mem>>
      %dma_start3A_101 = arith.constant 0 : i32
      %dma_start3A_102 = arith.constant 0 : i32
      %dma_start3A_103 = tpu.memref_slice %arg8[%run_scoped3A, %dma_start3A_101, %dma_start3A_102] : memref<2x128x64xf32, #tpu.memory_space<vmem>> -> memref<1x128x64xf32, #tpu.memory_space<vmem>>
      %dma_start3A_104 = tpu.memref_squeeze %dma_start3A_103 : memref<1x128x64xf32, #tpu.memory_space<vmem>> -> memref<128x64xf32, #tpu.memory_space<vmem>>
      %dma_start3A_105 = arith.constant 0 : i32
      %dma_start3A_106 = tpu.memref_slice %arg9[%add3A_9, %dma_start3A_105] : memref<10112x64xf32, #tpu.memory_space<vmem_shared>> -> memref<128x64xf32, #tpu.memory_space<vmem_shared>>
      %dma_start3A_107 = arith.constant 0 : i32
      %dma_start3A_108 = tpu.memref_slice %arg9[%add3A_9, %dma_start3A_107] : memref<10112x64xf32, #tpu.memory_space<vmem_shared>> -> memref<128x64xf32, #tpu.memory_space<vmem_shared>>
      %dma_start3A_109 = arith.constant 0 : i32
      %dma_start3A_110 = arith.constant 0 : i32
      %dma_start3A_111 = tpu.memref_slice %arg8[%run_scoped3A, %dma_start3A_109, %dma_start3A_110] : memref<2x128x64xf32, #tpu.memory_space<vmem>> -> memref<1x128x64xf32, #tpu.memory_space<vmem>>
      %dma_start3A_112 = tpu.memref_squeeze %dma_start3A_111 : memref<1x128x64xf32, #tpu.memory_space<vmem>> -> memref<128x64xf32, #tpu.memory_space<vmem>>
      tpu.enqueue_dma source(%dma_start3A_112 : memref<128x64xf32, #tpu.memory_space<vmem>>) target(%dma_start3A_108 : memref<128x64xf32, #tpu.memory_space<vmem_shared>>) target_semaphore(%run_scoped3A_100 : memref<!tpu.dma_semaphore, #tpu.memory_space<semaphore_mem>>)
      %dma_wait3A = arith.constant 0 : i32
      %dma_wait3A_113 = arith.constant 0 : i32
      %dma_wait3A_114 = tpu.memref_slice %arg8[%run_scoped3A, %dma_wait3A, %dma_wait3A_113] : memref<2x128x64xf32, #tpu.memory_space<vmem>> -> memref<1x128x64xf32, #tpu.memory_space<vmem>>
      %dma_wait3A_115 = tpu.memref_squeeze %dma_wait3A_114 : memref<1x128x64xf32, #tpu.memory_space<vmem>> -> memref<128x64xf32, #tpu.memory_space<vmem>>
      %dma_wait3A_116 = arith.constant 0 : i32
      %dma_wait3A_117 = tpu.memref_slice %arg9[%add3A_9, %dma_wait3A_116] : memref<10112x64xf32, #tpu.memory_space<vmem_shared>> -> memref<128x64xf32, #tpu.memory_space<vmem_shared>>
      %dma_wait3A_118 = arith.constant 0 : i32
      %dma_wait3A_119 = tpu.memref_slice %arg9[%add3A_9, %dma_wait3A_118] : memref<10112x64xf32, #tpu.memory_space<vmem_shared>> -> memref<128x64xf32, #tpu.memory_space<vmem_shared>>
      %dma_wait3A_120 = arith.constant 0 : i32
      %dma_wait3A_121 = arith.constant 0 : i32
      %dma_wait3A_122 = tpu.memref_slice %arg8[%run_scoped3A, %dma_wait3A_120, %dma_wait3A_121] : memref<2x128x64xf32, #tpu.memory_space<vmem>> -> memref<1x128x64xf32, #tpu.memory_space<vmem>>
      %dma_wait3A_123 = tpu.memref_squeeze %dma_wait3A_122 : memref<1x128x64xf32, #tpu.memory_space<vmem>> -> memref<128x64xf32, #tpu.memory_space<vmem>>
      tpu.wait_dma2 semaphore(%run_scoped3A_100 : memref<!tpu.dma_semaphore, #tpu.memory_space<semaphore_mem>>) src(%dma_wait3A_123 : memref<128x64xf32, #tpu.memory_space<vmem>>) dst(%dma_wait3A_119 : memref<128x64xf32, #tpu.memory_space<vmem_shared>>)
      tpu.yield
    }) : () -> ()
    %add3A_10 = arith.constant 128 : i32
    %add3A_11 = arith.addi %mul3A_7, %add3A_10 : i32
    %run_scoped3A_12 = arith.constant 0 : i32
    "tpu.region"() ({
      %run_scoped3A_100 = tpu.sem_alloc : memref<!tpu.dma_semaphore, #tpu.memory_space<semaphore_mem>>
      %dma_start3A_101 = arith.constant 0 : i32
      %dma_start3A_102 = arith.constant 0 : i32
      %dma_start3A_103 = tpu.memref_slice %arg8[%run_scoped3A_12, %dma_start3A_101, %dma_start3A_102] : memref<2x128x64xf32, #tpu.memory_space<vmem>> -> memref<1x128x64xf32, #tpu.memory_space<vmem>>
      %dma_start3A_104 = tpu.memref_squeeze %dma_start3A_103 : memref<1x128x64xf32, #tpu.memory_space<vmem>> -> memref<128x64xf32, #tpu.memory_space<vmem>>
      %dma_start3A_105 = arith.constant 0 : i32
      %dma_start3A_106 = tpu.memref_slice %arg9[%add3A_11, %dma_start3A_105] : memref<10112x64xf32, #tpu.memory_space<vmem_shared>> -> memref<128x64xf32, #tpu.memory_space<vmem_shared>>
      %dma_start3A_107 = arith.constant 0 : i32
      %dma_start3A_108 = tpu.memref_slice %arg9[%add3A_11, %dma_start3A_107] : memref<10112x64xf32, #tpu.memory_space<vmem_shared>> -> memref<128x64xf32, #tpu.memory_space<vmem_shared>>
      %dma_start3A_109 = arith.constant 0 : i32
      %dma_start3A_110 = arith.constant 0 : i32
      %dma_start3A_111 = tpu.memref_slice %arg8[%run_scoped3A_12, %dma_start3A_109, %dma_start3A_110] : memref<2x128x64xf32, #tpu.memory_space<vmem>> -> memref<1x128x64xf32, #tpu.memory_space<vmem>>
      %dma_start3A_112 = tpu.memref_squeeze %dma_start3A_111 : memref<1x128x64xf32, #tpu.memory_space<vmem>> -> memref<128x64xf32, #tpu.memory_space<vmem>>
      tpu.enqueue_dma source(%dma_start3A_112 : memref<128x64xf32, #tpu.memory_space<vmem>>) target(%dma_start3A_108 : memref<128x64xf32, #tpu.memory_space<vmem_shared>>) target_semaphore(%run_scoped3A_100 : memref<!tpu.dma_semaphore, #tpu.memory_space<semaphore_mem>>)
      %dma_wait3A = arith.constant 0 : i32
      %dma_wait3A_113 = arith.constant 0 : i32
      %dma_wait3A_114 = tpu.memref_slice %arg8[%run_scoped3A_12, %dma_wait3A, %dma_wait3A_113] : memref<2x128x64xf32, #tpu.memory_space<vmem>> -> memref<1x128x64xf32, #tpu.memory_space<vmem>>
      %dma_wait3A_115 = tpu.memref_squeeze %dma_wait3A_114 : memref<1x128x64xf32, #tpu.memory_space<vmem>> -> memref<128x64xf32, #tpu.memory_space<vmem>>
      %dma_wait3A_116 = arith.constant 0 : i32
      %dma_wait3A_117 = tpu.memref_slice %arg9[%add3A_11, %dma_wait3A_116] : memref<10112x64xf32, #tpu.memory_space<vmem_shared>> -> memref<128x64xf32, #tpu.memory_space<vmem_shared>>
      %dma_wait3A_118 = arith.constant 0 : i32
      %dma_wait3A_119 = tpu.memref_slice %arg9[%add3A_11, %dma_wait3A_118] : memref<10112x64xf32, #tpu.memory_space<vmem_shared>> -> memref<128x64xf32, #tpu.memory_space<vmem_shared>>
      %dma_wait3A_120 = arith.constant 0 : i32
      %dma_wait3A_121 = arith.constant 0 : i32
      %dma_wait3A_122 = tpu.memref_slice %arg8[%run_scoped3A_12, %dma_wait3A_120, %dma_wait3A_121] : memref<2x128x64xf32, #tpu.memory_space<vmem>> -> memref<1x128x64xf32, #tpu.memory_space<vmem>>
      %dma_wait3A_123 = tpu.memref_squeeze %dma_wait3A_122 : memref<1x128x64xf32, #tpu.memory_space<vmem>> -> memref<128x64xf32, #tpu.memory_space<vmem>>
      tpu.wait_dma2 semaphore(%run_scoped3A_100 : memref<!tpu.dma_semaphore, #tpu.memory_space<semaphore_mem>>) src(%dma_wait3A_123 : memref<128x64xf32, #tpu.memory_space<vmem>>) dst(%dma_wait3A_119 : memref<128x64xf32, #tpu.memory_space<vmem_shared>>)
      tpu.yield
    }) : () -> ()
    %add3A_13 = arith.constant 256 : i32
    %add3A_14 = arith.addi %mul3A_7, %add3A_13 : i32
    %run_scoped3A_15 = arith.constant 0 : i32
    "tpu.region"() ({
      %run_scoped3A_100 = tpu.sem_alloc : memref<!tpu.dma_semaphore, #tpu.memory_space<semaphore_mem>>
      %dma_start3A_101 = arith.constant 0 : i32
      %dma_start3A_102 = arith.constant 0 : i32
      %dma_start3A_103 = tpu.memref_slice %arg8[%run_scoped3A_15, %dma_start3A_101, %dma_start3A_102] : memref<2x128x64xf32, #tpu.memory_space<vmem>> -> memref<1x128x64xf32, #tpu.memory_space<vmem>>
      %dma_start3A_104 = tpu.memref_squeeze %dma_start3A_103 : memref<1x128x64xf32, #tpu.memory_space<vmem>> -> memref<128x64xf32, #tpu.memory_space<vmem>>
      %dma_start3A_105 = arith.constant 0 : i32
      %dma_start3A_106 = tpu.memref_slice %arg9[%add3A_14, %dma_start3A_105] : memref<10112x64xf32, #tpu.memory_space<vmem_shared>> -> memref<128x64xf32, #tpu.memory_space<vmem_shared>>
      %dma_start3A_107 = arith.constant 0 : i32
      %dma_start3A_108 = tpu.memref_slice %arg9[%add3A_14, %dma_start3A_107] : memref<10112x64xf32, #tpu.memory_space<vmem_shared>> -> memref<128x64xf32, #tpu.memory_space<vmem_shared>>
      %dma_start3A_109 = arith.constant 0 : i32
      %dma_start3A_110 = arith.constant 0 : i32
      %dma_start3A_111 = tpu.memref_slice %arg8[%run_scoped3A_15, %dma_start3A_109, %dma_start3A_110] : memref<2x128x64xf32, #tpu.memory_space<vmem>> -> memref<1x128x64xf32, #tpu.memory_space<vmem>>
      %dma_start3A_112 = tpu.memref_squeeze %dma_start3A_111 : memref<1x128x64xf32, #tpu.memory_space<vmem>> -> memref<128x64xf32, #tpu.memory_space<vmem>>
      tpu.enqueue_dma source(%dma_start3A_112 : memref<128x64xf32, #tpu.memory_space<vmem>>) target(%dma_start3A_108 : memref<128x64xf32, #tpu.memory_space<vmem_shared>>) target_semaphore(%run_scoped3A_100 : memref<!tpu.dma_semaphore, #tpu.memory_space<semaphore_mem>>)
      %dma_wait3A = arith.constant 0 : i32
      %dma_wait3A_113 = arith.constant 0 : i32
      %dma_wait3A_114 = tpu.memref_slice %arg8[%run_scoped3A_15, %dma_wait3A, %dma_wait3A_113] : memref<2x128x64xf32, #tpu.memory_space<vmem>> -> memref<1x128x64xf32, #tpu.memory_space<vmem>>
      %dma_wait3A_115 = tpu.memref_squeeze %dma_wait3A_114 : memref<1x128x64xf32, #tpu.memory_space<vmem>> -> memref<128x64xf32, #tpu.memory_space<vmem>>
      %dma_wait3A_116 = arith.constant 0 : i32
      %dma_wait3A_117 = tpu.memref_slice %arg9[%add3A_14, %dma_wait3A_116] : memref<10112x64xf32, #tpu.memory_space<vmem_shared>> -> memref<128x64xf32, #tpu.memory_space<vmem_shared>>
      %dma_wait3A_118 = arith.constant 0 : i32
      %dma_wait3A_119 = tpu.memref_slice %arg9[%add3A_14, %dma_wait3A_118] : memref<10112x64xf32, #tpu.memory_space<vmem_shared>> -> memref<128x64xf32, #tpu.memory_space<vmem_shared>>
      %dma_wait3A_120 = arith.constant 0 : i32
      %dma_wait3A_121 = arith.constant 0 : i32
      %dma_wait3A_122 = tpu.memref_slice %arg8[%run_scoped3A_15, %dma_wait3A_120, %dma_wait3A_121] : memref<2x128x64xf32, #tpu.memory_space<vmem>> -> memref<1x128x64xf32, #tpu.memory_space<vmem>>
      %dma_wait3A_123 = tpu.memref_squeeze %dma_wait3A_122 : memref<1x128x64xf32, #tpu.memory_space<vmem>> -> memref<128x64xf32, #tpu.memory_space<vmem>>
      tpu.wait_dma2 semaphore(%run_scoped3A_100 : memref<!tpu.dma_semaphore, #tpu.memory_space<semaphore_mem>>) src(%dma_wait3A_123 : memref<128x64xf32, #tpu.memory_space<vmem>>) dst(%dma_wait3A_119 : memref<128x64xf32, #tpu.memory_space<vmem_shared>>)
      tpu.yield
    }) : () -> ()
    %add3A_16 = arith.constant 384 : i32
    %add3A_17 = arith.addi %mul3A_7, %add3A_16 : i32
    %run_scoped3A_18 = arith.constant 0 : i32
    "tpu.region"() ({
      %run_scoped3A_100 = tpu.sem_alloc : memref<!tpu.dma_semaphore, #tpu.memory_space<semaphore_mem>>
      %dma_start3A_101 = arith.constant 0 : i32
      %dma_start3A_102 = arith.constant 0 : i32
      %dma_start3A_103 = tpu.memref_slice %arg8[%run_scoped3A_18, %dma_start3A_101, %dma_start3A_102] : memref<2x128x64xf32, #tpu.memory_space<vmem>> -> memref<1x128x64xf32, #tpu.memory_space<vmem>>
      %dma_start3A_104 = tpu.memref_squeeze %dma_start3A_103 : memref<1x128x64xf32, #tpu.memory_space<vmem>> -> memref<128x64xf32, #tpu.memory_space<vmem>>
      %dma_start3A_105 = arith.constant 0 : i32
      %dma_start3A_106 = tpu.memref_slice %arg9[%add3A_17, %dma_start3A_105] : memref<10112x64xf32, #tpu.memory_space<vmem_shared>> -> memref<128x64xf32, #tpu.memory_space<vmem_shared>>
      %dma_start3A_107 = arith.constant 0 : i32
      %dma_start3A_108 = tpu.memref_slice %arg9[%add3A_17, %dma_start3A_107] : memref<10112x64xf32, #tpu.memory_space<vmem_shared>> -> memref<128x64xf32, #tpu.memory_space<vmem_shared>>
      %dma_start3A_109 = arith.constant 0 : i32
      %dma_start3A_110 = arith.constant 0 : i32
      %dma_start3A_111 = tpu.memref_slice %arg8[%run_scoped3A_18, %dma_start3A_109, %dma_start3A_110] : memref<2x128x64xf32, #tpu.memory_space<vmem>> -> memref<1x128x64xf32, #tpu.memory_space<vmem>>
      %dma_start3A_112 = tpu.memref_squeeze %dma_start3A_111 : memref<1x128x64xf32, #tpu.memory_space<vmem>> -> memref<128x64xf32, #tpu.memory_space<vmem>>
      tpu.enqueue_dma source(%dma_start3A_112 : memref<128x64xf32, #tpu.memory_space<vmem>>) target(%dma_start3A_108 : memref<128x64xf32, #tpu.memory_space<vmem_shared>>) target_semaphore(%run_scoped3A_100 : memref<!tpu.dma_semaphore, #tpu.memory_space<semaphore_mem>>)
      %dma_wait3A = arith.constant 0 : i32
      %dma_wait3A_113 = arith.constant 0 : i32
      %dma_wait3A_114 = tpu.memref_slice %arg8[%run_scoped3A_18, %dma_wait3A, %dma_wait3A_113] : memref<2x128x64xf32, #tpu.memory_space<vmem>> -> memref<1x128x64xf32, #tpu.memory_space<vmem>>
      %dma_wait3A_115 = tpu.memref_squeeze %dma_wait3A_114 : memref<1x128x64xf32, #tpu.memory_space<vmem>> -> memref<128x64xf32, #tpu.memory_space<vmem>>
      %dma_wait3A_116 = arith.constant 0 : i32
      %dma_wait3A_117 = tpu.memref_slice %arg9[%add3A_17, %dma_wait3A_116] : memref<10112x64xf32, #tpu.memory_space<vmem_shared>> -> memref<128x64xf32, #tpu.memory_space<vmem_shared>>
      %dma_wait3A_118 = arith.constant 0 : i32
      %dma_wait3A_119 = tpu.memref_slice %arg9[%add3A_17, %dma_wait3A_118] : memref<10112x64xf32, #tpu.memory_space<vmem_shared>> -> memref<128x64xf32, #tpu.memory_space<vmem_shared>>
      %dma_wait3A_120 = arith.constant 0 : i32
      %dma_wait3A_121 = arith.constant 0 : i32
      %dma_wait3A_122 = tpu.memref_slice %arg8[%run_scoped3A_18, %dma_wait3A_120, %dma_wait3A_121] : memref<2x128x64xf32, #tpu.memory_space<vmem>> -> memref<1x128x64xf32, #tpu.memory_space<vmem>>
      %dma_wait3A_123 = tpu.memref_squeeze %dma_wait3A_122 : memref<1x128x64xf32, #tpu.memory_space<vmem>> -> memref<128x64xf32, #tpu.memory_space<vmem>>
      tpu.wait_dma2 semaphore(%run_scoped3A_100 : memref<!tpu.dma_semaphore, #tpu.memory_space<semaphore_mem>>) src(%dma_wait3A_123 : memref<128x64xf32, #tpu.memory_space<vmem>>) dst(%dma_wait3A_119 : memref<128x64xf32, #tpu.memory_space<vmem_shared>>)
      tpu.yield
    }) : () -> ()
    %add3A_19 = arith.constant 512 : i32
    %add3A_20 = arith.addi %mul3A_7, %add3A_19 : i32
    %run_scoped3A_21 = arith.constant 0 : i32
    "tpu.region"() ({
      %run_scoped3A_100 = tpu.sem_alloc : memref<!tpu.dma_semaphore, #tpu.memory_space<semaphore_mem>>
      %dma_start3A_101 = arith.constant 0 : i32
      %dma_start3A_102 = arith.constant 0 : i32
      %dma_start3A_103 = tpu.memref_slice %arg8[%run_scoped3A_21, %dma_start3A_101, %dma_start3A_102] : memref<2x128x64xf32, #tpu.memory_space<vmem>> -> memref<1x128x64xf32, #tpu.memory_space<vmem>>
      %dma_start3A_104 = tpu.memref_squeeze %dma_start3A_103 : memref<1x128x64xf32, #tpu.memory_space<vmem>> -> memref<128x64xf32, #tpu.memory_space<vmem>>
      %dma_start3A_105 = arith.constant 0 : i32
      %dma_start3A_106 = arith.constant 0 : i32
      %dma_start3A_107 = tpu.memref_slice %dma_start3A_104[%dma_start3A_105, %dma_start3A_106] : memref<128x64xf32, #tpu.memory_space<vmem>> -> memref<120x64xf32, #tpu.memory_space<vmem>>
      %dma_start3A_108 = arith.constant 0 : i32
      %dma_start3A_109 = tpu.memref_slice %arg9[%add3A_20, %dma_start3A_108] : memref<10112x64xf32, #tpu.memory_space<vmem_shared>> -> memref<120x64xf32, #tpu.memory_space<vmem_shared>>
      %dma_start3A_110 = arith.constant 0 : i32
      %dma_start3A_111 = tpu.memref_slice %arg9[%add3A_20, %dma_start3A_110] : memref<10112x64xf32, #tpu.memory_space<vmem_shared>> -> memref<120x64xf32, #tpu.memory_space<vmem_shared>>
      %dma_start3A_112 = arith.constant 0 : i32
      %dma_start3A_113 = arith.constant 0 : i32
      %dma_start3A_114 = tpu.memref_slice %arg8[%run_scoped3A_21, %dma_start3A_112, %dma_start3A_113] : memref<2x128x64xf32, #tpu.memory_space<vmem>> -> memref<1x128x64xf32, #tpu.memory_space<vmem>>
      %dma_start3A_115 = tpu.memref_squeeze %dma_start3A_114 : memref<1x128x64xf32, #tpu.memory_space<vmem>> -> memref<128x64xf32, #tpu.memory_space<vmem>>
      %dma_start3A_116 = arith.constant 0 : i32
      %dma_start3A_117 = arith.constant 0 : i32
      %dma_start3A_118 = tpu.memref_slice %dma_start3A_115[%dma_start3A_116, %dma_start3A_117] : memref<128x64xf32, #tpu.memory_space<vmem>> -> memref<120x64xf32, #tpu.memory_space<vmem>>
      tpu.enqueue_dma source(%dma_start3A_118 : memref<120x64xf32, #tpu.memory_space<vmem>>) target(%dma_start3A_111 : memref<120x64xf32, #tpu.memory_space<vmem_shared>>) target_semaphore(%run_scoped3A_100 : memref<!tpu.dma_semaphore, #tpu.memory_space<semaphore_mem>>)
      %dma_wait3A = arith.constant 0 : i32
      %dma_wait3A_119 = arith.constant 0 : i32
      %dma_wait3A_120 = tpu.memref_slice %arg8[%run_scoped3A_21, %dma_wait3A, %dma_wait3A_119] : memref<2x128x64xf32, #tpu.memory_space<vmem>> -> memref<1x128x64xf32, #tpu.memory_space<vmem>>
      %dma_wait3A_121 = tpu.memref_squeeze %dma_wait3A_120 : memref<1x128x64xf32, #tpu.memory_space<vmem>> -> memref<128x64xf32, #tpu.memory_space<vmem>>
      %dma_wait3A_122 = arith.constant 0 : i32
      %dma_wait3A_123 = arith.constant 0 : i32
      %dma_wait3A_124 = tpu.memref_slice %dma_wait3A_121[%dma_wait3A_122, %dma_wait3A_123] : memref<128x64xf32, #tpu.memory_space<vmem>> -> memref<120x64xf32, #tpu.memory_space<vmem>>
      %dma_wait3A_125 = arith.constant 0 : i32
      %dma_wait3A_126 = tpu.memref_slice %arg9[%add3A_20, %dma_wait3A_125] : memref<10112x64xf32, #tpu.memory_space<vmem_shared>> -> memref<120x64xf32, #tpu.memory_space<vmem_shared>>
      %dma_wait3A_127 = arith.constant 0 : i32
      %dma_wait3A_128 = tpu.memref_slice %arg9[%add3A_20, %dma_wait3A_127] : memref<10112x64xf32, #tpu.memory_space<vmem_shared>> -> memref<120x64xf32, #tpu.memory_space<vmem_shared>>
      %dma_wait3A_129 = arith.constant 0 : i32
      %dma_wait3A_130 = arith.constant 0 : i32
      %dma_wait3A_131 = tpu.memref_slice %arg8[%run_scoped3A_21, %dma_wait3A_129, %dma_wait3A_130] : memref<2x128x64xf32, #tpu.memory_space<vmem>> -> memref<1x128x64xf32, #tpu.memory_space<vmem>>
      %dma_wait3A_132 = tpu.memref_squeeze %dma_wait3A_131 : memref<1x128x64xf32, #tpu.memory_space<vmem>> -> memref<128x64xf32, #tpu.memory_space<vmem>>
      %dma_wait3A_133 = arith.constant 0 : i32
      %dma_wait3A_134 = arith.constant 0 : i32
      %dma_wait3A_135 = tpu.memref_slice %dma_wait3A_132[%dma_wait3A_133, %dma_wait3A_134] : memref<128x64xf32, #tpu.memory_space<vmem>> -> memref<120x64xf32, #tpu.memory_space<vmem>>
      tpu.wait_dma2 semaphore(%run_scoped3A_100 : memref<!tpu.dma_semaphore, #tpu.memory_space<semaphore_mem>>) src(%dma_wait3A_135 : memref<120x64xf32, #tpu.memory_space<vmem>>) dst(%dma_wait3A_128 : memref<120x64xf32, #tpu.memory_space<vmem_shared>>)
      tpu.yield
    }) : () -> ()
    %add3A_22 = arith.constant 0 : i32
    %add3A_23 = arith.addi %add3A_22, %arg1 : i32
    %lt3A = arith.constant 78 : i32
    %lt3A_24 = arith.cmpi slt, %add3A_23, %lt3A : i32
    %convert_element_type3A = arith.extui %lt3A_24 : i1 to i32
    %cond3A = arith.constant 0 : i32
    %cond3A_25 = arith.cmpi ne, %convert_element_type3A, %cond3A : i32
    scf.if %cond3A_25 {
      %mul3A_100 = arith.constant 128 : i32
      %mul3A_101 = arith.muli %add3A_23, %mul3A_100 : i32
      %mul3A_102 = arith.constant 128 : i32
      %mul3A_103 = arith.muli %add3A_23, %mul3A_102 : i32
      "tpu.region"() ({
        %run_scoped3A_104 = tpu.sem_alloc : memref<!tpu.dma_semaphore, #tpu.memory_space<semaphore_mem>>
        %dma_start3A_105 = arith.constant 0 : i32
        %dma_start3A_106 = tpu.memref_slice %arg10[%mul3A_103, %dma_start3A_105] : memref<10112x64xf32, #tpu.memory_space<vmem_shared>> -> memref<128x64xf32, #tpu.memory_space<vmem_shared>>
        %dma_start3A_107 = arith.constant 0 : i32
        %dma_start3A_108 = tpu.memref_slice %arg4[%mul3A_101, %dma_start3A_107] : memref<10000x64xf32, #tpu.memory_space<hbm>> -> memref<128x64xf32, #tpu.memory_space<hbm>>
        tpu.enqueue_dma source(%dma_start3A_108 : memref<128x64xf32, #tpu.memory_space<hbm>>) target(%dma_start3A_106 : memref<128x64xf32, #tpu.memory_space<vmem_shared>>) target_semaphore(%run_scoped3A_104 : memref<!tpu.dma_semaphore, #tpu.memory_space<semaphore_mem>>)
        %dma_wait3A = arith.constant 0 : i32
        %dma_wait3A_109 = tpu.memref_slice %arg10[%mul3A_103, %dma_wait3A] : memref<10112x64xf32, #tpu.memory_space<vmem_shared>> -> memref<128x64xf32, #tpu.memory_space<vmem_shared>>
        %dma_wait3A_110 = arith.constant 0 : i32
        %dma_wait3A_111 = tpu.memref_slice %arg4[%mul3A_101, %dma_wait3A_110] : memref<10000x64xf32, #tpu.memory_space<hbm>> -> memref<128x64xf32, #tpu.memory_space<hbm>>
        tpu.wait_dma2 semaphore(%run_scoped3A_104 : memref<!tpu.dma_semaphore, #tpu.memory_space<semaphore_mem>>) src(%dma_wait3A_111 : memref<128x64xf32, #tpu.memory_space<hbm>>) dst(%dma_wait3A_109 : memref<128x64xf32, #tpu.memory_space<vmem_shared>>)
        tpu.yield
      }) : () -> ()
    } else {
    }
    %eq3A = arith.constant 78 : i32
    %eq3A_26 = arith.cmpi eq, %add3A_23, %eq3A : i32
    %convert_element_type3A_27 = arith.extui %eq3A_26 : i1 to i32
    %cond3A_28 = arith.constant 0 : i32
    %cond3A_29 = arith.cmpi ne, %convert_element_type3A_27, %cond3A_28 : i32
    scf.if %cond3A_29 {
      "tpu.region"() ({
        %run_scoped3A_100 = tpu.sem_alloc : memref<!tpu.dma_semaphore, #tpu.memory_space<semaphore_mem>>
        %dma_start3A_101 = arith.constant 9984 : i32
        %dma_start3A_102 = arith.constant 0 : i32
        %dma_start3A_103 = tpu.memref_slice %arg10[%dma_start3A_101, %dma_start3A_102] : memref<10112x64xf32, #tpu.memory_space<vmem_shared>> -> memref<16x64xf32, #tpu.memory_space<vmem_shared>>
        %dma_start3A_104 = arith.constant 9984 : i32
        %dma_start3A_105 = arith.constant 0 : i32
        %dma_start3A_106 = tpu.memref_slice %arg4[%dma_start3A_104, %dma_start3A_105] : memref<10000x64xf32, #tpu.memory_space<hbm>> -> memref<16x64xf32, #tpu.memory_space<hbm>>
        tpu.enqueue_dma source(%dma_start3A_106 : memref<16x64xf32, #tpu.memory_space<hbm>>) target(%dma_start3A_103 : memref<16x64xf32, #tpu.memory_space<vmem_shared>>) target_semaphore(%run_scoped3A_100 : memref<!tpu.dma_semaphore, #tpu.memory_space<semaphore_mem>>)
        %dma_wait3A = arith.constant 9984 : i32
        %dma_wait3A_107 = arith.constant 0 : i32
        %dma_wait3A_108 = tpu.memref_slice %arg10[%dma_wait3A, %dma_wait3A_107] : memref<10112x64xf32, #tpu.memory_space<vmem_shared>> -> memref<16x64xf32, #tpu.memory_space<vmem_shared>>
        %dma_wait3A_109 = arith.constant 9984 : i32
        %dma_wait3A_110 = arith.constant 0 : i32
        %dma_wait3A_111 = tpu.memref_slice %arg4[%dma_wait3A_109, %dma_wait3A_110] : memref<10000x64xf32, #tpu.memory_space<hbm>> -> memref<16x64xf32, #tpu.memory_space<hbm>>
        tpu.wait_dma2 semaphore(%run_scoped3A_100 : memref<!tpu.dma_semaphore, #tpu.memory_space<semaphore_mem>>) src(%dma_wait3A_111 : memref<16x64xf32, #tpu.memory_space<hbm>>) dst(%dma_wait3A_108 : memref<16x64xf32, #tpu.memory_space<vmem_shared>>)
        tpu.yield
      }) : () -> ()
    } else {
    }
    %add3A_30 = arith.constant 16 : i32
    %add3A_31 = arith.addi %add3A_30, %arg1 : i32
    %lt3A_32 = arith.constant 78 : i32
    %lt3A_33 = arith.cmpi slt, %add3A_31, %lt3A_32 : i32
    %convert_element_type3A_34 = arith.extui %lt3A_33 : i1 to i32
    %cond3A_35 = arith.constant 0 : i32
    %cond3A_36 = arith.cmpi ne, %convert_element_type3A_34, %cond3A_35 : i32
    scf.if %cond3A_36 {
      %mul3A_100 = arith.constant 128 : i32
      %mul3A_101 = arith.muli %add3A_31, %mul3A_100 : i32
      %mul3A_102 = arith.constant 128 : i32
      %mul3A_103 = arith.muli %add3A_31, %mul3A_102 : i32
      "tpu.region"() ({
        %run_scoped3A_104 = tpu.sem_alloc : memref<!tpu.dma_semaphore, #tpu.memory_space<semaphore_mem>>
        %dma_start3A_105 = arith.constant 0 : i32
        %dma_start3A_106 = tpu.memref_slice %arg10[%mul3A_103, %dma_start3A_105] : memref<10112x64xf32, #tpu.memory_space<vmem_shared>> -> memref<128x64xf32, #tpu.memory_space<vmem_shared>>
        %dma_start3A_107 = arith.constant 0 : i32
        %dma_start3A_108 = tpu.memref_slice %arg4[%mul3A_101, %dma_start3A_107] : memref<10000x64xf32, #tpu.memory_space<hbm>> -> memref<128x64xf32, #tpu.memory_space<hbm>>
        tpu.enqueue_dma source(%dma_start3A_108 : memref<128x64xf32, #tpu.memory_space<hbm>>) target(%dma_start3A_106 : memref<128x64xf32, #tpu.memory_space<vmem_shared>>) target_semaphore(%run_scoped3A_104 : memref<!tpu.dma_semaphore, #tpu.memory_space<semaphore_mem>>)
        %dma_wait3A = arith.constant 0 : i32
        %dma_wait3A_109 = tpu.memref_slice %arg10[%mul3A_103, %dma_wait3A] : memref<10112x64xf32, #tpu.memory_space<vmem_shared>> -> memref<128x64xf32, #tpu.memory_space<vmem_shared>>
        %dma_wait3A_110 = arith.constant 0 : i32
        %dma_wait3A_111 = tpu.memref_slice %arg4[%mul3A_101, %dma_wait3A_110] : memref<10000x64xf32, #tpu.memory_space<hbm>> -> memref<128x64xf32, #tpu.memory_space<hbm>>
        tpu.wait_dma2 semaphore(%run_scoped3A_104 : memref<!tpu.dma_semaphore, #tpu.memory_space<semaphore_mem>>) src(%dma_wait3A_111 : memref<128x64xf32, #tpu.memory_space<hbm>>) dst(%dma_wait3A_109 : memref<128x64xf32, #tpu.memory_space<vmem_shared>>)
        tpu.yield
      }) : () -> ()
    } else {
    }
    %eq3A_37 = arith.constant 78 : i32
    %eq3A_38 = arith.cmpi eq, %add3A_31, %eq3A_37 : i32
    %convert_element_type3A_39 = arith.extui %eq3A_38 : i1 to i32
    %cond3A_40 = arith.constant 0 : i32
    %cond3A_41 = arith.cmpi ne, %convert_element_type3A_39, %cond3A_40 : i32
    scf.if %cond3A_41 {
      "tpu.region"() ({
        %run_scoped3A_100 = tpu.sem_alloc : memref<!tpu.dma_semaphore, #tpu.memory_space<semaphore_mem>>
        %dma_start3A_101 = arith.constant 9984 : i32
        %dma_start3A_102 = arith.constant 0 : i32
        %dma_start3A_103 = tpu.memref_slice %arg10[%dma_start3A_101, %dma_start3A_102] : memref<10112x64xf32, #tpu.memory_space<vmem_shared>> -> memref<16x64xf32, #tpu.memory_space<vmem_shared>>
        %dma_start3A_104 = arith.constant 9984 : i32
        %dma_start3A_105 = arith.constant 0 : i32
        %dma_start3A_106 = tpu.memref_slice %arg4[%dma_start3A_104, %dma_start3A_105] : memref<10000x64xf32, #tpu.memory_space<hbm>> -> memref<16x64xf32, #tpu.memory_space<hbm>>
        tpu.enqueue_dma source(%dma_start3A_106 : memref<16x64xf32, #tpu.memory_space<hbm>>) target(%dma_start3A_103 : memref<16x64xf32, #tpu.memory_space<vmem_shared>>) target_semaphore(%run_scoped3A_100 : memref<!tpu.dma_semaphore, #tpu.memory_space<semaphore_mem>>)
        %dma_wait3A = arith.constant 9984 : i32
        %dma_wait3A_107 = arith.constant 0 : i32
        %dma_wait3A_108 = tpu.memref_slice %arg10[%dma_wait3A, %dma_wait3A_107] : memref<10112x64xf32, #tpu.memory_space<vmem_shared>> -> memref<16x64xf32, #tpu.memory_space<vmem_shared>>
        %dma_wait3A_109 = arith.constant 9984 : i32
        %dma_wait3A_110 = arith.constant 0 : i32
        %dma_wait3A_111 = tpu.memref_slice %arg4[%dma_wait3A_109, %dma_wait3A_110] : memref<10000x64xf32, #tpu.memory_space<hbm>> -> memref<16x64xf32, #tpu.memory_space<hbm>>
        tpu.wait_dma2 semaphore(%run_scoped3A_100 : memref<!tpu.dma_semaphore, #tpu.memory_space<semaphore_mem>>) src(%dma_wait3A_111 : memref<16x64xf32, #tpu.memory_space<hbm>>) dst(%dma_wait3A_108 : memref<16x64xf32, #tpu.memory_space<vmem_shared>>)
        tpu.yield
      }) : () -> ()
    } else {
    }
    %add3A_42 = arith.constant 32 : i32
    %add3A_43 = arith.addi %add3A_42, %arg1 : i32
    %lt3A_44 = arith.constant 78 : i32
    %lt3A_45 = arith.cmpi slt, %add3A_43, %lt3A_44 : i32
    %convert_element_type3A_46 = arith.extui %lt3A_45 : i1 to i32
    %cond3A_47 = arith.constant 0 : i32
    %cond3A_48 = arith.cmpi ne, %convert_element_type3A_46, %cond3A_47 : i32
    scf.if %cond3A_48 {
      %mul3A_100 = arith.constant 128 : i32
      %mul3A_101 = arith.muli %add3A_43, %mul3A_100 : i32
      %mul3A_102 = arith.constant 128 : i32
      %mul3A_103 = arith.muli %add3A_43, %mul3A_102 : i32
      "tpu.region"() ({
        %run_scoped3A_104 = tpu.sem_alloc : memref<!tpu.dma_semaphore, #tpu.memory_space<semaphore_mem>>
        %dma_start3A_105 = arith.constant 0 : i32
        %dma_start3A_106 = tpu.memref_slice %arg10[%mul3A_103, %dma_start3A_105] : memref<10112x64xf32, #tpu.memory_space<vmem_shared>> -> memref<128x64xf32, #tpu.memory_space<vmem_shared>>
        %dma_start3A_107 = arith.constant 0 : i32
        %dma_start3A_108 = tpu.memref_slice %arg4[%mul3A_101, %dma_start3A_107] : memref<10000x64xf32, #tpu.memory_space<hbm>> -> memref<128x64xf32, #tpu.memory_space<hbm>>
        tpu.enqueue_dma source(%dma_start3A_108 : memref<128x64xf32, #tpu.memory_space<hbm>>) target(%dma_start3A_106 : memref<128x64xf32, #tpu.memory_space<vmem_shared>>) target_semaphore(%run_scoped3A_104 : memref<!tpu.dma_semaphore, #tpu.memory_space<semaphore_mem>>)
        %dma_wait3A = arith.constant 0 : i32
        %dma_wait3A_109 = tpu.memref_slice %arg10[%mul3A_103, %dma_wait3A] : memref<10112x64xf32, #tpu.memory_space<vmem_shared>> -> memref<128x64xf32, #tpu.memory_space<vmem_shared>>
        %dma_wait3A_110 = arith.constant 0 : i32
        %dma_wait3A_111 = tpu.memref_slice %arg4[%mul3A_101, %dma_wait3A_110] : memref<10000x64xf32, #tpu.memory_space<hbm>> -> memref<128x64xf32, #tpu.memory_space<hbm>>
        tpu.wait_dma2 semaphore(%run_scoped3A_104 : memref<!tpu.dma_semaphore, #tpu.memory_space<semaphore_mem>>) src(%dma_wait3A_111 : memref<128x64xf32, #tpu.memory_space<hbm>>) dst(%dma_wait3A_109 : memref<128x64xf32, #tpu.memory_space<vmem_shared>>)
        tpu.yield
      }) : () -> ()
    } else {
    }
    %eq3A_49 = arith.constant 78 : i32
    %eq3A_50 = arith.cmpi eq, %add3A_43, %eq3A_49 : i32
    %convert_element_type3A_51 = arith.extui %eq3A_50 : i1 to i32
    %cond3A_52 = arith.constant 0 : i32
    %cond3A_53 = arith.cmpi ne, %convert_element_type3A_51, %cond3A_52 : i32
    scf.if %cond3A_53 {
      "tpu.region"() ({
        %run_scoped3A_100 = tpu.sem_alloc : memref<!tpu.dma_semaphore, #tpu.memory_space<semaphore_mem>>
        %dma_start3A_101 = arith.constant 9984 : i32
        %dma_start3A_102 = arith.constant 0 : i32
        %dma_start3A_103 = tpu.memref_slice %arg10[%dma_start3A_101, %dma_start3A_102] : memref<10112x64xf32, #tpu.memory_space<vmem_shared>> -> memref<16x64xf32, #tpu.memory_space<vmem_shared>>
        %dma_start3A_104 = arith.constant 9984 : i32
        %dma_start3A_105 = arith.constant 0 : i32
        %dma_start3A_106 = tpu.memref_slice %arg4[%dma_start3A_104, %dma_start3A_105] : memref<10000x64xf32, #tpu.memory_space<hbm>> -> memref<16x64xf32, #tpu.memory_space<hbm>>
        tpu.enqueue_dma source(%dma_start3A_106 : memref<16x64xf32, #tpu.memory_space<hbm>>) target(%dma_start3A_103 : memref<16x64xf32, #tpu.memory_space<vmem_shared>>) target_semaphore(%run_scoped3A_100 : memref<!tpu.dma_semaphore, #tpu.memory_space<semaphore_mem>>)
        %dma_wait3A = arith.constant 9984 : i32
        %dma_wait3A_107 = arith.constant 0 : i32
        %dma_wait3A_108 = tpu.memref_slice %arg10[%dma_wait3A, %dma_wait3A_107] : memref<10112x64xf32, #tpu.memory_space<vmem_shared>> -> memref<16x64xf32, #tpu.memory_space<vmem_shared>>
        %dma_wait3A_109 = arith.constant 9984 : i32
        %dma_wait3A_110 = arith.constant 0 : i32
        %dma_wait3A_111 = tpu.memref_slice %arg4[%dma_wait3A_109, %dma_wait3A_110] : memref<10000x64xf32, #tpu.memory_space<hbm>> -> memref<16x64xf32, #tpu.memory_space<hbm>>
        tpu.wait_dma2 semaphore(%run_scoped3A_100 : memref<!tpu.dma_semaphore, #tpu.memory_space<semaphore_mem>>) src(%dma_wait3A_111 : memref<16x64xf32, #tpu.memory_space<hbm>>) dst(%dma_wait3A_108 : memref<16x64xf32, #tpu.memory_space<vmem_shared>>)
        tpu.yield
      }) : () -> ()
    } else {
    }
    %add3A_54 = arith.constant 48 : i32
    %add3A_55 = arith.addi %add3A_54, %arg1 : i32
    %lt3A_56 = arith.constant 78 : i32
    %lt3A_57 = arith.cmpi slt, %add3A_55, %lt3A_56 : i32
    %convert_element_type3A_58 = arith.extui %lt3A_57 : i1 to i32
    %cond3A_59 = arith.constant 0 : i32
    %cond3A_60 = arith.cmpi ne, %convert_element_type3A_58, %cond3A_59 : i32
    scf.if %cond3A_60 {
      %mul3A_100 = arith.constant 128 : i32
      %mul3A_101 = arith.muli %add3A_55, %mul3A_100 : i32
      %mul3A_102 = arith.constant 128 : i32
      %mul3A_103 = arith.muli %add3A_55, %mul3A_102 : i32
      "tpu.region"() ({
        %run_scoped3A_104 = tpu.sem_alloc : memref<!tpu.dma_semaphore, #tpu.memory_space<semaphore_mem>>
        %dma_start3A_105 = arith.constant 0 : i32
        %dma_start3A_106 = tpu.memref_slice %arg10[%mul3A_103, %dma_start3A_105] : memref<10112x64xf32, #tpu.memory_space<vmem_shared>> -> memref<128x64xf32, #tpu.memory_space<vmem_shared>>
        %dma_start3A_107 = arith.constant 0 : i32
        %dma_start3A_108 = tpu.memref_slice %arg4[%mul3A_101, %dma_start3A_107] : memref<10000x64xf32, #tpu.memory_space<hbm>> -> memref<128x64xf32, #tpu.memory_space<hbm>>
        tpu.enqueue_dma source(%dma_start3A_108 : memref<128x64xf32, #tpu.memory_space<hbm>>) target(%dma_start3A_106 : memref<128x64xf32, #tpu.memory_space<vmem_shared>>) target_semaphore(%run_scoped3A_104 : memref<!tpu.dma_semaphore, #tpu.memory_space<semaphore_mem>>)
        %dma_wait3A = arith.constant 0 : i32
        %dma_wait3A_109 = tpu.memref_slice %arg10[%mul3A_103, %dma_wait3A] : memref<10112x64xf32, #tpu.memory_space<vmem_shared>> -> memref<128x64xf32, #tpu.memory_space<vmem_shared>>
        %dma_wait3A_110 = arith.constant 0 : i32
        %dma_wait3A_111 = tpu.memref_slice %arg4[%mul3A_101, %dma_wait3A_110] : memref<10000x64xf32, #tpu.memory_space<hbm>> -> memref<128x64xf32, #tpu.memory_space<hbm>>
        tpu.wait_dma2 semaphore(%run_scoped3A_104 : memref<!tpu.dma_semaphore, #tpu.memory_space<semaphore_mem>>) src(%dma_wait3A_111 : memref<128x64xf32, #tpu.memory_space<hbm>>) dst(%dma_wait3A_109 : memref<128x64xf32, #tpu.memory_space<vmem_shared>>)
        tpu.yield
      }) : () -> ()
    } else {
    }
    %eq3A_61 = arith.constant 78 : i32
    %eq3A_62 = arith.cmpi eq, %add3A_55, %eq3A_61 : i32
    %convert_element_type3A_63 = arith.extui %eq3A_62 : i1 to i32
    %cond3A_64 = arith.constant 0 : i32
    %cond3A_65 = arith.cmpi ne, %convert_element_type3A_63, %cond3A_64 : i32
    scf.if %cond3A_65 {
      "tpu.region"() ({
        %run_scoped3A_100 = tpu.sem_alloc : memref<!tpu.dma_semaphore, #tpu.memory_space<semaphore_mem>>
        %dma_start3A_101 = arith.constant 9984 : i32
        %dma_start3A_102 = arith.constant 0 : i32
        %dma_start3A_103 = tpu.memref_slice %arg10[%dma_start3A_101, %dma_start3A_102] : memref<10112x64xf32, #tpu.memory_space<vmem_shared>> -> memref<16x64xf32, #tpu.memory_space<vmem_shared>>
        %dma_start3A_104 = arith.constant 9984 : i32
        %dma_start3A_105 = arith.constant 0 : i32
        %dma_start3A_106 = tpu.memref_slice %arg4[%dma_start3A_104, %dma_start3A_105] : memref<10000x64xf32, #tpu.memory_space<hbm>> -> memref<16x64xf32, #tpu.memory_space<hbm>>
        tpu.enqueue_dma source(%dma_start3A_106 : memref<16x64xf32, #tpu.memory_space<hbm>>) target(%dma_start3A_103 : memref<16x64xf32, #tpu.memory_space<vmem_shared>>) target_semaphore(%run_scoped3A_100 : memref<!tpu.dma_semaphore, #tpu.memory_space<semaphore_mem>>)
        %dma_wait3A = arith.constant 9984 : i32
        %dma_wait3A_107 = arith.constant 0 : i32
        %dma_wait3A_108 = tpu.memref_slice %arg10[%dma_wait3A, %dma_wait3A_107] : memref<10112x64xf32, #tpu.memory_space<vmem_shared>> -> memref<16x64xf32, #tpu.memory_space<vmem_shared>>
        %dma_wait3A_109 = arith.constant 9984 : i32
        %dma_wait3A_110 = arith.constant 0 : i32
        %dma_wait3A_111 = tpu.memref_slice %arg4[%dma_wait3A_109, %dma_wait3A_110] : memref<10000x64xf32, #tpu.memory_space<hbm>> -> memref<16x64xf32, #tpu.memory_space<hbm>>
        tpu.wait_dma2 semaphore(%run_scoped3A_100 : memref<!tpu.dma_semaphore, #tpu.memory_space<semaphore_mem>>) src(%dma_wait3A_111 : memref<16x64xf32, #tpu.memory_space<hbm>>) dst(%dma_wait3A_108 : memref<16x64xf32, #tpu.memory_space<vmem_shared>>)
        tpu.yield
      }) : () -> ()
    } else {
    }
    %add3A_66 = arith.constant 64 : i32
    %add3A_67 = arith.addi %add3A_66, %arg1 : i32
    %lt3A_68 = arith.constant 78 : i32
    %lt3A_69 = arith.cmpi slt, %add3A_67, %lt3A_68 : i32
    %convert_element_type3A_70 = arith.extui %lt3A_69 : i1 to i32
    %cond3A_71 = arith.constant 0 : i32
    %cond3A_72 = arith.cmpi ne, %convert_element_type3A_70, %cond3A_71 : i32
    scf.if %cond3A_72 {
      %mul3A_100 = arith.constant 128 : i32
      %mul3A_101 = arith.muli %add3A_67, %mul3A_100 : i32
      %mul3A_102 = arith.constant 128 : i32
      %mul3A_103 = arith.muli %add3A_67, %mul3A_102 : i32
      "tpu.region"() ({
        %run_scoped3A_104 = tpu.sem_alloc : memref<!tpu.dma_semaphore, #tpu.memory_space<semaphore_mem>>
        %dma_start3A_105 = arith.constant 0 : i32
        %dma_start3A_106 = tpu.memref_slice %arg10[%mul3A_103, %dma_start3A_105] : memref<10112x64xf32, #tpu.memory_space<vmem_shared>> -> memref<128x64xf32, #tpu.memory_space<vmem_shared>>
        %dma_start3A_107 = arith.constant 0 : i32
        %dma_start3A_108 = tpu.memref_slice %arg4[%mul3A_101, %dma_start3A_107] : memref<10000x64xf32, #tpu.memory_space<hbm>> -> memref<128x64xf32, #tpu.memory_space<hbm>>
        tpu.enqueue_dma source(%dma_start3A_108 : memref<128x64xf32, #tpu.memory_space<hbm>>) target(%dma_start3A_106 : memref<128x64xf32, #tpu.memory_space<vmem_shared>>) target_semaphore(%run_scoped3A_104 : memref<!tpu.dma_semaphore, #tpu.memory_space<semaphore_mem>>)
        %dma_wait3A = arith.constant 0 : i32
        %dma_wait3A_109 = tpu.memref_slice %arg10[%mul3A_103, %dma_wait3A] : memref<10112x64xf32, #tpu.memory_space<vmem_shared>> -> memref<128x64xf32, #tpu.memory_space<vmem_shared>>
        %dma_wait3A_110 = arith.constant 0 : i32
        %dma_wait3A_111 = tpu.memref_slice %arg4[%mul3A_101, %dma_wait3A_110] : memref<10000x64xf32, #tpu.memory_space<hbm>> -> memref<128x64xf32, #tpu.memory_space<hbm>>
        tpu.wait_dma2 semaphore(%run_scoped3A_104 : memref<!tpu.dma_semaphore, #tpu.memory_space<semaphore_mem>>) src(%dma_wait3A_111 : memref<128x64xf32, #tpu.memory_space<hbm>>) dst(%dma_wait3A_109 : memref<128x64xf32, #tpu.memory_space<vmem_shared>>)
        tpu.yield
      }) : () -> ()
    } else {
    }
    %eq3A_73 = arith.constant 78 : i32
    %eq3A_74 = arith.cmpi eq, %add3A_67, %eq3A_73 : i32
    %convert_element_type3A_75 = arith.extui %eq3A_74 : i1 to i32
    %cond3A_76 = arith.constant 0 : i32
    %cond3A_77 = arith.cmpi ne, %convert_element_type3A_75, %cond3A_76 : i32
    scf.if %cond3A_77 {
      "tpu.region"() ({
        %run_scoped3A_100 = tpu.sem_alloc : memref<!tpu.dma_semaphore, #tpu.memory_space<semaphore_mem>>
        %dma_start3A_101 = arith.constant 9984 : i32
        %dma_start3A_102 = arith.constant 0 : i32
        %dma_start3A_103 = tpu.memref_slice %arg10[%dma_start3A_101, %dma_start3A_102] : memref<10112x64xf32, #tpu.memory_space<vmem_shared>> -> memref<16x64xf32, #tpu.memory_space<vmem_shared>>
        %dma_start3A_104 = arith.constant 9984 : i32
        %dma_start3A_105 = arith.constant 0 : i32
        %dma_start3A_106 = tpu.memref_slice %arg4[%dma_start3A_104, %dma_start3A_105] : memref<10000x64xf32, #tpu.memory_space<hbm>> -> memref<16x64xf32, #tpu.memory_space<hbm>>
        tpu.enqueue_dma source(%dma_start3A_106 : memref<16x64xf32, #tpu.memory_space<hbm>>) target(%dma_start3A_103 : memref<16x64xf32, #tpu.memory_space<vmem_shared>>) target_semaphore(%run_scoped3A_100 : memref<!tpu.dma_semaphore, #tpu.memory_space<semaphore_mem>>)
        %dma_wait3A = arith.constant 9984 : i32
        %dma_wait3A_107 = arith.constant 0 : i32
        %dma_wait3A_108 = tpu.memref_slice %arg10[%dma_wait3A, %dma_wait3A_107] : memref<10112x64xf32, #tpu.memory_space<vmem_shared>> -> memref<16x64xf32, #tpu.memory_space<vmem_shared>>
        %dma_wait3A_109 = arith.constant 9984 : i32
        %dma_wait3A_110 = arith.constant 0 : i32
        %dma_wait3A_111 = tpu.memref_slice %arg4[%dma_wait3A_109, %dma_wait3A_110] : memref<10000x64xf32, #tpu.memory_space<hbm>> -> memref<16x64xf32, #tpu.memory_space<hbm>>
        tpu.wait_dma2 semaphore(%run_scoped3A_100 : memref<!tpu.dma_semaphore, #tpu.memory_space<semaphore_mem>>) src(%dma_wait3A_111 : memref<16x64xf32, #tpu.memory_space<hbm>>) dst(%dma_wait3A_108 : memref<16x64xf32, #tpu.memory_space<vmem_shared>>)
        tpu.yield
      }) : () -> ()
    } else {
    }
    %barrier3A = arith.constant 0 : index
    tpu.barrier barrier_id(%barrier3A)
    %mul3A_78 = arith.constant 80 : i32
    %mul3A_79 = arith.muli %add3A, %mul3A_78 : i32
    "tpu.region"() ({
      %run_scoped3A_100 = tpu.sem_alloc : memref<!tpu.dma_semaphore, #tpu.memory_space<semaphore_mem>>
      %dma_start3A_101 = arith.constant 0 : i32
      %dma_start3A_102 = tpu.memref_slice %arg2[%mul3A_79, %dma_start3A_101] : memref<2560x128xi32, #tpu.memory_space<hbm>> -> memref<80x128xi32, #tpu.memory_space<hbm>>
      %dma_start3A_103 = arith.constant 0 : i32
      %dma_start3A_104 = tpu.memref_slice %arg2[%mul3A_79, %dma_start3A_103] : memref<2560x128xi32, #tpu.memory_space<hbm>> -> memref<80x128xi32, #tpu.memory_space<hbm>>
      tpu.enqueue_dma source(%dma_start3A_104 : memref<80x128xi32, #tpu.memory_space<hbm>>) target(%arg6 : memref<80x128xi32, #tpu.memory_space<vmem>>) target_semaphore(%run_scoped3A_100 : memref<!tpu.dma_semaphore, #tpu.memory_space<semaphore_mem>>)
      %dma_wait3A = arith.constant 0 : i32
      %dma_wait3A_105 = tpu.memref_slice %arg2[%mul3A_79, %dma_wait3A] : memref<2560x128xi32, #tpu.memory_space<hbm>> -> memref<80x128xi32, #tpu.memory_space<hbm>>
      %dma_wait3A_106 = arith.constant 0 : i32
      %dma_wait3A_107 = tpu.memref_slice %arg2[%mul3A_79, %dma_wait3A_106] : memref<2560x128xi32, #tpu.memory_space<hbm>> -> memref<80x128xi32, #tpu.memory_space<hbm>>
      tpu.wait_dma2 semaphore(%run_scoped3A_100 : memref<!tpu.dma_semaphore, #tpu.memory_space<semaphore_mem>>) src(%dma_wait3A_107 : memref<80x128xi32, #tpu.memory_space<hbm>>) dst(%arg6 : memref<80x128xi32, #tpu.memory_space<vmem>>)
      tpu.yield
    }) : () -> ()
    %mul3A_80 = arith.constant 80 : i32
    %mul3A_81 = arith.muli %add3A, %mul3A_80 : i32
    "tpu.region"() ({
      %run_scoped3A_100 = tpu.sem_alloc : memref<!tpu.dma_semaphore, #tpu.memory_space<semaphore_mem>>
      %dma_start3A_101 = arith.constant 0 : i32
      %dma_start3A_102 = tpu.memref_slice %arg3[%mul3A_81, %dma_start3A_101] : memref<2560x128xi32, #tpu.memory_space<hbm>> -> memref<80x128xi32, #tpu.memory_space<hbm>>
      %dma_start3A_103 = arith.constant 0 : i32
      %dma_start3A_104 = tpu.memref_slice %arg3[%mul3A_81, %dma_start3A_103] : memref<2560x128xi32, #tpu.memory_space<hbm>> -> memref<80x128xi32, #tpu.memory_space<hbm>>
      tpu.enqueue_dma source(%dma_start3A_104 : memref<80x128xi32, #tpu.memory_space<hbm>>) target(%arg7 : memref<80x128xi32, #tpu.memory_space<vmem>>) target_semaphore(%run_scoped3A_100 : memref<!tpu.dma_semaphore, #tpu.memory_space<semaphore_mem>>)
      %dma_wait3A = arith.constant 0 : i32
      %dma_wait3A_105 = tpu.memref_slice %arg3[%mul3A_81, %dma_wait3A] : memref<2560x128xi32, #tpu.memory_space<hbm>> -> memref<80x128xi32, #tpu.memory_space<hbm>>
      %dma_wait3A_106 = arith.constant 0 : i32
      %dma_wait3A_107 = tpu.memref_slice %arg3[%mul3A_81, %dma_wait3A_106] : memref<2560x128xi32, #tpu.memory_space<hbm>> -> memref<80x128xi32, #tpu.memory_space<hbm>>
      tpu.wait_dma2 semaphore(%run_scoped3A_100 : memref<!tpu.dma_semaphore, #tpu.memory_space<semaphore_mem>>) src(%dma_wait3A_107 : memref<80x128xi32, #tpu.memory_space<hbm>>) dst(%arg7 : memref<80x128xi32, #tpu.memory_space<vmem>>)
      tpu.yield
    }) : () -> ()
    %dma_start3A = arith.constant 0 : i32
    %dma_start3A_82 = arith.constant 0 : i32
    %dma_start3A_83 = arith.constant 0 : i32
    %dma_start3A_84 = arith.constant 0 : i32
    %dma_start3A_85 = tpu.memref_slice %arg8[%dma_start3A_82, %dma_start3A_83, %dma_start3A_84] : memref<2x128x64xf32, #tpu.memory_space<vmem>> -> memref<1x128x64xf32, #tpu.memory_space<vmem>>
    %dma_start3A_86 = tpu.memref_squeeze %dma_start3A_85 : memref<1x128x64xf32, #tpu.memory_space<vmem>> -> memref<128x64xf32, #tpu.memory_space<vmem>>
    %dma_start3A_87 = arith.constant 0 : i32
    %dma_start3A_88 = tpu.memref_slice %arg6[%dma_start3A, %dma_start3A_87] : memref<80x128xi32, #tpu.memory_space<vmem>> -> memref<1x128xi32, #tpu.memory_space<vmem>>
    %dma_start3A_89 = tpu.memref_squeeze %dma_start3A_88 : memref<1x128xi32, #tpu.memory_space<vmem>> -> memref<128xi32, #tpu.memory_space<vmem>>
    %dma_start3A_90 = arith.constant 0 : i32
    %dma_start3A_91 = arith.constant 0 : i32
    %dma_start3A_92 = tpu.memref_slice %arg10[%dma_start3A_90, %dma_start3A_91] : memref<10112x64xf32, #tpu.memory_space<vmem_shared>> -> memref<10112x64xf32, #tpu.memory_space<vmem_shared>>
    tpu.enqueue_indirect_dma source(%dma_start3A_92 : memref<10112x64xf32, #tpu.memory_space<vmem_shared>>) target(%dma_start3A_86 : memref<128x64xf32, #tpu.memory_space<vmem>>) offsets(%dma_start3A_89 : memref<128xi32, #tpu.memory_space<vmem>>) semaphore(%arg11 : memref<!tpu.dma_semaphore, #tpu.memory_space<semaphore_mem>>)
    %scan3A_93 = arith.constant 0 : i32
    %scan3A_94 = arith.constant 0 : i32
    %scan3A_95 = arith.constant 40 : i32
    %scan3A_96 = arith.addi %scan3A_94, %scan3A_95 : i32
    %scan3A_97 = arith.constant 1 : i32
    scf.for %scan3A_100 = %scan3A_94 to %scan3A_96 step %scan3A_97  : i32 {
      %mul3A_101 = arith.constant 2 : i32
      %mul3A_102 = arith.muli %scan3A_100, %mul3A_101 : i32
      %add3A_103 = arith.constant 1 : i32
      %add3A_104 = arith.addi %mul3A_102, %add3A_103 : i32
      %dma_start3A_105 = arith.constant 1 : i32
      %dma_start3A_106 = arith.constant 0 : i32
      %dma_start3A_107 = arith.constant 0 : i32
      %dma_start3A_108 = tpu.memref_slice %arg8[%dma_start3A_105, %dma_start3A_106, %dma_start3A_107] : memref<2x128x64xf32, #tpu.memory_space<vmem>> -> memref<1x128x64xf32, #tpu.memory_space<vmem>>
      %dma_start3A_109 = tpu.memref_squeeze %dma_start3A_108 : memref<1x128x64xf32, #tpu.memory_space<vmem>> -> memref<128x64xf32, #tpu.memory_space<vmem>>
      %dma_start3A_110 = arith.constant 0 : i32
      %dma_start3A_111 = tpu.memref_slice %arg6[%add3A_104, %dma_start3A_110] : memref<80x128xi32, #tpu.memory_space<vmem>> -> memref<1x128xi32, #tpu.memory_space<vmem>>
      %dma_start3A_112 = tpu.memref_squeeze %dma_start3A_111 : memref<1x128xi32, #tpu.memory_space<vmem>> -> memref<128xi32, #tpu.memory_space<vmem>>
      %dma_start3A_113 = arith.constant 0 : i32
      %dma_start3A_114 = arith.constant 0 : i32
      %dma_start3A_115 = tpu.memref_slice %arg10[%dma_start3A_113, %dma_start3A_114] : memref<10112x64xf32, #tpu.memory_space<vmem_shared>> -> memref<10112x64xf32, #tpu.memory_space<vmem_shared>>
      tpu.enqueue_indirect_dma source(%dma_start3A_115 : memref<10112x64xf32, #tpu.memory_space<vmem_shared>>) target(%dma_start3A_109 : memref<128x64xf32, #tpu.memory_space<vmem>>) offsets(%dma_start3A_112 : memref<128xi32, #tpu.memory_space<vmem>>) semaphore(%arg12 : memref<!tpu.dma_semaphore, #tpu.memory_space<semaphore_mem>>)
      %dma_wait3A = arith.constant 0 : i32
      %dma_wait3A_116 = arith.constant 0 : i32
      %dma_wait3A_117 = arith.constant 0 : i32
      %dma_wait3A_118 = tpu.memref_slice %arg8[%dma_wait3A, %dma_wait3A_116, %dma_wait3A_117] : memref<2x128x64xf32, #tpu.memory_space<vmem>> -> memref<1x128x64xf32, #tpu.memory_space<vmem>>
      %dma_wait3A_119 = tpu.memref_squeeze %dma_wait3A_118 : memref<1x128x64xf32, #tpu.memory_space<vmem>> -> memref<128x64xf32, #tpu.memory_space<vmem>>
      %dma_wait3A_120 = arith.constant 0 : i32
      %dma_wait3A_121 = tpu.memref_slice %arg6[%mul3A_102, %dma_wait3A_120] : memref<80x128xi32, #tpu.memory_space<vmem>> -> memref<1x128xi32, #tpu.memory_space<vmem>>
      %dma_wait3A_122 = tpu.memref_squeeze %dma_wait3A_121 : memref<1x128xi32, #tpu.memory_space<vmem>> -> memref<128xi32, #tpu.memory_space<vmem>>
      %dma_wait3A_123 = arith.constant 0 : i32
      %dma_wait3A_124 = arith.constant 0 : i32
      %dma_wait3A_125 = tpu.memref_slice %arg10[%dma_wait3A_123, %dma_wait3A_124] : memref<10112x64xf32, #tpu.memory_space<vmem_shared>> -> memref<10112x64xf32, #tpu.memory_space<vmem_shared>>
      tpu.wait_indirect_dma semaphore(%arg11 : memref<!tpu.dma_semaphore, #tpu.memory_space<semaphore_mem>>) src(%dma_wait3A_125 : memref<10112x64xf32, #tpu.memory_space<vmem_shared>>) dst(%dma_wait3A_119 : memref<128x64xf32, #tpu.memory_space<vmem>>)
      %run_scoped3A_126 = arith.constant 0 : i32
      "tpu.region"() ({
        %run_scoped3A_150 = tpu.sem_alloc : memref<!tpu.dma_semaphore, #tpu.memory_space<semaphore_mem>>
        %dma_start3A_151 = arith.constant 0 : i32
        %dma_start3A_152 = arith.constant 0 : i32
        %dma_start3A_153 = tpu.memref_slice %arg8[%run_scoped3A_126, %dma_start3A_151, %dma_start3A_152] : memref<2x128x64xf32, #tpu.memory_space<vmem>> -> memref<1x128x64xf32, #tpu.memory_space<vmem>>
        %dma_start3A_154 = tpu.memref_squeeze %dma_start3A_153 : memref<1x128x64xf32, #tpu.memory_space<vmem>> -> memref<128x64xf32, #tpu.memory_space<vmem>>
        %dma_start3A_155 = arith.constant 0 : i32
        %dma_start3A_156 = tpu.memref_slice %arg7[%mul3A_102, %dma_start3A_155] : memref<80x128xi32, #tpu.memory_space<vmem>> -> memref<1x128xi32, #tpu.memory_space<vmem>>
        %dma_start3A_157 = tpu.memref_squeeze %dma_start3A_156 : memref<1x128xi32, #tpu.memory_space<vmem>> -> memref<128xi32, #tpu.memory_space<vmem>>
        %dma_start3A_158 = arith.constant 0 : i32
        %dma_start3A_159 = arith.constant 0 : i32
        %dma_start3A_160 = tpu.memref_slice %arg9[%dma_start3A_158, %dma_start3A_159] : memref<10112x64xf32, #tpu.memory_space<vmem_shared>> -> memref<10112x64xf32, #tpu.memory_space<vmem_shared>>
        tpu.enqueue_indirect_dma source(%dma_start3A_154 : memref<128x64xf32, #tpu.memory_space<vmem>>) target(%dma_start3A_160 : memref<10112x64xf32, #tpu.memory_space<vmem_shared>>) offsets(%dma_start3A_157 : memref<128xi32, #tpu.memory_space<vmem>>) semaphore(%run_scoped3A_150 : memref<!tpu.dma_semaphore, #tpu.memory_space<semaphore_mem>>) {add = true}
        %dma_wait3A_161 = arith.constant 0 : i32
        %dma_wait3A_162 = arith.constant 0 : i32
        %dma_wait3A_163 = tpu.memref_slice %arg8[%run_scoped3A_126, %dma_wait3A_161, %dma_wait3A_162] : memref<2x128x64xf32, #tpu.memory_space<vmem>> -> memref<1x128x64xf32, #tpu.memory_space<vmem>>
        %dma_wait3A_164 = tpu.memref_squeeze %dma_wait3A_163 : memref<1x128x64xf32, #tpu.memory_space<vmem>> -> memref<128x64xf32, #tpu.memory_space<vmem>>
        %dma_wait3A_165 = arith.constant 0 : i32
        %dma_wait3A_166 = tpu.memref_slice %arg7[%mul3A_102, %dma_wait3A_165] : memref<80x128xi32, #tpu.memory_space<vmem>> -> memref<1x128xi32, #tpu.memory_space<vmem>>
        %dma_wait3A_167 = tpu.memref_squeeze %dma_wait3A_166 : memref<1x128xi32, #tpu.memory_space<vmem>> -> memref<128xi32, #tpu.memory_space<vmem>>
        %dma_wait3A_168 = arith.constant 0 : i32
        %dma_wait3A_169 = arith.constant 0 : i32
        %dma_wait3A_170 = tpu.memref_slice %arg9[%dma_wait3A_168, %dma_wait3A_169] : memref<10112x64xf32, #tpu.memory_space<vmem_shared>> -> memref<10112x64xf32, #tpu.memory_space<vmem_shared>>
        tpu.wait_indirect_dma semaphore(%run_scoped3A_150 : memref<!tpu.dma_semaphore, #tpu.memory_space<semaphore_mem>>) src(%dma_wait3A_164 : memref<128x64xf32, #tpu.memory_space<vmem>>) dst(%dma_wait3A_170 : memref<10112x64xf32, #tpu.memory_space<vmem_shared>>)
        tpu.yield
      }) : () -> ()
      %add3A_127 = arith.constant 1 : i32
      %add3A_128 = arith.addi %scan3A_100, %add3A_127 : i32
      %lt3A_129 = arith.constant 40 : i32
      %lt3A_130 = arith.cmpi slt, %add3A_128, %lt3A_129 : i32
      %convert_element_type3A_131 = arith.extui %lt3A_130 : i1 to i32
      %cond3A_132 = arith.constant 0 : i32
      %cond3A_133 = arith.cmpi ne, %convert_element_type3A_131, %cond3A_132 : i32
      scf.if %cond3A_133 {
        %add3A_150 = arith.constant 2 : i32
        %add3A_151 = arith.addi %mul3A_102, %add3A_150 : i32
        %dma_start3A_152 = arith.constant 0 : i32
        %dma_start3A_153 = arith.constant 0 : i32
        %dma_start3A_154 = arith.constant 0 : i32
        %dma_start3A_155 = tpu.memref_slice %arg8[%dma_start3A_152, %dma_start3A_153, %dma_start3A_154] : memref<2x128x64xf32, #tpu.memory_space<vmem>> -> memref<1x128x64xf32, #tpu.memory_space<vmem>>
        %dma_start3A_156 = tpu.memref_squeeze %dma_start3A_155 : memref<1x128x64xf32, #tpu.memory_space<vmem>> -> memref<128x64xf32, #tpu.memory_space<vmem>>
        %dma_start3A_157 = arith.constant 0 : i32
        %dma_start3A_158 = tpu.memref_slice %arg6[%add3A_151, %dma_start3A_157] : memref<80x128xi32, #tpu.memory_space<vmem>> -> memref<1x128xi32, #tpu.memory_space<vmem>>
        %dma_start3A_159 = tpu.memref_squeeze %dma_start3A_158 : memref<1x128xi32, #tpu.memory_space<vmem>> -> memref<128xi32, #tpu.memory_space<vmem>>
        %dma_start3A_160 = arith.constant 0 : i32
        %dma_start3A_161 = arith.constant 0 : i32
        %dma_start3A_162 = tpu.memref_slice %arg10[%dma_start3A_160, %dma_start3A_161] : memref<10112x64xf32, #tpu.memory_space<vmem_shared>> -> memref<10112x64xf32, #tpu.memory_space<vmem_shared>>
        tpu.enqueue_indirect_dma source(%dma_start3A_162 : memref<10112x64xf32, #tpu.memory_space<vmem_shared>>) target(%dma_start3A_156 : memref<128x64xf32, #tpu.memory_space<vmem>>) offsets(%dma_start3A_159 : memref<128xi32, #tpu.memory_space<vmem>>) semaphore(%arg11 : memref<!tpu.dma_semaphore, #tpu.memory_space<semaphore_mem>>)
      } else {
      }
      %add3A_134 = arith.constant 1 : i32
      %add3A_135 = arith.addi %mul3A_102, %add3A_134 : i32
      %dma_wait3A_136 = arith.constant 1 : i32
      %dma_wait3A_137 = arith.constant 0 : i32
      %dma_wait3A_138 = arith.constant 0 : i32
      %dma_wait3A_139 = tpu.memref_slice %arg8[%dma_wait3A_136, %dma_wait3A_137, %dma_wait3A_138] : memref<2x128x64xf32, #tpu.memory_space<vmem>> -> memref<1x128x64xf32, #tpu.memory_space<vmem>>
      %dma_wait3A_140 = tpu.memref_squeeze %dma_wait3A_139 : memref<1x128x64xf32, #tpu.memory_space<vmem>> -> memref<128x64xf32, #tpu.memory_space<vmem>>
      %dma_wait3A_141 = arith.constant 0 : i32
      %dma_wait3A_142 = tpu.memref_slice %arg6[%add3A_135, %dma_wait3A_141] : memref<80x128xi32, #tpu.memory_space<vmem>> -> memref<1x128xi32, #tpu.memory_space<vmem>>
      %dma_wait3A_143 = tpu.memref_squeeze %dma_wait3A_142 : memref<1x128xi32, #tpu.memory_space<vmem>> -> memref<128xi32, #tpu.memory_space<vmem>>
      %dma_wait3A_144 = arith.constant 0 : i32
      %dma_wait3A_145 = arith.constant 0 : i32
      %dma_wait3A_146 = tpu.memref_slice %arg10[%dma_wait3A_144, %dma_wait3A_145] : memref<10112x64xf32, #tpu.memory_space<vmem_shared>> -> memref<10112x64xf32, #tpu.memory_space<vmem_shared>>
      tpu.wait_indirect_dma semaphore(%arg12 : memref<!tpu.dma_semaphore, #tpu.memory_space<semaphore_mem>>) src(%dma_wait3A_146 : memref<10112x64xf32, #tpu.memory_space<vmem_shared>>) dst(%dma_wait3A_140 : memref<128x64xf32, #tpu.memory_space<vmem>>)
      %add3A_147 = arith.constant 1 : i32
      %add3A_148 = arith.addi %mul3A_102, %add3A_147 : i32
      %run_scoped3A_149 = arith.constant 1 : i32
      "tpu.region"() ({
        %run_scoped3A_150 = tpu.sem_alloc : memref<!tpu.dma_semaphore, #tpu.memory_space<semaphore_mem>>
        %dma_start3A_151 = arith.constant 0 : i32
        %dma_start3A_152 = arith.constant 0 : i32
        %dma_start3A_153 = tpu.memref_slice %arg8[%run_scoped3A_149, %dma_start3A_151, %dma_start3A_152] : memref<2x128x64xf32, #tpu.memory_space<vmem>> -> memref<1x128x64xf32, #tpu.memory_space<vmem>>
        %dma_start3A_154 = tpu.memref_squeeze %dma_start3A_153 : memref<1x128x64xf32, #tpu.memory_space<vmem>> -> memref<128x64xf32, #tpu.memory_space<vmem>>
        %dma_start3A_155 = arith.constant 0 : i32
        %dma_start3A_156 = tpu.memref_slice %arg7[%add3A_148, %dma_start3A_155] : memref<80x128xi32, #tpu.memory_space<vmem>> -> memref<1x128xi32, #tpu.memory_space<vmem>>
        %dma_start3A_157 = tpu.memref_squeeze %dma_start3A_156 : memref<1x128xi32, #tpu.memory_space<vmem>> -> memref<128xi32, #tpu.memory_space<vmem>>
        %dma_start3A_158 = arith.constant 0 : i32
        %dma_start3A_159 = arith.constant 0 : i32
        %dma_start3A_160 = tpu.memref_slice %arg9[%dma_start3A_158, %dma_start3A_159] : memref<10112x64xf32, #tpu.memory_space<vmem_shared>> -> memref<10112x64xf32, #tpu.memory_space<vmem_shared>>
        tpu.enqueue_indirect_dma source(%dma_start3A_154 : memref<128x64xf32, #tpu.memory_space<vmem>>) target(%dma_start3A_160 : memref<10112x64xf32, #tpu.memory_space<vmem_shared>>) offsets(%dma_start3A_157 : memref<128xi32, #tpu.memory_space<vmem>>) semaphore(%run_scoped3A_150 : memref<!tpu.dma_semaphore, #tpu.memory_space<semaphore_mem>>) {add = true}
        %dma_wait3A_161 = arith.constant 0 : i32
        %dma_wait3A_162 = arith.constant 0 : i32
        %dma_wait3A_163 = tpu.memref_slice %arg8[%run_scoped3A_149, %dma_wait3A_161, %dma_wait3A_162] : memref<2x128x64xf32, #tpu.memory_space<vmem>> -> memref<1x128x64xf32, #tpu.memory_space<vmem>>
        %dma_wait3A_164 = tpu.memref_squeeze %dma_wait3A_163 : memref<1x128x64xf32, #tpu.memory_space<vmem>> -> memref<128x64xf32, #tpu.memory_space<vmem>>
        %dma_wait3A_165 = arith.constant 0 : i32
        %dma_wait3A_166 = tpu.memref_slice %arg7[%add3A_148, %dma_wait3A_165] : memref<80x128xi32, #tpu.memory_space<vmem>> -> memref<1x128xi32, #tpu.memory_space<vmem>>
        %dma_wait3A_167 = tpu.memref_squeeze %dma_wait3A_166 : memref<1x128xi32, #tpu.memory_space<vmem>> -> memref<128xi32, #tpu.memory_space<vmem>>
        %dma_wait3A_168 = arith.constant 0 : i32
        %dma_wait3A_169 = arith.constant 0 : i32
        %dma_wait3A_170 = tpu.memref_slice %arg9[%dma_wait3A_168, %dma_wait3A_169] : memref<10112x64xf32, #tpu.memory_space<vmem_shared>> -> memref<10112x64xf32, #tpu.memory_space<vmem_shared>>
        tpu.wait_indirect_dma semaphore(%run_scoped3A_150 : memref<!tpu.dma_semaphore, #tpu.memory_space<semaphore_mem>>) src(%dma_wait3A_164 : memref<128x64xf32, #tpu.memory_space<vmem>>) dst(%dma_wait3A_170 : memref<10112x64xf32, #tpu.memory_space<vmem_shared>>)
        tpu.yield
      }) : () -> ()
    }
    %scan3A_98 = arith.constant 40 : i32
    %barrier3A_99 = arith.constant 0 : index
    tpu.barrier barrier_id(%barrier3A_99)
    "tpu.region"() ({
      %run_scoped3A_100 = tpu.sem_alloc : memref<!tpu.dma_semaphore, #tpu.memory_space<semaphore_mem>>
      %dma_start3A_101 = arith.constant 0 : i32
      %dma_start3A_102 = arith.constant 0 : i32
      %dma_start3A_103 = arith.constant 0 : i32
      %dma_start3A_104 = tpu.memref_slice %arg5[%arg0, %dma_start3A_101, %dma_start3A_102, %dma_start3A_103] : memref<2x16x632x64xf32, #tpu.memory_space<hbm>> -> memref<1x16x632x64xf32, #tpu.memory_space<hbm>>
      %dma_start3A_105 = tpu.memref_squeeze %dma_start3A_104 : memref<1x16x632x64xf32, #tpu.memory_space<hbm>> -> memref<16x632x64xf32, #tpu.memory_space<hbm>>
      %dma_start3A_106 = arith.constant 0 : i32
      %dma_start3A_107 = arith.constant 0 : i32
      %dma_start3A_108 = tpu.memref_slice %dma_start3A_105[%arg1, %dma_start3A_106, %dma_start3A_107] : memref<16x632x64xf32, #tpu.memory_space<hbm>> -> memref<1x632x64xf32, #tpu.memory_space<hbm>>
      %dma_start3A_109 = tpu.memref_squeeze %dma_start3A_108 : memref<1x632x64xf32, #tpu.memory_space<hbm>> -> memref<632x64xf32, #tpu.memory_space<hbm>>
      %dma_start3A_110 = arith.constant 0 : i32
      %dma_start3A_111 = tpu.memref_slice %arg9[%mul3A_7, %dma_start3A_110] : memref<10112x64xf32, #tpu.memory_space<vmem_shared>> -> memref<632x64xf32, #tpu.memory_space<vmem_shared>>
      tpu.enqueue_dma source(%dma_start3A_111 : memref<632x64xf32, #tpu.memory_space<vmem_shared>>) target(%dma_start3A_109 : memref<632x64xf32, #tpu.memory_space<hbm>>) target_semaphore(%run_scoped3A_100 : memref<!tpu.dma_semaphore, #tpu.memory_space<semaphore_mem>>)
      %dma_wait3A = arith.constant 0 : i32
      %dma_wait3A_112 = arith.constant 0 : i32
      %dma_wait3A_113 = arith.constant 0 : i32
      %dma_wait3A_114 = tpu.memref_slice %arg5[%arg0, %dma_wait3A, %dma_wait3A_112, %dma_wait3A_113] : memref<2x16x632x64xf32, #tpu.memory_space<hbm>> -> memref<1x16x632x64xf32, #tpu.memory_space<hbm>>
      %dma_wait3A_115 = tpu.memref_squeeze %dma_wait3A_114 : memref<1x16x632x64xf32, #tpu.memory_space<hbm>> -> memref<16x632x64xf32, #tpu.memory_space<hbm>>
      %dma_wait3A_116 = arith.constant 0 : i32
      %dma_wait3A_117 = arith.constant 0 : i32
      %dma_wait3A_118 = tpu.memref_slice %dma_wait3A_115[%arg1, %dma_wait3A_116, %dma_wait3A_117] : memref<16x632x64xf32, #tpu.memory_space<hbm>> -> memref<1x632x64xf32, #tpu.memory_space<hbm>>
      %dma_wait3A_119 = tpu.memref_squeeze %dma_wait3A_118 : memref<1x632x64xf32, #tpu.memory_space<hbm>> -> memref<632x64xf32, #tpu.memory_space<hbm>>
      %dma_wait3A_120 = arith.constant 0 : i32
      %dma_wait3A_121 = tpu.memref_slice %arg9[%mul3A_7, %dma_wait3A_120] : memref<10112x64xf32, #tpu.memory_space<vmem_shared>> -> memref<632x64xf32, #tpu.memory_space<vmem_shared>>
      tpu.wait_dma2 semaphore(%run_scoped3A_100 : memref<!tpu.dma_semaphore, #tpu.memory_space<semaphore_mem>>) src(%dma_wait3A_121 : memref<632x64xf32, #tpu.memory_space<vmem_shared>>) dst(%dma_wait3A_119 : memref<632x64xf32, #tpu.memory_space<hbm>>)
      tpu.yield
    }) : () -> ()
    return
  }
}

#map = affine_map<(d0, d1) -> (0, 0)>
#map1 = affine_map<(d0, d1) -> (0, 0, 0, 0)>
module attributes {stable_mosaic.version = 14 : i64} {
  func.func @agg_kernel(%arg0: i32, %arg1: i32, %arg2: memref<2560x128xi32, #tpu.memory_space<hbm>>, %arg3: memref<2560x128xi32, #tpu.memory_space<hbm>>, %arg4: memref<10000x64xf32, #tpu.memory_space<hbm>>, %arg5: memref<2x16x632x64xf32, #tpu.memory_space<hbm>>, %arg6: memref<80x128xi32, #tpu.memory_space<vmem>>, %arg7: memref<80x128xi32, #tpu.memory_space<vmem>>, %arg8: memref<2x128x64xf32, #tpu.memory_space<vmem>>, %arg9: memref<10112x64xf32, #tpu.memory_space<vmem_shared>>, %arg10: memref<10112x64xf32, #tpu.memory_space<vmem_shared>>, %arg11: memref<!tpu.dma_semaphore, #tpu.memory_space<semaphore_mem>>, %arg12: memref<!tpu.dma_semaphore, #tpu.memory_space<semaphore_mem>>) attributes {dimension_semantics = [#tpu.dimension_semantics<core_parallel>, #tpu.dimension_semantics<subcore_parallel>], iteration_bounds = array<i64: 2, 16>, scalar_prefetch = 0 : i64, scratch_operands = 7 : i64, tpu.core_type = #tpu.core_type<sc_vector_subcore>, window_params = [{transform_indices = #map}, {transform_indices = #map}, {transform_indices = #map}, {transform_indices = #map1}]} {
    %mul3A = arith.constant 2 : i32
    %mul3A_0 = arith.muli %arg1, %mul3A : i32
    %add3A = arith.addi %mul3A_0, %arg0 : i32
    %scan3A = arith.constant 0 : i32
    %scan3A_1 = arith.constant 0 : i32
    %scan3A_2 = arith.constant 128 : i32
    %scan3A_3 = arith.addi %scan3A_1, %scan3A_2 : i32
    %scan3A_4 = arith.constant 1 : i32
    scf.for %scan3A_100 = %scan3A_1 to %scan3A_3 step %scan3A_4  : i32 {
      %broadcast_in_dim3A = arith.constant 0.000000e+00 : f32
      %broadcast_in_dim3A_101 = vector.broadcast %broadcast_in_dim3A : f32 to vector<16xf32>
      %swap3A = arith.constant 0 : i32
      %swap3A_102 = arith.index_cast %swap3A : i32 to index
      %swap3A_103 = arith.index_cast %scan3A_100 : i32 to index
      %swap3A_104 = arith.constant 0 : index
      %swap3A_105 = tpu.vector_load %arg8[%swap3A_102, %swap3A_103, %swap3A_104] {strides = array<i32>} : memref<2x128x64xf32, #tpu.memory_space<vmem>>, vector<1x1x16xf32>,
      %swap3A_106 = vector.shape_cast %swap3A_105 : vector<1x1x16xf32> to vector<16xf32>
      %swap3A_107 = vector.shape_cast %broadcast_in_dim3A_101 : vector<16xf32> to vector<1x1x16xf32>
      tpu.vector_store %arg8[%swap3A_102, %swap3A_103, %swap3A_104], %swap3A_107 {strides = array<i32>} : memref<2x128x64xf32, #tpu.memory_space<vmem>>, vector<1x1x16xf32>,
      %broadcast_in_dim3A_108 = arith.constant 0.000000e+00 : f32
      %broadcast_in_dim3A_109 = vector.broadcast %broadcast_in_dim3A_108 : f32 to vector<16xf32>
      %swap3A_110 = arith.constant 0 : i32
      %swap3A_111 = arith.index_cast %swap3A_110 : i32 to index
      %swap3A_112 = arith.index_cast %scan3A_100 : i32 to index
      %swap3A_113 = arith.constant 16 : index
      %swap3A_114 = tpu.vector_load %arg8[%swap3A_111, %swap3A_112, %swap3A_113] {strides = array<i32>} : memref<2x128x64xf32, #tpu.memory_space<vmem>>, vector<1x1x16xf32>,
      %swap3A_115 = vector.shape_cast %swap3A_114 : vector<1x1x16xf32> to vector<16xf32>
      %swap3A_116 = vector.shape_cast %broadcast_in_dim3A_109 : vector<16xf32> to vector<1x1x16xf32>
      tpu.vector_store %arg8[%swap3A_111, %swap3A_112, %swap3A_113], %swap3A_116 {strides = array<i32>} : memref<2x128x64xf32, #tpu.memory_space<vmem>>, vector<1x1x16xf32>,
      %broadcast_in_dim3A_117 = arith.constant 0.000000e+00 : f32
      %broadcast_in_dim3A_118 = vector.broadcast %broadcast_in_dim3A_117 : f32 to vector<16xf32>
      %swap3A_119 = arith.constant 0 : i32
      %swap3A_120 = arith.index_cast %swap3A_119 : i32 to index
      %swap3A_121 = arith.index_cast %scan3A_100 : i32 to index
      %swap3A_122 = arith.constant 32 : index
      %swap3A_123 = tpu.vector_load %arg8[%swap3A_120, %swap3A_121, %swap3A_122] {strides = array<i32>} : memref<2x128x64xf32, #tpu.memory_space<vmem>>, vector<1x1x16xf32>,
      %swap3A_124 = vector.shape_cast %swap3A_123 : vector<1x1x16xf32> to vector<16xf32>
      %swap3A_125 = vector.shape_cast %broadcast_in_dim3A_118 : vector<16xf32> to vector<1x1x16xf32>
      tpu.vector_store %arg8[%swap3A_120, %swap3A_121, %swap3A_122], %swap3A_125 {strides = array<i32>} : memref<2x128x64xf32, #tpu.memory_space<vmem>>, vector<1x1x16xf32>,
      %broadcast_in_dim3A_126 = arith.constant 0.000000e+00 : f32
      %broadcast_in_dim3A_127 = vector.broadcast %broadcast_in_dim3A_126 : f32 to vector<16xf32>
      %swap3A_128 = arith.constant 0 : i32
      %swap3A_129 = arith.index_cast %swap3A_128 : i32 to index
      %swap3A_130 = arith.index_cast %scan3A_100 : i32 to index
      %swap3A_131 = arith.constant 48 : index
      %swap3A_132 = tpu.vector_load %arg8[%swap3A_129, %swap3A_130, %swap3A_131] {strides = array<i32>} : memref<2x128x64xf32, #tpu.memory_space<vmem>>, vector<1x1x16xf32>,
      %swap3A_133 = vector.shape_cast %swap3A_132 : vector<1x1x16xf32> to vector<16xf32>
      %swap3A_134 = vector.shape_cast %broadcast_in_dim3A_127 : vector<16xf32> to vector<1x1x16xf32>
      tpu.vector_store %arg8[%swap3A_129, %swap3A_130, %swap3A_131], %swap3A_134 {strides = array<i32>} : memref<2x128x64xf32, #tpu.memory_space<vmem>>, vector<1x1x16xf32>,
    }
    %scan3A_5 = arith.constant 128 : i32
    %mul3A_6 = arith.constant 632 : i32
    %mul3A_7 = arith.muli %arg1, %mul3A_6 : i32
    %add3A_8 = arith.constant 0 : i32
    %add3A_9 = arith.addi %mul3A_7, %add3A_8 : i32
    %run_scoped3A = arith.constant 0 : i32
    "tpu.region"() ({
      %run_scoped3A_100 = tpu.sem_alloc : memref<!tpu.dma_semaphore, #tpu.memory_space<semaphore_mem>>
      %dma_start3A_101 = arith.constant 0 : i32
      %dma_start3A_102 = arith.constant 0 : i32
      %dma_start3A_103 = tpu.memref_slice %arg8[%run_scoped3A, %dma_start3A_101, %dma_start3A_102] : memref<2x128x64xf32, #tpu.memory_space<vmem>> -> memref<1x128x64xf32, #tpu.memory_space<vmem>>
      %dma_start3A_104 = tpu.memref_squeeze %dma_start3A_103 : memref<1x128x64xf32, #tpu.memory_space<vmem>> -> memref<128x64xf32, #tpu.memory_space<vmem>>
      %dma_start3A_105 = arith.constant 0 : i32
      %dma_start3A_106 = tpu.memref_slice %arg9[%add3A_9, %dma_start3A_105] : memref<10112x64xf32, #tpu.memory_space<vmem_shared>> -> memref<128x64xf32, #tpu.memory_space<vmem_shared>>
      %dma_start3A_107 = arith.constant 0 : i32
      %dma_start3A_108 = tpu.memref_slice %arg9[%add3A_9, %dma_start3A_107] : memref<10112x64xf32, #tpu.memory_space<vmem_shared>> -> memref<128x64xf32, #tpu.memory_space<vmem_shared>>
      %dma_start3A_109 = arith.constant 0 : i32
      %dma_start3A_110 = arith.constant 0 : i32
      %dma_start3A_111 = tpu.memref_slice %arg8[%run_scoped3A, %dma_start3A_109, %dma_start3A_110] : memref<2x128x64xf32, #tpu.memory_space<vmem>> -> memref<1x128x64xf32, #tpu.memory_space<vmem>>
      %dma_start3A_112 = tpu.memref_squeeze %dma_start3A_111 : memref<1x128x64xf32, #tpu.memory_space<vmem>> -> memref<128x64xf32, #tpu.memory_space<vmem>>
      tpu.enqueue_dma source(%dma_start3A_112 : memref<128x64xf32, #tpu.memory_space<vmem>>) target(%dma_start3A_108 : memref<128x64xf32, #tpu.memory_space<vmem_shared>>) target_semaphore(%run_scoped3A_100 : memref<!tpu.dma_semaphore, #tpu.memory_space<semaphore_mem>>)
      %dma_wait3A = arith.constant 0 : i32
      %dma_wait3A_113 = arith.constant 0 : i32
      %dma_wait3A_114 = tpu.memref_slice %arg8[%run_scoped3A, %dma_wait3A, %dma_wait3A_113] : memref<2x128x64xf32, #tpu.memory_space<vmem>> -> memref<1x128x64xf32, #tpu.memory_space<vmem>>
      %dma_wait3A_115 = tpu.memref_squeeze %dma_wait3A_114 : memref<1x128x64xf32, #tpu.memory_space<vmem>> -> memref<128x64xf32, #tpu.memory_space<vmem>>
      %dma_wait3A_116 = arith.constant 0 : i32
      %dma_wait3A_117 = tpu.memref_slice %arg9[%add3A_9, %dma_wait3A_116] : memref<10112x64xf32, #tpu.memory_space<vmem_shared>> -> memref<128x64xf32, #tpu.memory_space<vmem_shared>>
      %dma_wait3A_118 = arith.constant 0 : i32
      %dma_wait3A_119 = tpu.memref_slice %arg9[%add3A_9, %dma_wait3A_118] : memref<10112x64xf32, #tpu.memory_space<vmem_shared>> -> memref<128x64xf32, #tpu.memory_space<vmem_shared>>
      %dma_wait3A_120 = arith.constant 0 : i32
      %dma_wait3A_121 = arith.constant 0 : i32
      %dma_wait3A_122 = tpu.memref_slice %arg8[%run_scoped3A, %dma_wait3A_120, %dma_wait3A_121] : memref<2x128x64xf32, #tpu.memory_space<vmem>> -> memref<1x128x64xf32, #tpu.memory_space<vmem>>
      %dma_wait3A_123 = tpu.memref_squeeze %dma_wait3A_122 : memref<1x128x64xf32, #tpu.memory_space<vmem>> -> memref<128x64xf32, #tpu.memory_space<vmem>>
      tpu.wait_dma2 semaphore(%run_scoped3A_100 : memref<!tpu.dma_semaphore, #tpu.memory_space<semaphore_mem>>) src(%dma_wait3A_123 : memref<128x64xf32, #tpu.memory_space<vmem>>) dst(%dma_wait3A_119 : memref<128x64xf32, #tpu.memory_space<vmem_shared>>)
      tpu.yield
    }) : () -> ()
    %add3A_10 = arith.constant 128 : i32
    %add3A_11 = arith.addi %mul3A_7, %add3A_10 : i32
    %run_scoped3A_12 = arith.constant 0 : i32
    "tpu.region"() ({
      %run_scoped3A_100 = tpu.sem_alloc : memref<!tpu.dma_semaphore, #tpu.memory_space<semaphore_mem>>
      %dma_start3A_101 = arith.constant 0 : i32
      %dma_start3A_102 = arith.constant 0 : i32
      %dma_start3A_103 = tpu.memref_slice %arg8[%run_scoped3A_12, %dma_start3A_101, %dma_start3A_102] : memref<2x128x64xf32, #tpu.memory_space<vmem>> -> memref<1x128x64xf32, #tpu.memory_space<vmem>>
      %dma_start3A_104 = tpu.memref_squeeze %dma_start3A_103 : memref<1x128x64xf32, #tpu.memory_space<vmem>> -> memref<128x64xf32, #tpu.memory_space<vmem>>
      %dma_start3A_105 = arith.constant 0 : i32
      %dma_start3A_106 = tpu.memref_slice %arg9[%add3A_11, %dma_start3A_105] : memref<10112x64xf32, #tpu.memory_space<vmem_shared>> -> memref<128x64xf32, #tpu.memory_space<vmem_shared>>
      %dma_start3A_107 = arith.constant 0 : i32
      %dma_start3A_108 = tpu.memref_slice %arg9[%add3A_11, %dma_start3A_107] : memref<10112x64xf32, #tpu.memory_space<vmem_shared>> -> memref<128x64xf32, #tpu.memory_space<vmem_shared>>
      %dma_start3A_109 = arith.constant 0 : i32
      %dma_start3A_110 = arith.constant 0 : i32
      %dma_start3A_111 = tpu.memref_slice %arg8[%run_scoped3A_12, %dma_start3A_109, %dma_start3A_110] : memref<2x128x64xf32, #tpu.memory_space<vmem>> -> memref<1x128x64xf32, #tpu.memory_space<vmem>>
      %dma_start3A_112 = tpu.memref_squeeze %dma_start3A_111 : memref<1x128x64xf32, #tpu.memory_space<vmem>> -> memref<128x64xf32, #tpu.memory_space<vmem>>
      tpu.enqueue_dma source(%dma_start3A_112 : memref<128x64xf32, #tpu.memory_space<vmem>>) target(%dma_start3A_108 : memref<128x64xf32, #tpu.memory_space<vmem_shared>>) target_semaphore(%run_scoped3A_100 : memref<!tpu.dma_semaphore, #tpu.memory_space<semaphore_mem>>)
      %dma_wait3A = arith.constant 0 : i32
      %dma_wait3A_113 = arith.constant 0 : i32
      %dma_wait3A_114 = tpu.memref_slice %arg8[%run_scoped3A_12, %dma_wait3A, %dma_wait3A_113] : memref<2x128x64xf32, #tpu.memory_space<vmem>> -> memref<1x128x64xf32, #tpu.memory_space<vmem>>
      %dma_wait3A_115 = tpu.memref_squeeze %dma_wait3A_114 : memref<1x128x64xf32, #tpu.memory_space<vmem>> -> memref<128x64xf32, #tpu.memory_space<vmem>>
      %dma_wait3A_116 = arith.constant 0 : i32
      %dma_wait3A_117 = tpu.memref_slice %arg9[%add3A_11, %dma_wait3A_116] : memref<10112x64xf32, #tpu.memory_space<vmem_shared>> -> memref<128x64xf32, #tpu.memory_space<vmem_shared>>
      %dma_wait3A_118 = arith.constant 0 : i32
      %dma_wait3A_119 = tpu.memref_slice %arg9[%add3A_11, %dma_wait3A_118] : memref<10112x64xf32, #tpu.memory_space<vmem_shared>> -> memref<128x64xf32, #tpu.memory_space<vmem_shared>>
      %dma_wait3A_120 = arith.constant 0 : i32
      %dma_wait3A_121 = arith.constant 0 : i32
      %dma_wait3A_122 = tpu.memref_slice %arg8[%run_scoped3A_12, %dma_wait3A_120, %dma_wait3A_121] : memref<2x128x64xf32, #tpu.memory_space<vmem>> -> memref<1x128x64xf32, #tpu.memory_space<vmem>>
      %dma_wait3A_123 = tpu.memref_squeeze %dma_wait3A_122 : memref<1x128x64xf32, #tpu.memory_space<vmem>> -> memref<128x64xf32, #tpu.memory_space<vmem>>
      tpu.wait_dma2 semaphore(%run_scoped3A_100 : memref<!tpu.dma_semaphore, #tpu.memory_space<semaphore_mem>>) src(%dma_wait3A_123 : memref<128x64xf32, #tpu.memory_space<vmem>>) dst(%dma_wait3A_119 : memref<128x64xf32, #tpu.memory_space<vmem_shared>>)
      tpu.yield
    }) : () -> ()
    %add3A_13 = arith.constant 256 : i32
    %add3A_14 = arith.addi %mul3A_7, %add3A_13 : i32
    %run_scoped3A_15 = arith.constant 0 : i32
    "tpu.region"() ({
      %run_scoped3A_100 = tpu.sem_alloc : memref<!tpu.dma_semaphore, #tpu.memory_space<semaphore_mem>>
      %dma_start3A_101 = arith.constant 0 : i32
      %dma_start3A_102 = arith.constant 0 : i32
      %dma_start3A_103 = tpu.memref_slice %arg8[%run_scoped3A_15, %dma_start3A_101, %dma_start3A_102] : memref<2x128x64xf32, #tpu.memory_space<vmem>> -> memref<1x128x64xf32, #tpu.memory_space<vmem>>
      %dma_start3A_104 = tpu.memref_squeeze %dma_start3A_103 : memref<1x128x64xf32, #tpu.memory_space<vmem>> -> memref<128x64xf32, #tpu.memory_space<vmem>>
      %dma_start3A_105 = arith.constant 0 : i32
      %dma_start3A_106 = tpu.memref_slice %arg9[%add3A_14, %dma_start3A_105] : memref<10112x64xf32, #tpu.memory_space<vmem_shared>> -> memref<128x64xf32, #tpu.memory_space<vmem_shared>>
      %dma_start3A_107 = arith.constant 0 : i32
      %dma_start3A_108 = tpu.memref_slice %arg9[%add3A_14, %dma_start3A_107] : memref<10112x64xf32, #tpu.memory_space<vmem_shared>> -> memref<128x64xf32, #tpu.memory_space<vmem_shared>>
      %dma_start3A_109 = arith.constant 0 : i32
      %dma_start3A_110 = arith.constant 0 : i32
      %dma_start3A_111 = tpu.memref_slice %arg8[%run_scoped3A_15, %dma_start3A_109, %dma_start3A_110] : memref<2x128x64xf32, #tpu.memory_space<vmem>> -> memref<1x128x64xf32, #tpu.memory_space<vmem>>
      %dma_start3A_112 = tpu.memref_squeeze %dma_start3A_111 : memref<1x128x64xf32, #tpu.memory_space<vmem>> -> memref<128x64xf32, #tpu.memory_space<vmem>>
      tpu.enqueue_dma source(%dma_start3A_112 : memref<128x64xf32, #tpu.memory_space<vmem>>) target(%dma_start3A_108 : memref<128x64xf32, #tpu.memory_space<vmem_shared>>) target_semaphore(%run_scoped3A_100 : memref<!tpu.dma_semaphore, #tpu.memory_space<semaphore_mem>>)
      %dma_wait3A = arith.constant 0 : i32
      %dma_wait3A_113 = arith.constant 0 : i32
      %dma_wait3A_114 = tpu.memref_slice %arg8[%run_scoped3A_15, %dma_wait3A, %dma_wait3A_113] : memref<2x128x64xf32, #tpu.memory_space<vmem>> -> memref<1x128x64xf32, #tpu.memory_space<vmem>>
      %dma_wait3A_115 = tpu.memref_squeeze %dma_wait3A_114 : memref<1x128x64xf32, #tpu.memory_space<vmem>> -> memref<128x64xf32, #tpu.memory_space<vmem>>
      %dma_wait3A_116 = arith.constant 0 : i32
      %dma_wait3A_117 = tpu.memref_slice %arg9[%add3A_14, %dma_wait3A_116] : memref<10112x64xf32, #tpu.memory_space<vmem_shared>> -> memref<128x64xf32, #tpu.memory_space<vmem_shared>>
      %dma_wait3A_118 = arith.constant 0 : i32
      %dma_wait3A_119 = tpu.memref_slice %arg9[%add3A_14, %dma_wait3A_118] : memref<10112x64xf32, #tpu.memory_space<vmem_shared>> -> memref<128x64xf32, #tpu.memory_space<vmem_shared>>
      %dma_wait3A_120 = arith.constant 0 : i32
      %dma_wait3A_121 = arith.constant 0 : i32
      %dma_wait3A_122 = tpu.memref_slice %arg8[%run_scoped3A_15, %dma_wait3A_120, %dma_wait3A_121] : memref<2x128x64xf32, #tpu.memory_space<vmem>> -> memref<1x128x64xf32, #tpu.memory_space<vmem>>
      %dma_wait3A_123 = tpu.memref_squeeze %dma_wait3A_122 : memref<1x128x64xf32, #tpu.memory_space<vmem>> -> memref<128x64xf32, #tpu.memory_space<vmem>>
      tpu.wait_dma2 semaphore(%run_scoped3A_100 : memref<!tpu.dma_semaphore, #tpu.memory_space<semaphore_mem>>) src(%dma_wait3A_123 : memref<128x64xf32, #tpu.memory_space<vmem>>) dst(%dma_wait3A_119 : memref<128x64xf32, #tpu.memory_space<vmem_shared>>)
      tpu.yield
    }) : () -> ()
    %add3A_16 = arith.constant 384 : i32
    %add3A_17 = arith.addi %mul3A_7, %add3A_16 : i32
    %run_scoped3A_18 = arith.constant 0 : i32
    "tpu.region"() ({
      %run_scoped3A_100 = tpu.sem_alloc : memref<!tpu.dma_semaphore, #tpu.memory_space<semaphore_mem>>
      %dma_start3A_101 = arith.constant 0 : i32
      %dma_start3A_102 = arith.constant 0 : i32
      %dma_start3A_103 = tpu.memref_slice %arg8[%run_scoped3A_18, %dma_start3A_101, %dma_start3A_102] : memref<2x128x64xf32, #tpu.memory_space<vmem>> -> memref<1x128x64xf32, #tpu.memory_space<vmem>>
      %dma_start3A_104 = tpu.memref_squeeze %dma_start3A_103 : memref<1x128x64xf32, #tpu.memory_space<vmem>> -> memref<128x64xf32, #tpu.memory_space<vmem>>
      %dma_start3A_105 = arith.constant 0 : i32
      %dma_start3A_106 = tpu.memref_slice %arg9[%add3A_17, %dma_start3A_105] : memref<10112x64xf32, #tpu.memory_space<vmem_shared>> -> memref<128x64xf32, #tpu.memory_space<vmem_shared>>
      %dma_start3A_107 = arith.constant 0 : i32
      %dma_start3A_108 = tpu.memref_slice %arg9[%add3A_17, %dma_start3A_107] : memref<10112x64xf32, #tpu.memory_space<vmem_shared>> -> memref<128x64xf32, #tpu.memory_space<vmem_shared>>
      %dma_start3A_109 = arith.constant 0 : i32
      %dma_start3A_110 = arith.constant 0 : i32
      %dma_start3A_111 = tpu.memref_slice %arg8[%run_scoped3A_18, %dma_start3A_109, %dma_start3A_110] : memref<2x128x64xf32, #tpu.memory_space<vmem>> -> memref<1x128x64xf32, #tpu.memory_space<vmem>>
      %dma_start3A_112 = tpu.memref_squeeze %dma_start3A_111 : memref<1x128x64xf32, #tpu.memory_space<vmem>> -> memref<128x64xf32, #tpu.memory_space<vmem>>
      tpu.enqueue_dma source(%dma_start3A_112 : memref<128x64xf32, #tpu.memory_space<vmem>>) target(%dma_start3A_108 : memref<128x64xf32, #tpu.memory_space<vmem_shared>>) target_semaphore(%run_scoped3A_100 : memref<!tpu.dma_semaphore, #tpu.memory_space<semaphore_mem>>)
      %dma_wait3A = arith.constant 0 : i32
      %dma_wait3A_113 = arith.constant 0 : i32
      %dma_wait3A_114 = tpu.memref_slice %arg8[%run_scoped3A_18, %dma_wait3A, %dma_wait3A_113] : memref<2x128x64xf32, #tpu.memory_space<vmem>> -> memref<1x128x64xf32, #tpu.memory_space<vmem>>
      %dma_wait3A_115 = tpu.memref_squeeze %dma_wait3A_114 : memref<1x128x64xf32, #tpu.memory_space<vmem>> -> memref<128x64xf32, #tpu.memory_space<vmem>>
      %dma_wait3A_116 = arith.constant 0 : i32
      %dma_wait3A_117 = tpu.memref_slice %arg9[%add3A_17, %dma_wait3A_116] : memref<10112x64xf32, #tpu.memory_space<vmem_shared>> -> memref<128x64xf32, #tpu.memory_space<vmem_shared>>
      %dma_wait3A_118 = arith.constant 0 : i32
      %dma_wait3A_119 = tpu.memref_slice %arg9[%add3A_17, %dma_wait3A_118] : memref<10112x64xf32, #tpu.memory_space<vmem_shared>> -> memref<128x64xf32, #tpu.memory_space<vmem_shared>>
      %dma_wait3A_120 = arith.constant 0 : i32
      %dma_wait3A_121 = arith.constant 0 : i32
      %dma_wait3A_122 = tpu.memref_slice %arg8[%run_scoped3A_18, %dma_wait3A_120, %dma_wait3A_121] : memref<2x128x64xf32, #tpu.memory_space<vmem>> -> memref<1x128x64xf32, #tpu.memory_space<vmem>>
      %dma_wait3A_123 = tpu.memref_squeeze %dma_wait3A_122 : memref<1x128x64xf32, #tpu.memory_space<vmem>> -> memref<128x64xf32, #tpu.memory_space<vmem>>
      tpu.wait_dma2 semaphore(%run_scoped3A_100 : memref<!tpu.dma_semaphore, #tpu.memory_space<semaphore_mem>>) src(%dma_wait3A_123 : memref<128x64xf32, #tpu.memory_space<vmem>>) dst(%dma_wait3A_119 : memref<128x64xf32, #tpu.memory_space<vmem_shared>>)
      tpu.yield
    }) : () -> ()
    %add3A_19 = arith.constant 512 : i32
    %add3A_20 = arith.addi %mul3A_7, %add3A_19 : i32
    %run_scoped3A_21 = arith.constant 0 : i32
    "tpu.region"() ({
      %run_scoped3A_100 = tpu.sem_alloc : memref<!tpu.dma_semaphore, #tpu.memory_space<semaphore_mem>>
      %dma_start3A_101 = arith.constant 0 : i32
      %dma_start3A_102 = arith.constant 0 : i32
      %dma_start3A_103 = tpu.memref_slice %arg8[%run_scoped3A_21, %dma_start3A_101, %dma_start3A_102] : memref<2x128x64xf32, #tpu.memory_space<vmem>> -> memref<1x128x64xf32, #tpu.memory_space<vmem>>
      %dma_start3A_104 = tpu.memref_squeeze %dma_start3A_103 : memref<1x128x64xf32, #tpu.memory_space<vmem>> -> memref<128x64xf32, #tpu.memory_space<vmem>>
      %dma_start3A_105 = arith.constant 0 : i32
      %dma_start3A_106 = arith.constant 0 : i32
      %dma_start3A_107 = tpu.memref_slice %dma_start3A_104[%dma_start3A_105, %dma_start3A_106] : memref<128x64xf32, #tpu.memory_space<vmem>> -> memref<120x64xf32, #tpu.memory_space<vmem>>
      %dma_start3A_108 = arith.constant 0 : i32
      %dma_start3A_109 = tpu.memref_slice %arg9[%add3A_20, %dma_start3A_108] : memref<10112x64xf32, #tpu.memory_space<vmem_shared>> -> memref<120x64xf32, #tpu.memory_space<vmem_shared>>
      %dma_start3A_110 = arith.constant 0 : i32
      %dma_start3A_111 = tpu.memref_slice %arg9[%add3A_20, %dma_start3A_110] : memref<10112x64xf32, #tpu.memory_space<vmem_shared>> -> memref<120x64xf32, #tpu.memory_space<vmem_shared>>
      %dma_start3A_112 = arith.constant 0 : i32
      %dma_start3A_113 = arith.constant 0 : i32
      %dma_start3A_114 = tpu.memref_slice %arg8[%run_scoped3A_21, %dma_start3A_112, %dma_start3A_113] : memref<2x128x64xf32, #tpu.memory_space<vmem>> -> memref<1x128x64xf32, #tpu.memory_space<vmem>>
      %dma_start3A_115 = tpu.memref_squeeze %dma_start3A_114 : memref<1x128x64xf32, #tpu.memory_space<vmem>> -> memref<128x64xf32, #tpu.memory_space<vmem>>
      %dma_start3A_116 = arith.constant 0 : i32
      %dma_start3A_117 = arith.constant 0 : i32
      %dma_start3A_118 = tpu.memref_slice %dma_start3A_115[%dma_start3A_116, %dma_start3A_117] : memref<128x64xf32, #tpu.memory_space<vmem>> -> memref<120x64xf32, #tpu.memory_space<vmem>>
      tpu.enqueue_dma source(%dma_start3A_118 : memref<120x64xf32, #tpu.memory_space<vmem>>) target(%dma_start3A_111 : memref<120x64xf32, #tpu.memory_space<vmem_shared>>) target_semaphore(%run_scoped3A_100 : memref<!tpu.dma_semaphore, #tpu.memory_space<semaphore_mem>>)
      %dma_wait3A = arith.constant 0 : i32
      %dma_wait3A_119 = arith.constant 0 : i32
      %dma_wait3A_120 = tpu.memref_slice %arg8[%run_scoped3A_21, %dma_wait3A, %dma_wait3A_119] : memref<2x128x64xf32, #tpu.memory_space<vmem>> -> memref<1x128x64xf32, #tpu.memory_space<vmem>>
      %dma_wait3A_121 = tpu.memref_squeeze %dma_wait3A_120 : memref<1x128x64xf32, #tpu.memory_space<vmem>> -> memref<128x64xf32, #tpu.memory_space<vmem>>
      %dma_wait3A_122 = arith.constant 0 : i32
      %dma_wait3A_123 = arith.constant 0 : i32
      %dma_wait3A_124 = tpu.memref_slice %dma_wait3A_121[%dma_wait3A_122, %dma_wait3A_123] : memref<128x64xf32, #tpu.memory_space<vmem>> -> memref<120x64xf32, #tpu.memory_space<vmem>>
      %dma_wait3A_125 = arith.constant 0 : i32
      %dma_wait3A_126 = tpu.memref_slice %arg9[%add3A_20, %dma_wait3A_125] : memref<10112x64xf32, #tpu.memory_space<vmem_shared>> -> memref<120x64xf32, #tpu.memory_space<vmem_shared>>
      %dma_wait3A_127 = arith.constant 0 : i32
      %dma_wait3A_128 = tpu.memref_slice %arg9[%add3A_20, %dma_wait3A_127] : memref<10112x64xf32, #tpu.memory_space<vmem_shared>> -> memref<120x64xf32, #tpu.memory_space<vmem_shared>>
      %dma_wait3A_129 = arith.constant 0 : i32
      %dma_wait3A_130 = arith.constant 0 : i32
      %dma_wait3A_131 = tpu.memref_slice %arg8[%run_scoped3A_21, %dma_wait3A_129, %dma_wait3A_130] : memref<2x128x64xf32, #tpu.memory_space<vmem>> -> memref<1x128x64xf32, #tpu.memory_space<vmem>>
      %dma_wait3A_132 = tpu.memref_squeeze %dma_wait3A_131 : memref<1x128x64xf32, #tpu.memory_space<vmem>> -> memref<128x64xf32, #tpu.memory_space<vmem>>
      %dma_wait3A_133 = arith.constant 0 : i32
      %dma_wait3A_134 = arith.constant 0 : i32
      %dma_wait3A_135 = tpu.memref_slice %dma_wait3A_132[%dma_wait3A_133, %dma_wait3A_134] : memref<128x64xf32, #tpu.memory_space<vmem>> -> memref<120x64xf32, #tpu.memory_space<vmem>>
      tpu.wait_dma2 semaphore(%run_scoped3A_100 : memref<!tpu.dma_semaphore, #tpu.memory_space<semaphore_mem>>) src(%dma_wait3A_135 : memref<120x64xf32, #tpu.memory_space<vmem>>) dst(%dma_wait3A_128 : memref<120x64xf32, #tpu.memory_space<vmem_shared>>)
      tpu.yield
    }) : () -> ()
    %add3A_22 = arith.constant 0 : i32
    %add3A_23 = arith.addi %add3A_22, %arg1 : i32
    %lt3A = arith.constant 78 : i32
    %lt3A_24 = arith.cmpi slt, %add3A_23, %lt3A : i32
    %convert_element_type3A = arith.extui %lt3A_24 : i1 to i32
    %cond3A = arith.constant 0 : i32
    %cond3A_25 = arith.cmpi ne, %convert_element_type3A, %cond3A : i32
    scf.if %cond3A_25 {
      %mul3A_100 = arith.constant 128 : i32
      %mul3A_101 = arith.muli %add3A_23, %mul3A_100 : i32
      %mul3A_102 = arith.constant 128 : i32
      %mul3A_103 = arith.muli %add3A_23, %mul3A_102 : i32
      "tpu.region"() ({
        %run_scoped3A_104 = tpu.sem_alloc : memref<!tpu.dma_semaphore, #tpu.memory_space<semaphore_mem>>
        %dma_start3A_105 = arith.constant 0 : i32
        %dma_start3A_106 = tpu.memref_slice %arg10[%mul3A_103, %dma_start3A_105] : memref<10112x64xf32, #tpu.memory_space<vmem_shared>> -> memref<128x64xf32, #tpu.memory_space<vmem_shared>>
        %dma_start3A_107 = arith.constant 0 : i32
        %dma_start3A_108 = tpu.memref_slice %arg4[%mul3A_101, %dma_start3A_107] : memref<10000x64xf32, #tpu.memory_space<hbm>> -> memref<128x64xf32, #tpu.memory_space<hbm>>
        tpu.enqueue_dma source(%dma_start3A_108 : memref<128x64xf32, #tpu.memory_space<hbm>>) target(%dma_start3A_106 : memref<128x64xf32, #tpu.memory_space<vmem_shared>>) target_semaphore(%run_scoped3A_104 : memref<!tpu.dma_semaphore, #tpu.memory_space<semaphore_mem>>)
        %dma_wait3A = arith.constant 0 : i32
        %dma_wait3A_109 = tpu.memref_slice %arg10[%mul3A_103, %dma_wait3A] : memref<10112x64xf32, #tpu.memory_space<vmem_shared>> -> memref<128x64xf32, #tpu.memory_space<vmem_shared>>
        %dma_wait3A_110 = arith.constant 0 : i32
        %dma_wait3A_111 = tpu.memref_slice %arg4[%mul3A_101, %dma_wait3A_110] : memref<10000x64xf32, #tpu.memory_space<hbm>> -> memref<128x64xf32, #tpu.memory_space<hbm>>
        tpu.wait_dma2 semaphore(%run_scoped3A_104 : memref<!tpu.dma_semaphore, #tpu.memory_space<semaphore_mem>>) src(%dma_wait3A_111 : memref<128x64xf32, #tpu.memory_space<hbm>>) dst(%dma_wait3A_109 : memref<128x64xf32, #tpu.memory_space<vmem_shared>>)
        tpu.yield
      }) : () -> ()
    } else {
    }
    %eq3A = arith.constant 78 : i32
    %eq3A_26 = arith.cmpi eq, %add3A_23, %eq3A : i32
    %convert_element_type3A_27 = arith.extui %eq3A_26 : i1 to i32
    %cond3A_28 = arith.constant 0 : i32
    %cond3A_29 = arith.cmpi ne, %convert_element_type3A_27, %cond3A_28 : i32
    scf.if %cond3A_29 {
      "tpu.region"() ({
        %run_scoped3A_100 = tpu.sem_alloc : memref<!tpu.dma_semaphore, #tpu.memory_space<semaphore_mem>>
        %dma_start3A_101 = arith.constant 9984 : i32
        %dma_start3A_102 = arith.constant 0 : i32
        %dma_start3A_103 = tpu.memref_slice %arg10[%dma_start3A_101, %dma_start3A_102] : memref<10112x64xf32, #tpu.memory_space<vmem_shared>> -> memref<16x64xf32, #tpu.memory_space<vmem_shared>>
        %dma_start3A_104 = arith.constant 9984 : i32
        %dma_start3A_105 = arith.constant 0 : i32
        %dma_start3A_106 = tpu.memref_slice %arg4[%dma_start3A_104, %dma_start3A_105] : memref<10000x64xf32, #tpu.memory_space<hbm>> -> memref<16x64xf32, #tpu.memory_space<hbm>>
        tpu.enqueue_dma source(%dma_start3A_106 : memref<16x64xf32, #tpu.memory_space<hbm>>) target(%dma_start3A_103 : memref<16x64xf32, #tpu.memory_space<vmem_shared>>) target_semaphore(%run_scoped3A_100 : memref<!tpu.dma_semaphore, #tpu.memory_space<semaphore_mem>>)
        %dma_wait3A = arith.constant 9984 : i32
        %dma_wait3A_107 = arith.constant 0 : i32
        %dma_wait3A_108 = tpu.memref_slice %arg10[%dma_wait3A, %dma_wait3A_107] : memref<10112x64xf32, #tpu.memory_space<vmem_shared>> -> memref<16x64xf32, #tpu.memory_space<vmem_shared>>
        %dma_wait3A_109 = arith.constant 9984 : i32
        %dma_wait3A_110 = arith.constant 0 : i32
        %dma_wait3A_111 = tpu.memref_slice %arg4[%dma_wait3A_109, %dma_wait3A_110] : memref<10000x64xf32, #tpu.memory_space<hbm>> -> memref<16x64xf32, #tpu.memory_space<hbm>>
        tpu.wait_dma2 semaphore(%run_scoped3A_100 : memref<!tpu.dma_semaphore, #tpu.memory_space<semaphore_mem>>) src(%dma_wait3A_111 : memref<16x64xf32, #tpu.memory_space<hbm>>) dst(%dma_wait3A_108 : memref<16x64xf32, #tpu.memory_space<vmem_shared>>)
        tpu.yield
      }) : () -> ()
    } else {
    }
    %add3A_30 = arith.constant 16 : i32
    %add3A_31 = arith.addi %add3A_30, %arg1 : i32
    %lt3A_32 = arith.constant 78 : i32
    %lt3A_33 = arith.cmpi slt, %add3A_31, %lt3A_32 : i32
    %convert_element_type3A_34 = arith.extui %lt3A_33 : i1 to i32
    %cond3A_35 = arith.constant 0 : i32
    %cond3A_36 = arith.cmpi ne, %convert_element_type3A_34, %cond3A_35 : i32
    scf.if %cond3A_36 {
      %mul3A_100 = arith.constant 128 : i32
      %mul3A_101 = arith.muli %add3A_31, %mul3A_100 : i32
      %mul3A_102 = arith.constant 128 : i32
      %mul3A_103 = arith.muli %add3A_31, %mul3A_102 : i32
      "tpu.region"() ({
        %run_scoped3A_104 = tpu.sem_alloc : memref<!tpu.dma_semaphore, #tpu.memory_space<semaphore_mem>>
        %dma_start3A_105 = arith.constant 0 : i32
        %dma_start3A_106 = tpu.memref_slice %arg10[%mul3A_103, %dma_start3A_105] : memref<10112x64xf32, #tpu.memory_space<vmem_shared>> -> memref<128x64xf32, #tpu.memory_space<vmem_shared>>
        %dma_start3A_107 = arith.constant 0 : i32
        %dma_start3A_108 = tpu.memref_slice %arg4[%mul3A_101, %dma_start3A_107] : memref<10000x64xf32, #tpu.memory_space<hbm>> -> memref<128x64xf32, #tpu.memory_space<hbm>>
        tpu.enqueue_dma source(%dma_start3A_108 : memref<128x64xf32, #tpu.memory_space<hbm>>) target(%dma_start3A_106 : memref<128x64xf32, #tpu.memory_space<vmem_shared>>) target_semaphore(%run_scoped3A_104 : memref<!tpu.dma_semaphore, #tpu.memory_space<semaphore_mem>>)
        %dma_wait3A = arith.constant 0 : i32
        %dma_wait3A_109 = tpu.memref_slice %arg10[%mul3A_103, %dma_wait3A] : memref<10112x64xf32, #tpu.memory_space<vmem_shared>> -> memref<128x64xf32, #tpu.memory_space<vmem_shared>>
        %dma_wait3A_110 = arith.constant 0 : i32
        %dma_wait3A_111 = tpu.memref_slice %arg4[%mul3A_101, %dma_wait3A_110] : memref<10000x64xf32, #tpu.memory_space<hbm>> -> memref<128x64xf32, #tpu.memory_space<hbm>>
        tpu.wait_dma2 semaphore(%run_scoped3A_104 : memref<!tpu.dma_semaphore, #tpu.memory_space<semaphore_mem>>) src(%dma_wait3A_111 : memref<128x64xf32, #tpu.memory_space<hbm>>) dst(%dma_wait3A_109 : memref<128x64xf32, #tpu.memory_space<vmem_shared>>)
        tpu.yield
      }) : () -> ()
    } else {
    }
    %eq3A_37 = arith.constant 78 : i32
    %eq3A_38 = arith.cmpi eq, %add3A_31, %eq3A_37 : i32
    %convert_element_type3A_39 = arith.extui %eq3A_38 : i1 to i32
    %cond3A_40 = arith.constant 0 : i32
    %cond3A_41 = arith.cmpi ne, %convert_element_type3A_39, %cond3A_40 : i32
    scf.if %cond3A_41 {
      "tpu.region"() ({
        %run_scoped3A_100 = tpu.sem_alloc : memref<!tpu.dma_semaphore, #tpu.memory_space<semaphore_mem>>
        %dma_start3A_101 = arith.constant 9984 : i32
        %dma_start3A_102 = arith.constant 0 : i32
        %dma_start3A_103 = tpu.memref_slice %arg10[%dma_start3A_101, %dma_start3A_102] : memref<10112x64xf32, #tpu.memory_space<vmem_shared>> -> memref<16x64xf32, #tpu.memory_space<vmem_shared>>
        %dma_start3A_104 = arith.constant 9984 : i32
        %dma_start3A_105 = arith.constant 0 : i32
        %dma_start3A_106 = tpu.memref_slice %arg4[%dma_start3A_104, %dma_start3A_105] : memref<10000x64xf32, #tpu.memory_space<hbm>> -> memref<16x64xf32, #tpu.memory_space<hbm>>
        tpu.enqueue_dma source(%dma_start3A_106 : memref<16x64xf32, #tpu.memory_space<hbm>>) target(%dma_start3A_103 : memref<16x64xf32, #tpu.memory_space<vmem_shared>>) target_semaphore(%run_scoped3A_100 : memref<!tpu.dma_semaphore, #tpu.memory_space<semaphore_mem>>)
        %dma_wait3A = arith.constant 9984 : i32
        %dma_wait3A_107 = arith.constant 0 : i32
        %dma_wait3A_108 = tpu.memref_slice %arg10[%dma_wait3A, %dma_wait3A_107] : memref<10112x64xf32, #tpu.memory_space<vmem_shared>> -> memref<16x64xf32, #tpu.memory_space<vmem_shared>>
        %dma_wait3A_109 = arith.constant 9984 : i32
        %dma_wait3A_110 = arith.constant 0 : i32
        %dma_wait3A_111 = tpu.memref_slice %arg4[%dma_wait3A_109, %dma_wait3A_110] : memref<10000x64xf32, #tpu.memory_space<hbm>> -> memref<16x64xf32, #tpu.memory_space<hbm>>
        tpu.wait_dma2 semaphore(%run_scoped3A_100 : memref<!tpu.dma_semaphore, #tpu.memory_space<semaphore_mem>>) src(%dma_wait3A_111 : memref<16x64xf32, #tpu.memory_space<hbm>>) dst(%dma_wait3A_108 : memref<16x64xf32, #tpu.memory_space<vmem_shared>>)
        tpu.yield
      }) : () -> ()
    } else {
    }
    %add3A_42 = arith.constant 32 : i32
    %add3A_43 = arith.addi %add3A_42, %arg1 : i32
    %lt3A_44 = arith.constant 78 : i32
    %lt3A_45 = arith.cmpi slt, %add3A_43, %lt3A_44 : i32
    %convert_element_type3A_46 = arith.extui %lt3A_45 : i1 to i32
    %cond3A_47 = arith.constant 0 : i32
    %cond3A_48 = arith.cmpi ne, %convert_element_type3A_46, %cond3A_47 : i32
    scf.if %cond3A_48 {
      %mul3A_100 = arith.constant 128 : i32
      %mul3A_101 = arith.muli %add3A_43, %mul3A_100 : i32
      %mul3A_102 = arith.constant 128 : i32
      %mul3A_103 = arith.muli %add3A_43, %mul3A_102 : i32
      "tpu.region"() ({
        %run_scoped3A_104 = tpu.sem_alloc : memref<!tpu.dma_semaphore, #tpu.memory_space<semaphore_mem>>
        %dma_start3A_105 = arith.constant 0 : i32
        %dma_start3A_106 = tpu.memref_slice %arg10[%mul3A_103, %dma_start3A_105] : memref<10112x64xf32, #tpu.memory_space<vmem_shared>> -> memref<128x64xf32, #tpu.memory_space<vmem_shared>>
        %dma_start3A_107 = arith.constant 0 : i32
        %dma_start3A_108 = tpu.memref_slice %arg4[%mul3A_101, %dma_start3A_107] : memref<10000x64xf32, #tpu.memory_space<hbm>> -> memref<128x64xf32, #tpu.memory_space<hbm>>
        tpu.enqueue_dma source(%dma_start3A_108 : memref<128x64xf32, #tpu.memory_space<hbm>>) target(%dma_start3A_106 : memref<128x64xf32, #tpu.memory_space<vmem_shared>>) target_semaphore(%run_scoped3A_104 : memref<!tpu.dma_semaphore, #tpu.memory_space<semaphore_mem>>)
        %dma_wait3A = arith.constant 0 : i32
        %dma_wait3A_109 = tpu.memref_slice %arg10[%mul3A_103, %dma_wait3A] : memref<10112x64xf32, #tpu.memory_space<vmem_shared>> -> memref<128x64xf32, #tpu.memory_space<vmem_shared>>
        %dma_wait3A_110 = arith.constant 0 : i32
        %dma_wait3A_111 = tpu.memref_slice %arg4[%mul3A_101, %dma_wait3A_110] : memref<10000x64xf32, #tpu.memory_space<hbm>> -> memref<128x64xf32, #tpu.memory_space<hbm>>
        tpu.wait_dma2 semaphore(%run_scoped3A_104 : memref<!tpu.dma_semaphore, #tpu.memory_space<semaphore_mem>>) src(%dma_wait3A_111 : memref<128x64xf32, #tpu.memory_space<hbm>>) dst(%dma_wait3A_109 : memref<128x64xf32, #tpu.memory_space<vmem_shared>>)
        tpu.yield
      }) : () -> ()
    } else {
    }
    %eq3A_49 = arith.constant 78 : i32
    %eq3A_50 = arith.cmpi eq, %add3A_43, %eq3A_49 : i32
    %convert_element_type3A_51 = arith.extui %eq3A_50 : i1 to i32
    %cond3A_52 = arith.constant 0 : i32
    %cond3A_53 = arith.cmpi ne, %convert_element_type3A_51, %cond3A_52 : i32
    scf.if %cond3A_53 {
      "tpu.region"() ({
        %run_scoped3A_100 = tpu.sem_alloc : memref<!tpu.dma_semaphore, #tpu.memory_space<semaphore_mem>>
        %dma_start3A_101 = arith.constant 9984 : i32
        %dma_start3A_102 = arith.constant 0 : i32
        %dma_start3A_103 = tpu.memref_slice %arg10[%dma_start3A_101, %dma_start3A_102] : memref<10112x64xf32, #tpu.memory_space<vmem_shared>> -> memref<16x64xf32, #tpu.memory_space<vmem_shared>>
        %dma_start3A_104 = arith.constant 9984 : i32
        %dma_start3A_105 = arith.constant 0 : i32
        %dma_start3A_106 = tpu.memref_slice %arg4[%dma_start3A_104, %dma_start3A_105] : memref<10000x64xf32, #tpu.memory_space<hbm>> -> memref<16x64xf32, #tpu.memory_space<hbm>>
        tpu.enqueue_dma source(%dma_start3A_106 : memref<16x64xf32, #tpu.memory_space<hbm>>) target(%dma_start3A_103 : memref<16x64xf32, #tpu.memory_space<vmem_shared>>) target_semaphore(%run_scoped3A_100 : memref<!tpu.dma_semaphore, #tpu.memory_space<semaphore_mem>>)
        %dma_wait3A = arith.constant 9984 : i32
        %dma_wait3A_107 = arith.constant 0 : i32
        %dma_wait3A_108 = tpu.memref_slice %arg10[%dma_wait3A, %dma_wait3A_107] : memref<10112x64xf32, #tpu.memory_space<vmem_shared>> -> memref<16x64xf32, #tpu.memory_space<vmem_shared>>
        %dma_wait3A_109 = arith.constant 9984 : i32
        %dma_wait3A_110 = arith.constant 0 : i32
        %dma_wait3A_111 = tpu.memref_slice %arg4[%dma_wait3A_109, %dma_wait3A_110] : memref<10000x64xf32, #tpu.memory_space<hbm>> -> memref<16x64xf32, #tpu.memory_space<hbm>>
        tpu.wait_dma2 semaphore(%run_scoped3A_100 : memref<!tpu.dma_semaphore, #tpu.memory_space<semaphore_mem>>) src(%dma_wait3A_111 : memref<16x64xf32, #tpu.memory_space<hbm>>) dst(%dma_wait3A_108 : memref<16x64xf32, #tpu.memory_space<vmem_shared>>)
        tpu.yield
      }) : () -> ()
    } else {
    }
    %add3A_54 = arith.constant 48 : i32
    %add3A_55 = arith.addi %add3A_54, %arg1 : i32
    %lt3A_56 = arith.constant 78 : i32
    %lt3A_57 = arith.cmpi slt, %add3A_55, %lt3A_56 : i32
    %convert_element_type3A_58 = arith.extui %lt3A_57 : i1 to i32
    %cond3A_59 = arith.constant 0 : i32
    %cond3A_60 = arith.cmpi ne, %convert_element_type3A_58, %cond3A_59 : i32
    scf.if %cond3A_60 {
      %mul3A_100 = arith.constant 128 : i32
      %mul3A_101 = arith.muli %add3A_55, %mul3A_100 : i32
      %mul3A_102 = arith.constant 128 : i32
      %mul3A_103 = arith.muli %add3A_55, %mul3A_102 : i32
      "tpu.region"() ({
        %run_scoped3A_104 = tpu.sem_alloc : memref<!tpu.dma_semaphore, #tpu.memory_space<semaphore_mem>>
        %dma_start3A_105 = arith.constant 0 : i32
        %dma_start3A_106 = tpu.memref_slice %arg10[%mul3A_103, %dma_start3A_105] : memref<10112x64xf32, #tpu.memory_space<vmem_shared>> -> memref<128x64xf32, #tpu.memory_space<vmem_shared>>
        %dma_start3A_107 = arith.constant 0 : i32
        %dma_start3A_108 = tpu.memref_slice %arg4[%mul3A_101, %dma_start3A_107] : memref<10000x64xf32, #tpu.memory_space<hbm>> -> memref<128x64xf32, #tpu.memory_space<hbm>>
        tpu.enqueue_dma source(%dma_start3A_108 : memref<128x64xf32, #tpu.memory_space<hbm>>) target(%dma_start3A_106 : memref<128x64xf32, #tpu.memory_space<vmem_shared>>) target_semaphore(%run_scoped3A_104 : memref<!tpu.dma_semaphore, #tpu.memory_space<semaphore_mem>>)
        %dma_wait3A = arith.constant 0 : i32
        %dma_wait3A_109 = tpu.memref_slice %arg10[%mul3A_103, %dma_wait3A] : memref<10112x64xf32, #tpu.memory_space<vmem_shared>> -> memref<128x64xf32, #tpu.memory_space<vmem_shared>>
        %dma_wait3A_110 = arith.constant 0 : i32
        %dma_wait3A_111 = tpu.memref_slice %arg4[%mul3A_101, %dma_wait3A_110] : memref<10000x64xf32, #tpu.memory_space<hbm>> -> memref<128x64xf32, #tpu.memory_space<hbm>>
        tpu.wait_dma2 semaphore(%run_scoped3A_104 : memref<!tpu.dma_semaphore, #tpu.memory_space<semaphore_mem>>) src(%dma_wait3A_111 : memref<128x64xf32, #tpu.memory_space<hbm>>) dst(%dma_wait3A_109 : memref<128x64xf32, #tpu.memory_space<vmem_shared>>)
        tpu.yield
      }) : () -> ()
    } else {
    }
    %eq3A_61 = arith.constant 78 : i32
    %eq3A_62 = arith.cmpi eq, %add3A_55, %eq3A_61 : i32
    %convert_element_type3A_63 = arith.extui %eq3A_62 : i1 to i32
    %cond3A_64 = arith.constant 0 : i32
    %cond3A_65 = arith.cmpi ne, %convert_element_type3A_63, %cond3A_64 : i32
    scf.if %cond3A_65 {
      "tpu.region"() ({
        %run_scoped3A_100 = tpu.sem_alloc : memref<!tpu.dma_semaphore, #tpu.memory_space<semaphore_mem>>
        %dma_start3A_101 = arith.constant 9984 : i32
        %dma_start3A_102 = arith.constant 0 : i32
        %dma_start3A_103 = tpu.memref_slice %arg10[%dma_start3A_101, %dma_start3A_102] : memref<10112x64xf32, #tpu.memory_space<vmem_shared>> -> memref<16x64xf32, #tpu.memory_space<vmem_shared>>
        %dma_start3A_104 = arith.constant 9984 : i32
        %dma_start3A_105 = arith.constant 0 : i32
        %dma_start3A_106 = tpu.memref_slice %arg4[%dma_start3A_104, %dma_start3A_105] : memref<10000x64xf32, #tpu.memory_space<hbm>> -> memref<16x64xf32, #tpu.memory_space<hbm>>
        tpu.enqueue_dma source(%dma_start3A_106 : memref<16x64xf32, #tpu.memory_space<hbm>>) target(%dma_start3A_103 : memref<16x64xf32, #tpu.memory_space<vmem_shared>>) target_semaphore(%run_scoped3A_100 : memref<!tpu.dma_semaphore, #tpu.memory_space<semaphore_mem>>)
        %dma_wait3A = arith.constant 9984 : i32
        %dma_wait3A_107 = arith.constant 0 : i32
        %dma_wait3A_108 = tpu.memref_slice %arg10[%dma_wait3A, %dma_wait3A_107] : memref<10112x64xf32, #tpu.memory_space<vmem_shared>> -> memref<16x64xf32, #tpu.memory_space<vmem_shared>>
        %dma_wait3A_109 = arith.constant 9984 : i32
        %dma_wait3A_110 = arith.constant 0 : i32
        %dma_wait3A_111 = tpu.memref_slice %arg4[%dma_wait3A_109, %dma_wait3A_110] : memref<10000x64xf32, #tpu.memory_space<hbm>> -> memref<16x64xf32, #tpu.memory_space<hbm>>
        tpu.wait_dma2 semaphore(%run_scoped3A_100 : memref<!tpu.dma_semaphore, #tpu.memory_space<semaphore_mem>>) src(%dma_wait3A_111 : memref<16x64xf32, #tpu.memory_space<hbm>>) dst(%dma_wait3A_108 : memref<16x64xf32, #tpu.memory_space<vmem_shared>>)
        tpu.yield
      }) : () -> ()
    } else {
    }
    %add3A_66 = arith.constant 64 : i32
    %add3A_67 = arith.addi %add3A_66, %arg1 : i32
    %lt3A_68 = arith.constant 78 : i32
    %lt3A_69 = arith.cmpi slt, %add3A_67, %lt3A_68 : i32
    %convert_element_type3A_70 = arith.extui %lt3A_69 : i1 to i32
    %cond3A_71 = arith.constant 0 : i32
    %cond3A_72 = arith.cmpi ne, %convert_element_type3A_70, %cond3A_71 : i32
    scf.if %cond3A_72 {
      %mul3A_100 = arith.constant 128 : i32
      %mul3A_101 = arith.muli %add3A_67, %mul3A_100 : i32
      %mul3A_102 = arith.constant 128 : i32
      %mul3A_103 = arith.muli %add3A_67, %mul3A_102 : i32
      "tpu.region"() ({
        %run_scoped3A_104 = tpu.sem_alloc : memref<!tpu.dma_semaphore, #tpu.memory_space<semaphore_mem>>
        %dma_start3A_105 = arith.constant 0 : i32
        %dma_start3A_106 = tpu.memref_slice %arg10[%mul3A_103, %dma_start3A_105] : memref<10112x64xf32, #tpu.memory_space<vmem_shared>> -> memref<128x64xf32, #tpu.memory_space<vmem_shared>>
        %dma_start3A_107 = arith.constant 0 : i32
        %dma_start3A_108 = tpu.memref_slice %arg4[%mul3A_101, %dma_start3A_107] : memref<10000x64xf32, #tpu.memory_space<hbm>> -> memref<128x64xf32, #tpu.memory_space<hbm>>
        tpu.enqueue_dma source(%dma_start3A_108 : memref<128x64xf32, #tpu.memory_space<hbm>>) target(%dma_start3A_106 : memref<128x64xf32, #tpu.memory_space<vmem_shared>>) target_semaphore(%run_scoped3A_104 : memref<!tpu.dma_semaphore, #tpu.memory_space<semaphore_mem>>)
        %dma_wait3A = arith.constant 0 : i32
        %dma_wait3A_109 = tpu.memref_slice %arg10[%mul3A_103, %dma_wait3A] : memref<10112x64xf32, #tpu.memory_space<vmem_shared>> -> memref<128x64xf32, #tpu.memory_space<vmem_shared>>
        %dma_wait3A_110 = arith.constant 0 : i32
        %dma_wait3A_111 = tpu.memref_slice %arg4[%mul3A_101, %dma_wait3A_110] : memref<10000x64xf32, #tpu.memory_space<hbm>> -> memref<128x64xf32, #tpu.memory_space<hbm>>
        tpu.wait_dma2 semaphore(%run_scoped3A_104 : memref<!tpu.dma_semaphore, #tpu.memory_space<semaphore_mem>>) src(%dma_wait3A_111 : memref<128x64xf32, #tpu.memory_space<hbm>>) dst(%dma_wait3A_109 : memref<128x64xf32, #tpu.memory_space<vmem_shared>>)
        tpu.yield
      }) : () -> ()
    } else {
    }
    %eq3A_73 = arith.constant 78 : i32
    %eq3A_74 = arith.cmpi eq, %add3A_67, %eq3A_73 : i32
    %convert_element_type3A_75 = arith.extui %eq3A_74 : i1 to i32
    %cond3A_76 = arith.constant 0 : i32
    %cond3A_77 = arith.cmpi ne, %convert_element_type3A_75, %cond3A_76 : i32
    scf.if %cond3A_77 {
      "tpu.region"() ({
        %run_scoped3A_100 = tpu.sem_alloc : memref<!tpu.dma_semaphore, #tpu.memory_space<semaphore_mem>>
        %dma_start3A_101 = arith.constant 9984 : i32
        %dma_start3A_102 = arith.constant 0 : i32
        %dma_start3A_103 = tpu.memref_slice %arg10[%dma_start3A_101, %dma_start3A_102] : memref<10112x64xf32, #tpu.memory_space<vmem_shared>> -> memref<16x64xf32, #tpu.memory_space<vmem_shared>>
        %dma_start3A_104 = arith.constant 9984 : i32
        %dma_start3A_105 = arith.constant 0 : i32
        %dma_start3A_106 = tpu.memref_slice %arg4[%dma_start3A_104, %dma_start3A_105] : memref<10000x64xf32, #tpu.memory_space<hbm>> -> memref<16x64xf32, #tpu.memory_space<hbm>>
        tpu.enqueue_dma source(%dma_start3A_106 : memref<16x64xf32, #tpu.memory_space<hbm>>) target(%dma_start3A_103 : memref<16x64xf32, #tpu.memory_space<vmem_shared>>) target_semaphore(%run_scoped3A_100 : memref<!tpu.dma_semaphore, #tpu.memory_space<semaphore_mem>>)
        %dma_wait3A = arith.constant 9984 : i32
        %dma_wait3A_107 = arith.constant 0 : i32
        %dma_wait3A_108 = tpu.memref_slice %arg10[%dma_wait3A, %dma_wait3A_107] : memref<10112x64xf32, #tpu.memory_space<vmem_shared>> -> memref<16x64xf32, #tpu.memory_space<vmem_shared>>
        %dma_wait3A_109 = arith.constant 9984 : i32
        %dma_wait3A_110 = arith.constant 0 : i32
        %dma_wait3A_111 = tpu.memref_slice %arg4[%dma_wait3A_109, %dma_wait3A_110] : memref<10000x64xf32, #tpu.memory_space<hbm>> -> memref<16x64xf32, #tpu.memory_space<hbm>>
        tpu.wait_dma2 semaphore(%run_scoped3A_100 : memref<!tpu.dma_semaphore, #tpu.memory_space<semaphore_mem>>) src(%dma_wait3A_111 : memref<16x64xf32, #tpu.memory_space<hbm>>) dst(%dma_wait3A_108 : memref<16x64xf32, #tpu.memory_space<vmem_shared>>)
        tpu.yield
      }) : () -> ()
    } else {
    }
    %barrier3A = arith.constant 0 : index
    tpu.barrier barrier_id(%barrier3A)
    %mul3A_78 = arith.constant 80 : i32
    %mul3A_79 = arith.muli %add3A, %mul3A_78 : i32
    "tpu.region"() ({
      %run_scoped3A_100 = tpu.sem_alloc : memref<!tpu.dma_semaphore, #tpu.memory_space<semaphore_mem>>
      %dma_start3A_101 = arith.constant 0 : i32
      %dma_start3A_102 = tpu.memref_slice %arg2[%mul3A_79, %dma_start3A_101] : memref<2560x128xi32, #tpu.memory_space<hbm>> -> memref<80x128xi32, #tpu.memory_space<hbm>>
      %dma_start3A_103 = arith.constant 0 : i32
      %dma_start3A_104 = tpu.memref_slice %arg2[%mul3A_79, %dma_start3A_103] : memref<2560x128xi32, #tpu.memory_space<hbm>> -> memref<80x128xi32, #tpu.memory_space<hbm>>
      tpu.enqueue_dma source(%dma_start3A_104 : memref<80x128xi32, #tpu.memory_space<hbm>>) target(%arg6 : memref<80x128xi32, #tpu.memory_space<vmem>>) target_semaphore(%run_scoped3A_100 : memref<!tpu.dma_semaphore, #tpu.memory_space<semaphore_mem>>)
      %dma_wait3A = arith.constant 0 : i32
      %dma_wait3A_105 = tpu.memref_slice %arg2[%mul3A_79, %dma_wait3A] : memref<2560x128xi32, #tpu.memory_space<hbm>> -> memref<80x128xi32, #tpu.memory_space<hbm>>
      %dma_wait3A_106 = arith.constant 0 : i32
      %dma_wait3A_107 = tpu.memref_slice %arg2[%mul3A_79, %dma_wait3A_106] : memref<2560x128xi32, #tpu.memory_space<hbm>> -> memref<80x128xi32, #tpu.memory_space<hbm>>
      tpu.wait_dma2 semaphore(%run_scoped3A_100 : memref<!tpu.dma_semaphore, #tpu.memory_space<semaphore_mem>>) src(%dma_wait3A_107 : memref<80x128xi32, #tpu.memory_space<hbm>>) dst(%arg6 : memref<80x128xi32, #tpu.memory_space<vmem>>)
      tpu.yield
    }) : () -> ()
    %mul3A_80 = arith.constant 80 : i32
    %mul3A_81 = arith.muli %add3A, %mul3A_80 : i32
    "tpu.region"() ({
      %run_scoped3A_100 = tpu.sem_alloc : memref<!tpu.dma_semaphore, #tpu.memory_space<semaphore_mem>>
      %dma_start3A_101 = arith.constant 0 : i32
      %dma_start3A_102 = tpu.memref_slice %arg3[%mul3A_81, %dma_start3A_101] : memref<2560x128xi32, #tpu.memory_space<hbm>> -> memref<80x128xi32, #tpu.memory_space<hbm>>
      %dma_start3A_103 = arith.constant 0 : i32
      %dma_start3A_104 = tpu.memref_slice %arg3[%mul3A_81, %dma_start3A_103] : memref<2560x128xi32, #tpu.memory_space<hbm>> -> memref<80x128xi32, #tpu.memory_space<hbm>>
      tpu.enqueue_dma source(%dma_start3A_104 : memref<80x128xi32, #tpu.memory_space<hbm>>) target(%arg7 : memref<80x128xi32, #tpu.memory_space<vmem>>) target_semaphore(%run_scoped3A_100 : memref<!tpu.dma_semaphore, #tpu.memory_space<semaphore_mem>>)
      %dma_wait3A = arith.constant 0 : i32
      %dma_wait3A_105 = tpu.memref_slice %arg3[%mul3A_81, %dma_wait3A] : memref<2560x128xi32, #tpu.memory_space<hbm>> -> memref<80x128xi32, #tpu.memory_space<hbm>>
      %dma_wait3A_106 = arith.constant 0 : i32
      %dma_wait3A_107 = tpu.memref_slice %arg3[%mul3A_81, %dma_wait3A_106] : memref<2560x128xi32, #tpu.memory_space<hbm>> -> memref<80x128xi32, #tpu.memory_space<hbm>>
      tpu.wait_dma2 semaphore(%run_scoped3A_100 : memref<!tpu.dma_semaphore, #tpu.memory_space<semaphore_mem>>) src(%dma_wait3A_107 : memref<80x128xi32, #tpu.memory_space<hbm>>) dst(%arg7 : memref<80x128xi32, #tpu.memory_space<vmem>>)
      tpu.yield
    }) : () -> ()
    %dma_start3A = arith.constant 0 : i32
    %dma_start3A_82 = arith.constant 0 : i32
    %dma_start3A_83 = arith.constant 0 : i32
    %dma_start3A_84 = arith.constant 0 : i32
    %dma_start3A_85 = tpu.memref_slice %arg8[%dma_start3A_82, %dma_start3A_83, %dma_start3A_84] : memref<2x128x64xf32, #tpu.memory_space<vmem>> -> memref<1x128x64xf32, #tpu.memory_space<vmem>>
    %dma_start3A_86 = tpu.memref_squeeze %dma_start3A_85 : memref<1x128x64xf32, #tpu.memory_space<vmem>> -> memref<128x64xf32, #tpu.memory_space<vmem>>
    %dma_start3A_87 = arith.constant 0 : i32
    %dma_start3A_88 = tpu.memref_slice %arg6[%dma_start3A, %dma_start3A_87] : memref<80x128xi32, #tpu.memory_space<vmem>> -> memref<1x128xi32, #tpu.memory_space<vmem>>
    %dma_start3A_89 = tpu.memref_squeeze %dma_start3A_88 : memref<1x128xi32, #tpu.memory_space<vmem>> -> memref<128xi32, #tpu.memory_space<vmem>>
    %dma_start3A_90 = arith.constant 0 : i32
    %dma_start3A_91 = arith.constant 0 : i32
    %dma_start3A_92 = tpu.memref_slice %arg10[%dma_start3A_90, %dma_start3A_91] : memref<10112x64xf32, #tpu.memory_space<vmem_shared>> -> memref<10112x64xf32, #tpu.memory_space<vmem_shared>>
    tpu.enqueue_indirect_dma source(%dma_start3A_92 : memref<10112x64xf32, #tpu.memory_space<vmem_shared>>) target(%dma_start3A_86 : memref<128x64xf32, #tpu.memory_space<vmem>>) offsets(%dma_start3A_89 : memref<128xi32, #tpu.memory_space<vmem>>) semaphore(%arg11 : memref<!tpu.dma_semaphore, #tpu.memory_space<semaphore_mem>>)
    %scan3A_93 = arith.constant 0 : i32
    %scan3A_94 = arith.constant 0 : i32
    %scan3A_95 = arith.constant 40 : i32
    %scan3A_96 = arith.addi %scan3A_94, %scan3A_95 : i32
    %scan3A_97 = arith.constant 1 : i32
    scf.for %scan3A_100 = %scan3A_94 to %scan3A_96 step %scan3A_97  : i32 {
      %mul3A_101 = arith.constant 2 : i32
      %mul3A_102 = arith.muli %scan3A_100, %mul3A_101 : i32
      %add3A_103 = arith.constant 1 : i32
      %add3A_104 = arith.addi %mul3A_102, %add3A_103 : i32
      %dma_start3A_105 = arith.constant 1 : i32
      %dma_start3A_106 = arith.constant 0 : i32
      %dma_start3A_107 = arith.constant 0 : i32
      %dma_start3A_108 = tpu.memref_slice %arg8[%dma_start3A_105, %dma_start3A_106, %dma_start3A_107] : memref<2x128x64xf32, #tpu.memory_space<vmem>> -> memref<1x128x64xf32, #tpu.memory_space<vmem>>
      %dma_start3A_109 = tpu.memref_squeeze %dma_start3A_108 : memref<1x128x64xf32, #tpu.memory_space<vmem>> -> memref<128x64xf32, #tpu.memory_space<vmem>>
      %dma_start3A_110 = arith.constant 0 : i32
      %dma_start3A_111 = tpu.memref_slice %arg6[%add3A_104, %dma_start3A_110] : memref<80x128xi32, #tpu.memory_space<vmem>> -> memref<1x128xi32, #tpu.memory_space<vmem>>
      %dma_start3A_112 = tpu.memref_squeeze %dma_start3A_111 : memref<1x128xi32, #tpu.memory_space<vmem>> -> memref<128xi32, #tpu.memory_space<vmem>>
      %dma_start3A_113 = arith.constant 0 : i32
      %dma_start3A_114 = arith.constant 0 : i32
      %dma_start3A_115 = tpu.memref_slice %arg10[%dma_start3A_113, %dma_start3A_114] : memref<10112x64xf32, #tpu.memory_space<vmem_shared>> -> memref<10112x64xf32, #tpu.memory_space<vmem_shared>>
      tpu.enqueue_indirect_dma source(%dma_start3A_115 : memref<10112x64xf32, #tpu.memory_space<vmem_shared>>) target(%dma_start3A_109 : memref<128x64xf32, #tpu.memory_space<vmem>>) offsets(%dma_start3A_112 : memref<128xi32, #tpu.memory_space<vmem>>) semaphore(%arg12 : memref<!tpu.dma_semaphore, #tpu.memory_space<semaphore_mem>>)
      %dma_wait3A = arith.constant 0 : i32
      %dma_wait3A_116 = arith.constant 0 : i32
      %dma_wait3A_117 = arith.constant 0 : i32
      %dma_wait3A_118 = tpu.memref_slice %arg8[%dma_wait3A, %dma_wait3A_116, %dma_wait3A_117] : memref<2x128x64xf32, #tpu.memory_space<vmem>> -> memref<1x128x64xf32, #tpu.memory_space<vmem>>
      %dma_wait3A_119 = tpu.memref_squeeze %dma_wait3A_118 : memref<1x128x64xf32, #tpu.memory_space<vmem>> -> memref<128x64xf32, #tpu.memory_space<vmem>>
      %dma_wait3A_120 = arith.constant 0 : i32
      %dma_wait3A_121 = tpu.memref_slice %arg6[%mul3A_102, %dma_wait3A_120] : memref<80x128xi32, #tpu.memory_space<vmem>> -> memref<1x128xi32, #tpu.memory_space<vmem>>
      %dma_wait3A_122 = tpu.memref_squeeze %dma_wait3A_121 : memref<1x128xi32, #tpu.memory_space<vmem>> -> memref<128xi32, #tpu.memory_space<vmem>>
      %dma_wait3A_123 = arith.constant 0 : i32
      %dma_wait3A_124 = arith.constant 0 : i32
      %dma_wait3A_125 = tpu.memref_slice %arg10[%dma_wait3A_123, %dma_wait3A_124] : memref<10112x64xf32, #tpu.memory_space<vmem_shared>> -> memref<10112x64xf32, #tpu.memory_space<vmem_shared>>
      tpu.wait_indirect_dma semaphore(%arg11 : memref<!tpu.dma_semaphore, #tpu.memory_space<semaphore_mem>>) src(%dma_wait3A_125 : memref<10112x64xf32, #tpu.memory_space<vmem_shared>>) dst(%dma_wait3A_119 : memref<128x64xf32, #tpu.memory_space<vmem>>)
      %run_scoped3A_126 = arith.constant 0 : i32
      "tpu.region"() ({
        %run_scoped3A_150 = tpu.sem_alloc : memref<!tpu.dma_semaphore, #tpu.memory_space<semaphore_mem>>
        %dma_start3A_151 = arith.constant 0 : i32
        %dma_start3A_152 = arith.constant 0 : i32
        %dma_start3A_153 = tpu.memref_slice %arg8[%run_scoped3A_126, %dma_start3A_151, %dma_start3A_152] : memref<2x128x64xf32, #tpu.memory_space<vmem>> -> memref<1x128x64xf32, #tpu.memory_space<vmem>>
        %dma_start3A_154 = tpu.memref_squeeze %dma_start3A_153 : memref<1x128x64xf32, #tpu.memory_space<vmem>> -> memref<128x64xf32, #tpu.memory_space<vmem>>
        %dma_start3A_155 = arith.constant 0 : i32
        %dma_start3A_156 = tpu.memref_slice %arg7[%mul3A_102, %dma_start3A_155] : memref<80x128xi32, #tpu.memory_space<vmem>> -> memref<1x128xi32, #tpu.memory_space<vmem>>
        %dma_start3A_157 = tpu.memref_squeeze %dma_start3A_156 : memref<1x128xi32, #tpu.memory_space<vmem>> -> memref<128xi32, #tpu.memory_space<vmem>>
        %dma_start3A_158 = arith.constant 0 : i32
        %dma_start3A_159 = arith.constant 0 : i32
        %dma_start3A_160 = tpu.memref_slice %arg9[%dma_start3A_158, %dma_start3A_159] : memref<10112x64xf32, #tpu.memory_space<vmem_shared>> -> memref<10112x64xf32, #tpu.memory_space<vmem_shared>>
        tpu.enqueue_indirect_dma source(%dma_start3A_154 : memref<128x64xf32, #tpu.memory_space<vmem>>) target(%dma_start3A_160 : memref<10112x64xf32, #tpu.memory_space<vmem_shared>>) offsets(%dma_start3A_157 : memref<128xi32, #tpu.memory_space<vmem>>) semaphore(%run_scoped3A_150 : memref<!tpu.dma_semaphore, #tpu.memory_space<semaphore_mem>>) {add = true}
        %dma_wait3A_161 = arith.constant 0 : i32
        %dma_wait3A_162 = arith.constant 0 : i32
        %dma_wait3A_163 = tpu.memref_slice %arg8[%run_scoped3A_126, %dma_wait3A_161, %dma_wait3A_162] : memref<2x128x64xf32, #tpu.memory_space<vmem>> -> memref<1x128x64xf32, #tpu.memory_space<vmem>>
        %dma_wait3A_164 = tpu.memref_squeeze %dma_wait3A_163 : memref<1x128x64xf32, #tpu.memory_space<vmem>> -> memref<128x64xf32, #tpu.memory_space<vmem>>
        %dma_wait3A_165 = arith.constant 0 : i32
        %dma_wait3A_166 = tpu.memref_slice %arg7[%mul3A_102, %dma_wait3A_165] : memref<80x128xi32, #tpu.memory_space<vmem>> -> memref<1x128xi32, #tpu.memory_space<vmem>>
        %dma_wait3A_167 = tpu.memref_squeeze %dma_wait3A_166 : memref<1x128xi32, #tpu.memory_space<vmem>> -> memref<128xi32, #tpu.memory_space<vmem>>
        %dma_wait3A_168 = arith.constant 0 : i32
        %dma_wait3A_169 = arith.constant 0 : i32
        %dma_wait3A_170 = tpu.memref_slice %arg9[%dma_wait3A_168, %dma_wait3A_169] : memref<10112x64xf32, #tpu.memory_space<vmem_shared>> -> memref<10112x64xf32, #tpu.memory_space<vmem_shared>>
        tpu.wait_indirect_dma semaphore(%run_scoped3A_150 : memref<!tpu.dma_semaphore, #tpu.memory_space<semaphore_mem>>) src(%dma_wait3A_164 : memref<128x64xf32, #tpu.memory_space<vmem>>) dst(%dma_wait3A_170 : memref<10112x64xf32, #tpu.memory_space<vmem_shared>>)
        tpu.yield
      }) : () -> ()
      %add3A_127 = arith.constant 1 : i32
      %add3A_128 = arith.addi %scan3A_100, %add3A_127 : i32
      %lt3A_129 = arith.constant 40 : i32
      %lt3A_130 = arith.cmpi slt, %add3A_128, %lt3A_129 : i32
      %convert_element_type3A_131 = arith.extui %lt3A_130 : i1 to i32
      %cond3A_132 = arith.constant 0 : i32
      %cond3A_133 = arith.cmpi ne, %convert_element_type3A_131, %cond3A_132 : i32
      scf.if %cond3A_133 {
        %add3A_150 = arith.constant 2 : i32
        %add3A_151 = arith.addi %mul3A_102, %add3A_150 : i32
        %dma_start3A_152 = arith.constant 0 : i32
        %dma_start3A_153 = arith.constant 0 : i32
        %dma_start3A_154 = arith.constant 0 : i32
        %dma_start3A_155 = tpu.memref_slice %arg8[%dma_start3A_152, %dma_start3A_153, %dma_start3A_154] : memref<2x128x64xf32, #tpu.memory_space<vmem>> -> memref<1x128x64xf32, #tpu.memory_space<vmem>>
        %dma_start3A_156 = tpu.memref_squeeze %dma_start3A_155 : memref<1x128x64xf32, #tpu.memory_space<vmem>> -> memref<128x64xf32, #tpu.memory_space<vmem>>
        %dma_start3A_157 = arith.constant 0 : i32
        %dma_start3A_158 = tpu.memref_slice %arg6[%add3A_151, %dma_start3A_157] : memref<80x128xi32, #tpu.memory_space<vmem>> -> memref<1x128xi32, #tpu.memory_space<vmem>>
        %dma_start3A_159 = tpu.memref_squeeze %dma_start3A_158 : memref<1x128xi32, #tpu.memory_space<vmem>> -> memref<128xi32, #tpu.memory_space<vmem>>
        %dma_start3A_160 = arith.constant 0 : i32
        %dma_start3A_161 = arith.constant 0 : i32
        %dma_start3A_162 = tpu.memref_slice %arg10[%dma_start3A_160, %dma_start3A_161] : memref<10112x64xf32, #tpu.memory_space<vmem_shared>> -> memref<10112x64xf32, #tpu.memory_space<vmem_shared>>
        tpu.enqueue_indirect_dma source(%dma_start3A_162 : memref<10112x64xf32, #tpu.memory_space<vmem_shared>>) target(%dma_start3A_156 : memref<128x64xf32, #tpu.memory_space<vmem>>) offsets(%dma_start3A_159 : memref<128xi32, #tpu.memory_space<vmem>>) semaphore(%arg11 : memref<!tpu.dma_semaphore, #tpu.memory_space<semaphore_mem>>)
      } else {
      }
      %add3A_134 = arith.constant 1 : i32
      %add3A_135 = arith.addi %mul3A_102, %add3A_134 : i32
      %dma_wait3A_136 = arith.constant 1 : i32
      %dma_wait3A_137 = arith.constant 0 : i32
      %dma_wait3A_138 = arith.constant 0 : i32
      %dma_wait3A_139 = tpu.memref_slice %arg8[%dma_wait3A_136, %dma_wait3A_137, %dma_wait3A_138] : memref<2x128x64xf32, #tpu.memory_space<vmem>> -> memref<1x128x64xf32, #tpu.memory_space<vmem>>
      %dma_wait3A_140 = tpu.memref_squeeze %dma_wait3A_139 : memref<1x128x64xf32, #tpu.memory_space<vmem>> -> memref<128x64xf32, #tpu.memory_space<vmem>>
      %dma_wait3A_141 = arith.constant 0 : i32
      %dma_wait3A_142 = tpu.memref_slice %arg6[%add3A_135, %dma_wait3A_141] : memref<80x128xi32, #tpu.memory_space<vmem>> -> memref<1x128xi32, #tpu.memory_space<vmem>>
      %dma_wait3A_143 = tpu.memref_squeeze %dma_wait3A_142 : memref<1x128xi32, #tpu.memory_space<vmem>> -> memref<128xi32, #tpu.memory_space<vmem>>
      %dma_wait3A_144 = arith.constant 0 : i32
      %dma_wait3A_145 = arith.constant 0 : i32
      %dma_wait3A_146 = tpu.memref_slice %arg10[%dma_wait3A_144, %dma_wait3A_145] : memref<10112x64xf32, #tpu.memory_space<vmem_shared>> -> memref<10112x64xf32, #tpu.memory_space<vmem_shared>>
      tpu.wait_indirect_dma semaphore(%arg12 : memref<!tpu.dma_semaphore, #tpu.memory_space<semaphore_mem>>) src(%dma_wait3A_146 : memref<10112x64xf32, #tpu.memory_space<vmem_shared>>) dst(%dma_wait3A_140 : memref<128x64xf32, #tpu.memory_space<vmem>>)
      %add3A_147 = arith.constant 1 : i32
      %add3A_148 = arith.addi %mul3A_102, %add3A_147 : i32
      %run_scoped3A_149 = arith.constant 1 : i32
      "tpu.region"() ({
        %run_scoped3A_150 = tpu.sem_alloc : memref<!tpu.dma_semaphore, #tpu.memory_space<semaphore_mem>>
        %dma_start3A_151 = arith.constant 0 : i32
        %dma_start3A_152 = arith.constant 0 : i32
        %dma_start3A_153 = tpu.memref_slice %arg8[%run_scoped3A_149, %dma_start3A_151, %dma_start3A_152] : memref<2x128x64xf32, #tpu.memory_space<vmem>> -> memref<1x128x64xf32, #tpu.memory_space<vmem>>
        %dma_start3A_154 = tpu.memref_squeeze %dma_start3A_153 : memref<1x128x64xf32, #tpu.memory_space<vmem>> -> memref<128x64xf32, #tpu.memory_space<vmem>>
        %dma_start3A_155 = arith.constant 0 : i32
        %dma_start3A_156 = tpu.memref_slice %arg7[%add3A_148, %dma_start3A_155] : memref<80x128xi32, #tpu.memory_space<vmem>> -> memref<1x128xi32, #tpu.memory_space<vmem>>
        %dma_start3A_157 = tpu.memref_squeeze %dma_start3A_156 : memref<1x128xi32, #tpu.memory_space<vmem>> -> memref<128xi32, #tpu.memory_space<vmem>>
        %dma_start3A_158 = arith.constant 0 : i32
        %dma_start3A_159 = arith.constant 0 : i32
        %dma_start3A_160 = tpu.memref_slice %arg9[%dma_start3A_158, %dma_start3A_159] : memref<10112x64xf32, #tpu.memory_space<vmem_shared>> -> memref<10112x64xf32, #tpu.memory_space<vmem_shared>>
        tpu.enqueue_indirect_dma source(%dma_start3A_154 : memref<128x64xf32, #tpu.memory_space<vmem>>) target(%dma_start3A_160 : memref<10112x64xf32, #tpu.memory_space<vmem_shared>>) offsets(%dma_start3A_157 : memref<128xi32, #tpu.memory_space<vmem>>) semaphore(%run_scoped3A_150 : memref<!tpu.dma_semaphore, #tpu.memory_space<semaphore_mem>>) {add = true}
        %dma_wait3A_161 = arith.constant 0 : i32
        %dma_wait3A_162 = arith.constant 0 : i32
        %dma_wait3A_163 = tpu.memref_slice %arg8[%run_scoped3A_149, %dma_wait3A_161, %dma_wait3A_162] : memref<2x128x64xf32, #tpu.memory_space<vmem>> -> memref<1x128x64xf32, #tpu.memory_space<vmem>>
        %dma_wait3A_164 = tpu.memref_squeeze %dma_wait3A_163 : memref<1x128x64xf32, #tpu.memory_space<vmem>> -> memref<128x64xf32, #tpu.memory_space<vmem>>
        %dma_wait3A_165 = arith.constant 0 : i32
        %dma_wait3A_166 = tpu.memref_slice %arg7[%add3A_148, %dma_wait3A_165] : memref<80x128xi32, #tpu.memory_space<vmem>> -> memref<1x128xi32, #tpu.memory_space<vmem>>
        %dma_wait3A_167 = tpu.memref_squeeze %dma_wait3A_166 : memref<1x128xi32, #tpu.memory_space<vmem>> -> memref<128xi32, #tpu.memory_space<vmem>>
        %dma_wait3A_168 = arith.constant 0 : i32
        %dma_wait3A_169 = arith.constant 0 : i32
        %dma_wait3A_170 = tpu.memref_slice %arg9[%dma_wait3A_168, %dma_wait3A_169] : memref<10112x64xf32, #tpu.memory_space<vmem_shared>> -> memref<10112x64xf32, #tpu.memory_space<vmem_shared>>
        tpu.wait_indirect_dma semaphore(%run_scoped3A_150 : memref<!tpu.dma_semaphore, #tpu.memory_space<semaphore_mem>>) src(%dma_wait3A_164 : memref<128x64xf32, #tpu.memory_space<vmem>>) dst(%dma_wait3A_170 : memref<10112x64xf32, #tpu.memory_space<vmem_shared>>)
        tpu.yield
      }) : () -> ()
    }
    %scan3A_98 = arith.constant 40 : i32
    %barrier3A_99 = arith.constant 0 : index
    tpu.barrier barrier_id(%barrier3A_99)
    "tpu.region"() ({
      %run_scoped3A_100 = tpu.sem_alloc : memref<!tpu.dma_semaphore, #tpu.memory_space<semaphore_mem>>
      %dma_start3A_101 = arith.constant 0 : i32
      %dma_start3A_102 = arith.constant 0 : i32
      %dma_start3A_103 = arith.constant 0 : i32
      %dma_start3A_104 = tpu.memref_slice %arg5[%arg0, %dma_start3A_101, %dma_start3A_102, %dma_start3A_103] : memref<2x16x632x64xf32, #tpu.memory_space<hbm>> -> memref<1x16x632x64xf32, #tpu.memory_space<hbm>>
      %dma_start3A_105 = tpu.memref_squeeze %dma_start3A_104 : memref<1x16x632x64xf32, #tpu.memory_space<hbm>> -> memref<16x632x64xf32, #tpu.memory_space<hbm>>
      %dma_start3A_106 = arith.constant 0 : i32
      %dma_start3A_107 = arith.constant 0 : i32
      %dma_start3A_108 = tpu.memref_slice %dma_start3A_105[%arg1, %dma_start3A_106, %dma_start3A_107] : memref<16x632x64xf32, #tpu.memory_space<hbm>> -> memref<1x632x64xf32, #tpu.memory_space<hbm>>
      %dma_start3A_109 = tpu.memref_squeeze %dma_start3A_108 : memref<1x632x64xf32, #tpu.memory_space<hbm>> -> memref<632x64xf32, #tpu.memory_space<hbm>>
      %dma_start3A_110 = arith.constant 0 : i32
      %dma_start3A_111 = tpu.memref_slice %arg9[%mul3A_7, %dma_start3A_110] : memref<10112x64xf32, #tpu.memory_space<vmem_shared>> -> memref<632x64xf32, #tpu.memory_space<vmem_shared>>
      tpu.enqueue_dma source(%dma_start3A_111 : memref<632x64xf32, #tpu.memory_space<vmem_shared>>) target(%dma_start3A_109 : memref<632x64xf32, #tpu.memory_space<hbm>>) target_semaphore(%run_scoped3A_100 : memref<!tpu.dma_semaphore, #tpu.memory_space<semaphore_mem>>)
      %dma_wait3A = arith.constant 0 : i32
      %dma_wait3A_112 = arith.constant 0 : i32
      %dma_wait3A_113 = arith.constant 0 : i32
      %dma_wait3A_114 = tpu.memref_slice %arg5[%arg0, %dma_wait3A, %dma_wait3A_112, %dma_wait3A_113] : memref<2x16x632x64xf32, #tpu.memory_space<hbm>> -> memref<1x16x632x64xf32, #tpu.memory_space<hbm>>
      %dma_wait3A_115 = tpu.memref_squeeze %dma_wait3A_114 : memref<1x16x632x64xf32, #tpu.memory_space<hbm>> -> memref<16x632x64xf32, #tpu.memory_space<hbm>>
      %dma_wait3A_116 = arith.constant 0 : i32
      %dma_wait3A_117 = arith.constant 0 : i32
      %dma_wait3A_118 = tpu.memref_slice %dma_wait3A_115[%arg1, %dma_wait3A_116, %dma_wait3A_117] : memref<16x632x64xf32, #tpu.memory_space<hbm>> -> memref<1x632x64xf32, #tpu.memory_space<hbm>>
      %dma_wait3A_119 = tpu.memref_squeeze %dma_wait3A_118 : memref<1x632x64xf32, #tpu.memory_space<hbm>> -> memref<632x64xf32, #tpu.memory_space<hbm>>
      %dma_wait3A_120 = arith.constant 0 : i32
      %dma_wait3A_121 = tpu.memref_slice %arg9[%mul3A_7, %dma_wait3A_120] : memref<10112x64xf32, #tpu.memory_space<vmem_shared>> -> memref<632x64xf32, #tpu.memory_space<vmem_shared>>
      tpu.wait_dma2 semaphore(%run_scoped3A_100 : memref<!tpu.dma_semaphore, #tpu.memory_space<semaphore_mem>>) src(%dma_wait3A_121 : memref<632x64xf32, #tpu.memory_space<vmem_shared>>) dst(%dma_wait3A_119 : memref<632x64xf32, #tpu.memory_space<hbm>>)
      tpu.yield
    }) : () -> ()
    return
  }
}

module attributes {stable_mosaic.version = 14 : i64} {
  func.func @body(%arg0: i32, %arg1: memref<2000x128xf32, #tpu.memory_space<vmem>>, %arg2: memref<128x64xf32, #tpu.memory_space<vmem>>, %arg3: memref<2x2000x16xf32, #tpu.memory_space<vmem>>, %arg4: memref<2000x64xf32, #tpu.memory_space<vmem>>) attributes {dimension_semantics = [#tpu.dimension_semantics<arbitrary>], iteration_bounds = array<i64: 5>, scalar_prefetch = 0 : i64, scratch_operands = 0 : i64, tpu.core_type = #tpu.core_type<tc>, window_params = [{transform_indices = @transform_0, window_bounds = array<i64: 2000, 128>}, {pipeline_mode = #tpu.pipeline_mode<synchronous>, transform_indices = @transform_1, window_bounds = array<i64: 128, 64>}, {transform_indices = @transform_2, window_bounds = array<i64: 2, 2000, 16>}, {transform_indices = @transform_3, window_bounds = array<i64: 2000, 64>}]} {
    %get3A = arith.constant 0 : index
    %get3A_0 = arith.constant 0 : index
    %get3A_1 = arith.constant 0 : index
    %get3A_2 = vector.load %arg3[%get3A, %get3A_0, %get3A_1] : memref<2x2000x16xf32, #tpu.memory_space<vmem>>, vector<1x2000x1xf32>
    %get3A_3 = vector.shape_cast %get3A_2 : vector<1x2000x1xf32> to vector<2000xf32>
    %get3A_4 = arith.constant 1 : index
    %get3A_5 = arith.constant 0 : index
    %get3A_6 = arith.constant 0 : index
    %get3A_7 = vector.load %arg3[%get3A_4, %get3A_5, %get3A_6] : memref<2x2000x16xf32, #tpu.memory_space<vmem>>, vector<1x2000x1xf32>
    %get3A_8 = vector.shape_cast %get3A_7 : vector<1x2000x1xf32> to vector<2000xf32>
    %add3A = arith.addf %get3A_3, %get3A_8 : vector<2000xf32>
    %add3A_9 = arith.constant 1.000000e+00 : f32
    %add3A_10 = vector.broadcast %add3A_9 : f32 to vector<2000xf32>
    %add3A_11 = arith.addf %add3A, %add3A_10 : vector<2000xf32>
    %rsqrt3A = math.rsqrt %add3A_11 : vector<2000xf32>
    %get3A_12 = arith.constant 0 : index
    %get3A_13 = arith.constant 0 : index
    %get3A_14 = vector.load %arg1[%get3A_12, %get3A_13] : memref<2000x128xf32, #tpu.memory_space<vmem>>, vector<2000x128xf32>
    %get3A_15 = arith.constant 0 : index
    %get3A_16 = arith.constant 0 : index
    %get3A_17 = vector.load %arg2[%get3A_15, %get3A_16] : memref<128x64xf32, #tpu.memory_space<vmem>>, vector<128x64xf32>
    %dot_general3A = arith.constant dense<0.000000e+00> : vector<2000x64xf32>
    %dot_general3A_18 = tpu.matmul %get3A_14, %get3A_17, %dot_general3A {dimension_numbers = #tpu.dot_dimension_numbers<[1], [0], [0], [1], [0, 0, 1, 1], [], []>, transpose_lhs_hint = false} : vector<2000x128xf32>, vector<128x64xf32>, vector<2000x64xf32> -> vector<2000x64xf32>
    %broadcast_in_dim3A = vector.shape_cast %rsqrt3A : vector<2000xf32> to vector<2000x1xf32>
    %mul3A = vector.broadcast %broadcast_in_dim3A : vector<2000x1xf32> to vector<2000x64xf32>
    %mul3A_19 = arith.mulf %dot_general3A_18, %mul3A : vector<2000x64xf32>
    %swap3A = arith.constant 0 : index
    %swap3A_20 = arith.constant 0 : index
    %swap3A_21 = vector.load %arg4[%swap3A, %swap3A_20] : memref<2000x64xf32, #tpu.memory_space<vmem>>, vector<2000x64xf32>
    tpu.vector_store %arg4[%swap3A, %swap3A_20], %mul3A_19 {strides = array<i32>} : memref<2000x64xf32, #tpu.memory_space<vmem>>, vector<2000x64xf32>,
    return
  }
  func.func @transform_0(%arg0: i32) -> (i32, i32) {
    %c0_i32 = arith.constant 0 : i32
    %c0_i32_0 = arith.constant 0 : i32
    return %arg0, %c0_i32 : i32, i32
  }
  func.func @transform_1(%arg0: i32) -> (i32, i32) {
    %c0_i32 = arith.constant 0 : i32
    %c0_i32_0 = arith.constant 0 : i32
    %c0_i32_1 = arith.constant 0 : i32
    return %c0_i32, %c0_i32_0 : i32, i32
  }
  func.func @transform_2(%arg0: i32) -> (i32, i32, i32) {
    %c0_i32 = arith.constant 0 : i32
    %c0_i32_0 = arith.constant 0 : i32
    %c0_i32_1 = arith.constant 0 : i32
    return %c0_i32, %arg0, %c0_i32_0 : i32, i32, i32
  }
  func.func @transform_3(%arg0: i32) -> (i32, i32) {
    %c0_i32 = arith.constant 0 : i32
    %c0_i32_0 = arith.constant 0 : i32
    return %arg0, %c0_i32 : i32, i32
  }
}

module attributes {stable_mosaic.version = 14 : i64} {
  func.func @body(%arg0: i32, %arg1: memref<2x2000x64xf32, #tpu.memory_space<vmem>>, %arg2: memref<2000x64xf32, #tpu.memory_space<vmem>>, %arg3: memref<2x2000x16xf32, #tpu.memory_space<vmem>>, %arg4: memref<1x64xf32, #tpu.memory_space<vmem>>, %arg5: memref<64x64xf32, #tpu.memory_space<vmem>>, %arg6: memref<2000x64xf32, #tpu.memory_space<vmem>>) attributes {dimension_semantics = [#tpu.dimension_semantics<arbitrary>], iteration_bounds = array<i64: 5>, scalar_prefetch = 0 : i64, scratch_operands = 0 : i64, tpu.core_type = #tpu.core_type<tc>, window_params = [{transform_indices = @transform_0, window_bounds = array<i64: 2, 2000, 64>}, {transform_indices = @transform_1, window_bounds = array<i64: 2000, 64>}, {transform_indices = @transform_2, window_bounds = array<i64: 2, 2000, 16>}, {pipeline_mode = #tpu.pipeline_mode<synchronous>, transform_indices = @transform_3, window_bounds = array<i64: 1, 64>}, {pipeline_mode = #tpu.pipeline_mode<synchronous>, transform_indices = @transform_4, window_bounds = array<i64: 64, 64>}, {transform_indices = @transform_5, window_bounds = array<i64: 2000, 64>}]} {
    %get3A = arith.constant 0 : index
    %get3A_0 = arith.constant 0 : index
    %get3A_1 = arith.constant 0 : index
    %get3A_2 = vector.load %arg3[%get3A, %get3A_0, %get3A_1] : memref<2x2000x16xf32, #tpu.memory_space<vmem>>, vector<1x2000x1xf32>
    %get3A_3 = vector.shape_cast %get3A_2 : vector<1x2000x1xf32> to vector<2000xf32>
    %get3A_4 = arith.constant 1 : index
    %get3A_5 = arith.constant 0 : index
    %get3A_6 = arith.constant 0 : index
    %get3A_7 = vector.load %arg3[%get3A_4, %get3A_5, %get3A_6] : memref<2x2000x16xf32, #tpu.memory_space<vmem>>, vector<1x2000x1xf32>
    %get3A_8 = vector.shape_cast %get3A_7 : vector<1x2000x1xf32> to vector<2000xf32>
    %add3A = arith.addf %get3A_3, %get3A_8 : vector<2000xf32>
    %add3A_9 = arith.constant 1.000000e+00 : f32
    %add3A_10 = vector.broadcast %add3A_9 : f32 to vector<2000xf32>
    %add3A_11 = arith.addf %add3A, %add3A_10 : vector<2000xf32>
    %rsqrt3A = math.rsqrt %add3A_11 : vector<2000xf32>
    %get3A_12 = arith.constant 0 : index
    %get3A_13 = arith.constant 0 : index
    %get3A_14 = arith.constant 0 : index
    %get3A_15 = vector.load %arg1[%get3A_12, %get3A_13, %get3A_14] : memref<2x2000x64xf32, #tpu.memory_space<vmem>>, vector<1x2000x64xf32>
    %get3A_16 = vector.shape_cast %get3A_15 : vector<1x2000x64xf32> to vector<2000x64xf32>
    %get3A_17 = arith.constant 1 : index
    %get3A_18 = arith.constant 0 : index
    %get3A_19 = arith.constant 0 : index
    %get3A_20 = vector.load %arg1[%get3A_17, %get3A_18, %get3A_19] : memref<2x2000x64xf32, #tpu.memory_space<vmem>>, vector<1x2000x64xf32>
    %get3A_21 = vector.shape_cast %get3A_20 : vector<1x2000x64xf32> to vector<2000x64xf32>
    %add3A_22 = arith.addf %get3A_16, %get3A_21 : vector<2000x64xf32>
    %get3A_23 = arith.constant 0 : index
    %get3A_24 = arith.constant 0 : index
    %get3A_25 = vector.load %arg2[%get3A_23, %get3A_24] : memref<2000x64xf32, #tpu.memory_space<vmem>>, vector<2000x64xf32>
    %add3A_26 = arith.addf %add3A_22, %get3A_25 : vector<2000x64xf32>
    %broadcast_in_dim3A = vector.shape_cast %rsqrt3A : vector<2000xf32> to vector<2000x1xf32>
    %mul3A = vector.broadcast %broadcast_in_dim3A : vector<2000x1xf32> to vector<2000x64xf32>
    %mul3A_27 = arith.mulf %add3A_26, %mul3A : vector<2000x64xf32>
    %get3A_28 = arith.constant 0 : index
    %get3A_29 = arith.constant 0 : index
    %get3A_30 = vector.load %arg4[%get3A_28, %get3A_29] : memref<1x64xf32, #tpu.memory_space<vmem>>, vector<1x64xf32>
    %add3A_31 = vector.broadcast %get3A_30 : vector<1x64xf32> to vector<2000x64xf32>
    %add3A_32 = arith.addf %mul3A_27, %add3A_31 : vector<2000x64xf32>
    %max3A = arith.constant 0.000000e+00 : f32
    %max3A_33 = vector.broadcast %max3A : f32 to vector<2000x64xf32>
    %max3A_34 = arith.maximumf %add3A_32, %max3A_33 : vector<2000x64xf32>
    %get3A_35 = arith.constant 0 : index
    %get3A_36 = arith.constant 0 : index
    %get3A_37 = vector.load %arg5[%get3A_35, %get3A_36] : memref<64x64xf32, #tpu.memory_space<vmem>>, vector<64x64xf32>
    %dot_general3A = arith.constant dense<0.000000e+00> : vector<2000x64xf32>
    %dot_general3A_38 = tpu.matmul %max3A_34, %get3A_37, %dot_general3A {dimension_numbers = #tpu.dot_dimension_numbers<[1], [0], [0], [1], [0, 0, 1, 1], [], []>, transpose_lhs_hint = false} : vector<2000x64xf32>, vector<64x64xf32>, vector<2000x64xf32> -> vector<2000x64xf32>
    %broadcast_in_dim3A_39 = vector.shape_cast %rsqrt3A : vector<2000xf32> to vector<2000x1xf32>
    %mul3A_40 = vector.broadcast %broadcast_in_dim3A_39 : vector<2000x1xf32> to vector<2000x64xf32>
    %mul3A_41 = arith.mulf %dot_general3A_38, %mul3A_40 : vector<2000x64xf32>
    %swap3A = arith.constant 0 : index
    %swap3A_42 = arith.constant 0 : index
    %swap3A_43 = vector.load %arg6[%swap3A, %swap3A_42] : memref<2000x64xf32, #tpu.memory_space<vmem>>, vector<2000x64xf32>
    tpu.vector_store %arg6[%swap3A, %swap3A_42], %mul3A_41 {strides = array<i32>} : memref<2000x64xf32, #tpu.memory_space<vmem>>, vector<2000x64xf32>,
    return
  }
  func.func @transform_0(%arg0: i32) -> (i32, i32, i32) {
    %c0_i32 = arith.constant 0 : i32
    %c0_i32_0 = arith.constant 0 : i32
    %c0_i32_1 = arith.constant 0 : i32
    return %c0_i32, %arg0, %c0_i32_0 : i32, i32, i32
  }
  func.func @transform_1(%arg0: i32) -> (i32, i32) {
    %c0_i32 = arith.constant 0 : i32
    %c0_i32_0 = arith.constant 0 : i32
    return %arg0, %c0_i32 : i32, i32
  }
  func.func @transform_2(%arg0: i32) -> (i32, i32, i32) {
    %c0_i32 = arith.constant 0 : i32
    %c0_i32_0 = arith.constant 0 : i32
    %c0_i32_1 = arith.constant 0 : i32
    return %c0_i32, %arg0, %c0_i32_0 : i32, i32, i32
  }
  func.func @transform_3(%arg0: i32) -> (i32, i32) {
    %c0_i32 = arith.constant 0 : i32
    %c0_i32_0 = arith.constant 0 : i32
    %c0_i32_1 = arith.constant 0 : i32
    return %c0_i32, %c0_i32_0 : i32, i32
  }
  func.func @transform_4(%arg0: i32) -> (i32, i32) {
    %c0_i32 = arith.constant 0 : i32
    %c0_i32_0 = arith.constant 0 : i32
    %c0_i32_1 = arith.constant 0 : i32
    return %c0_i32, %c0_i32_0 : i32, i32
  }
  func.func @transform_5(%arg0: i32) -> (i32, i32) {
    %c0_i32 = arith.constant 0 : i32
    %c0_i32_0 = arith.constant 0 : i32
    return %arg0, %c0_i32 : i32, i32
  }
}

module attributes {stable_mosaic.version = 14 : i64} {
  func.func @body(%arg0: i32, %arg1: memref<2x2000x64xf32, #tpu.memory_space<vmem>>, %arg2: memref<2000x64xf32, #tpu.memory_space<vmem>>, %arg3: memref<2x2000x16xf32, #tpu.memory_space<vmem>>, %arg4: memref<1x64xf32, #tpu.memory_space<vmem>>, %arg5: memref<1x1x2000xi32, #tpu.memory_space<vmem>>, %arg6: memref<64x10xf32, #tpu.memory_space<vmem>>, %arg7: memref<1x10xf32, #tpu.memory_space<vmem>>, %arg8: memref<16x10xf32, #tpu.memory_space<vmem>>, %arg9: memref<16x64xf32, #tpu.memory_space<vmem>>, %arg10: memref<1x16xf32, #tpu.memory_space<vmem>>) attributes {dimension_semantics = [#tpu.dimension_semantics<arbitrary>], iteration_bounds = array<i64: 5>, scalar_prefetch = 0 : i64, scratch_operands = 2 : i64, tpu.core_type = #tpu.core_type<tc>, window_params = [{transform_indices = @transform_0, window_bounds = array<i64: 2, 2000, 64>}, {transform_indices = @transform_1, window_bounds = array<i64: 2000, 64>}, {transform_indices = @transform_2, window_bounds = array<i64: 2, 2000, 16>}, {pipeline_mode = #tpu.pipeline_mode<synchronous>, transform_indices = @transform_3, window_bounds = array<i64: 1, 64>}, {transform_indices = @transform_4, window_bounds = array<i64: 1, 1, 2000>}, {pipeline_mode = #tpu.pipeline_mode<synchronous>, transform_indices = @transform_5, window_bounds = array<i64: 64, 10>}, {pipeline_mode = #tpu.pipeline_mode<synchronous>, transform_indices = @transform_6, window_bounds = array<i64: 1, 10>}, {pipeline_mode = #tpu.pipeline_mode<synchronous>, transform_indices = @transform_7, window_bounds = array<i64: 16, 10>}]} {
    %get3A = arith.constant 0 : index
    %get3A_0 = arith.constant 0 : index
    %get3A_1 = arith.constant 0 : index
    %get3A_2 = vector.load %arg3[%get3A, %get3A_0, %get3A_1] : memref<2x2000x16xf32, #tpu.memory_space<vmem>>, vector<1x2000x1xf32>
    %get3A_3 = vector.shape_cast %get3A_2 : vector<1x2000x1xf32> to vector<2000xf32>
    %get3A_4 = arith.constant 1 : index
    %get3A_5 = arith.constant 0 : index
    %get3A_6 = arith.constant 0 : index
    %get3A_7 = vector.load %arg3[%get3A_4, %get3A_5, %get3A_6] : memref<2x2000x16xf32, #tpu.memory_space<vmem>>, vector<1x2000x1xf32>
    %get3A_8 = vector.shape_cast %get3A_7 : vector<1x2000x1xf32> to vector<2000xf32>
    %add3A = arith.addf %get3A_3, %get3A_8 : vector<2000xf32>
    %add3A_9 = arith.constant 1.000000e+00 : f32
    %add3A_10 = vector.broadcast %add3A_9 : f32 to vector<2000xf32>
    %add3A_11 = arith.addf %add3A, %add3A_10 : vector<2000xf32>
    %rsqrt3A = math.rsqrt %add3A_11 : vector<2000xf32>
    %get3A_12 = arith.constant 0 : index
    %get3A_13 = arith.constant 0 : index
    %get3A_14 = arith.constant 0 : index
    %get3A_15 = vector.load %arg1[%get3A_12, %get3A_13, %get3A_14] : memref<2x2000x64xf32, #tpu.memory_space<vmem>>, vector<1x2000x64xf32>
    %get3A_16 = vector.shape_cast %get3A_15 : vector<1x2000x64xf32> to vector<2000x64xf32>
    %get3A_17 = arith.constant 1 : index
    %get3A_18 = arith.constant 0 : index
    %get3A_19 = arith.constant 0 : index
    %get3A_20 = vector.load %arg1[%get3A_17, %get3A_18, %get3A_19] : memref<2x2000x64xf32, #tpu.memory_space<vmem>>, vector<1x2000x64xf32>
    %get3A_21 = vector.shape_cast %get3A_20 : vector<1x2000x64xf32> to vector<2000x64xf32>
    %add3A_22 = arith.addf %get3A_16, %get3A_21 : vector<2000x64xf32>
    %get3A_23 = arith.constant 0 : index
    %get3A_24 = arith.constant 0 : index
    %get3A_25 = vector.load %arg2[%get3A_23, %get3A_24] : memref<2000x64xf32, #tpu.memory_space<vmem>>, vector<2000x64xf32>
    %add3A_26 = arith.addf %add3A_22, %get3A_25 : vector<2000x64xf32>
    %broadcast_in_dim3A = vector.shape_cast %rsqrt3A : vector<2000xf32> to vector<2000x1xf32>
    %mul3A = vector.broadcast %broadcast_in_dim3A : vector<2000x1xf32> to vector<2000x64xf32>
    %mul3A_27 = arith.mulf %add3A_26, %mul3A : vector<2000x64xf32>
    %get3A_28 = arith.constant 0 : index
    %get3A_29 = arith.constant 0 : index
    %get3A_30 = vector.load %arg4[%get3A_28, %get3A_29] : memref<1x64xf32, #tpu.memory_space<vmem>>, vector<1x64xf32>
    %add3A_31 = vector.broadcast %get3A_30 : vector<1x64xf32> to vector<2000x64xf32>
    %add3A_32 = arith.addf %mul3A_27, %add3A_31 : vector<2000x64xf32>
    %max3A = arith.constant 0.000000e+00 : f32
    %max3A_33 = vector.broadcast %max3A : f32 to vector<2000x64xf32>
    %max3A_34 = arith.maximumf %add3A_32, %max3A_33 : vector<2000x64xf32>
    %get3A_35 = arith.constant 0 : index
    %get3A_36 = arith.constant 0 : index
    %get3A_37 = arith.constant 0 : index
    %get3A_38 = vector.load %arg5[%get3A_35, %get3A_36, %get3A_37] : memref<1x1x2000xi32, #tpu.memory_space<vmem>>, vector<1x1x2000xi32>
    %get3A_39 = vector.shape_cast %get3A_38 : vector<1x1x2000xi32> to vector<2000xi32>
    %broadcast_in_dim3A_40 = vector.shape_cast %get3A_39 : vector<2000xi32> to vector<2000x1xi32>
    %iota3A = tpu.iota {dimensions = array<i32: 1>} : vector<1x16xi32>
    %eq3A = vector.broadcast %broadcast_in_dim3A_40 : vector<2000x1xi32> to vector<2000x16xi32>
    %eq3A_41 = vector.broadcast %iota3A : vector<1x16xi32> to vector<2000x16xi32>
    %eq3A_42 = arith.cmpi eq, %eq3A, %eq3A_41 : vector<2000x16xi32>
    %convert_element_type3A = arith.extui %eq3A_42 : vector<2000x16xi1> to vector<2000x16xi32>
    %convert_element_type3A_43 = arith.sitofp %convert_element_type3A : vector<2000x16xi32> to vector<2000x16xf32>
    %dot_general3A = arith.constant dense<0.000000e+00> : vector<16x64xf32>
    %dot_general3A_44 = tpu.matmul %convert_element_type3A_43, %max3A_34, %dot_general3A {dimension_numbers = #tpu.dot_dimension_numbers<[0], [0], [1], [1], [0, 1, 1, 1], [], []>, transpose_lhs_hint = false} : vector<2000x16xf32>, vector<2000x64xf32>, vector<16x64xf32> -> vector<16x64xf32>
    %reduce_sum3A = arith.constant dense<0.000000e+00> : vector<16xf32>
    %reduce_sum3A_45 = vector.multi_reduction <add>, %convert_element_type3A_43, %reduce_sum3A [0] : vector<2000x16xf32> to vector<16xf32>
    %broadcast_in_dim3A_46 = vector.shape_cast %reduce_sum3A_45 : vector<16xf32> to vector<1x16xf32>
    %eq3A_47 = arith.constant 0 : i32
    %eq3A_48 = arith.cmpi eq, %arg0, %eq3A_47 : i32
    %convert_element_type3A_49 = arith.extui %eq3A_48 : i1 to i32
    %cond3A = arith.constant 0 : i32
    %cond3A_50 = arith.cmpi ne, %convert_element_type3A_49, %cond3A : i32
    scf.if %cond3A_50 {
      %broadcast_in_dim3A_69 = arith.constant 0.000000e+00 : f32
      %broadcast_in_dim3A_70 = vector.broadcast %broadcast_in_dim3A_69 : f32 to vector<16x64xf32>
      %swap3A_71 = arith.constant 0 : index
      %swap3A_72 = arith.constant 0 : index
      %swap3A_73 = vector.load %arg9[%swap3A_71, %swap3A_72] : memref<16x64xf32, #tpu.memory_space<vmem>>, vector<16x64xf32>
      tpu.vector_store %arg9[%swap3A_71, %swap3A_72], %broadcast_in_dim3A_70 {strides = array<i32>} : memref<16x64xf32, #tpu.memory_space<vmem>>, vector<16x64xf32>,
      %broadcast_in_dim3A_74 = arith.constant 0.000000e+00 : f32
      %broadcast_in_dim3A_75 = vector.broadcast %broadcast_in_dim3A_74 : f32 to vector<1x16xf32>
      %swap3A_76 = arith.constant 0 : index
      %swap3A_77 = arith.constant 0 : index
      %swap3A_78 = vector.load %arg10[%swap3A_76, %swap3A_77] : memref<1x16xf32, #tpu.memory_space<vmem>>, vector<1x16xf32>
      tpu.vector_store %arg10[%swap3A_76, %swap3A_77], %broadcast_in_dim3A_75 {strides = array<i32>} : memref<1x16xf32, #tpu.memory_space<vmem>>, vector<1x16xf32>,
    } else {
    }
    %get3A_51 = arith.constant 0 : index
    %get3A_52 = arith.constant 0 : index
    %get3A_53 = vector.load %arg9[%get3A_51, %get3A_52] : memref<16x64xf32, #tpu.memory_space<vmem>>, vector<16x64xf32>
    %add3A_54 = arith.addf %get3A_53, %dot_general3A_44 : vector<16x64xf32>
    %swap3A = arith.constant 0 : index
    %swap3A_55 = arith.constant 0 : index
    %swap3A_56 = vector.load %arg9[%swap3A, %swap3A_55] : memref<16x64xf32, #tpu.memory_space<vmem>>, vector<16x64xf32>
    tpu.vector_store %arg9[%swap3A, %swap3A_55], %add3A_54 {strides = array<i32>} : memref<16x64xf32, #tpu.memory_space<vmem>>, vector<16x64xf32>,
    %get3A_57 = arith.constant 0 : index
    %get3A_58 = arith.constant 0 : index
    %get3A_59 = vector.load %arg10[%get3A_57, %get3A_58] : memref<1x16xf32, #tpu.memory_space<vmem>>, vector<1x16xf32>
    %add3A_60 = arith.addf %get3A_59, %broadcast_in_dim3A_46 : vector<1x16xf32>
    %swap3A_61 = arith.constant 0 : index
    %swap3A_62 = arith.constant 0 : index
    %swap3A_63 = vector.load %arg10[%swap3A_61, %swap3A_62] : memref<1x16xf32, #tpu.memory_space<vmem>>, vector<1x16xf32>
    tpu.vector_store %arg10[%swap3A_61, %swap3A_62], %add3A_60 {strides = array<i32>} : memref<1x16xf32, #tpu.memory_space<vmem>>, vector<1x16xf32>,
    %eq3A_64 = arith.constant 4 : i32
    %eq3A_65 = arith.cmpi eq, %arg0, %eq3A_64 : i32
    %convert_element_type3A_66 = arith.extui %eq3A_65 : i1 to i32
    %cond3A_67 = arith.constant 0 : i32
    %cond3A_68 = arith.cmpi ne, %convert_element_type3A_66, %cond3A_67 : i32
    scf.if %cond3A_68 {
      %get3A_69 = arith.constant 0 : index
      %get3A_70 = arith.constant 0 : index
      %get3A_71 = vector.load %arg9[%get3A_69, %get3A_70] : memref<16x64xf32, #tpu.memory_space<vmem>>, vector<16x64xf32>
      %get3A_72 = arith.constant 0 : index
      %get3A_73 = arith.constant 0 : index
      %get3A_74 = vector.load %arg10[%get3A_72, %get3A_73] : memref<1x16xf32, #tpu.memory_space<vmem>>, vector<1x16xf32>
      %max3A_75 = arith.constant 1.000000e+00 : f32
      %max3A_76 = vector.broadcast %max3A_75 : f32 to vector<1x16xf32>
      %max3A_77 = arith.maximumf %get3A_74, %max3A_76 : vector<1x16xf32>
      %squeeze3A = vector.shape_cast %max3A_77 : vector<1x16xf32> to vector<16xf32>
      %broadcast_in_dim3A_78 = vector.shape_cast %squeeze3A : vector<16xf32> to vector<16x1xf32>
      %div3A = vector.broadcast %broadcast_in_dim3A_78 : vector<16x1xf32> to vector<16x64xf32>
      %div3A_79 = arith.divf %get3A_71, %div3A : vector<16x64xf32>
      %get3A_80 = arith.constant 0 : index
      %get3A_81 = arith.constant 0 : index
      %get3A_82 = vector.load %arg6[%get3A_80, %get3A_81] : memref<64x10xf32, #tpu.memory_space<vmem>>, vector<64x10xf32>
      %dot_general3A_83 = arith.constant dense<0.000000e+00> : vector<16x10xf32>
      %dot_general3A_84 = tpu.matmul %div3A_79, %get3A_82, %dot_general3A_83 {dimension_numbers = #tpu.dot_dimension_numbers<[1], [0], [0], [1], [0, 0, 1, 1], [], []>, transpose_lhs_hint = false} : vector<16x64xf32>, vector<64x10xf32>, vector<16x10xf32> -> vector<16x10xf32>
      %get3A_85 = arith.constant 0 : index
      %get3A_86 = arith.constant 0 : index
      %get3A_87 = vector.load %arg7[%get3A_85, %get3A_86] : memref<1x10xf32, #tpu.memory_space<vmem>>, vector<1x10xf32>
      %add3A_88 = vector.broadcast %get3A_87 : vector<1x10xf32> to vector<16x10xf32>
      %add3A_89 = arith.addf %dot_general3A_84, %add3A_88 : vector<16x10xf32>
      %swap3A_90 = arith.constant 0 : index
      %swap3A_91 = arith.constant 0 : index
      %swap3A_92 = vector.load %arg8[%swap3A_90, %swap3A_91] : memref<16x10xf32, #tpu.memory_space<vmem>>, vector<16x10xf32>
      tpu.vector_store %arg8[%swap3A_90, %swap3A_91], %add3A_89 {strides = array<i32>} : memref<16x10xf32, #tpu.memory_space<vmem>>, vector<16x10xf32>,
    } else {
    }
    return
  }
  func.func @transform_0(%arg0: i32) -> (i32, i32, i32) {
    %c0_i32 = arith.constant 0 : i32
    %c0_i32_0 = arith.constant 0 : i32
    %c0_i32_1 = arith.constant 0 : i32
    return %c0_i32, %arg0, %c0_i32_0 : i32, i32, i32
  }
  func.func @transform_1(%arg0: i32) -> (i32, i32) {
    %c0_i32 = arith.constant 0 : i32
    %c0_i32_0 = arith.constant 0 : i32
    return %arg0, %c0_i32 : i32, i32
  }
  func.func @transform_2(%arg0: i32) -> (i32, i32, i32) {
    %c0_i32 = arith.constant 0 : i32
    %c0_i32_0 = arith.constant 0 : i32
    %c0_i32_1 = arith.constant 0 : i32
    return %c0_i32, %arg0, %c0_i32_0 : i32, i32, i32
  }
  func.func @transform_3(%arg0: i32) -> (i32, i32) {
    %c0_i32 = arith.constant 0 : i32
    %c0_i32_0 = arith.constant 0 : i32
    %c0_i32_1 = arith.constant 0 : i32
    return %c0_i32, %c0_i32_0 : i32, i32
  }
  func.func @transform_4(%arg0: i32) -> (i32, i32, i32) {
    %c0_i32 = arith.constant 0 : i32
    %c0_i32_0 = arith.constant 0 : i32
    %c0_i32_1 = arith.constant 0 : i32
    return %arg0, %c0_i32, %c0_i32_0 : i32, i32, i32
  }
  func.func @transform_5(%arg0: i32) -> (i32, i32) {
    %c0_i32 = arith.constant 0 : i32
    %c0_i32_0 = arith.constant 0 : i32
    %c0_i32_1 = arith.constant 0 : i32
    return %c0_i32, %c0_i32_0 : i32, i32
  }
  func.func @transform_6(%arg0: i32) -> (i32, i32) {
    %c0_i32 = arith.constant 0 : i32
    %c0_i32_0 = arith.constant 0 : i32
    %c0_i32_1 = arith.constant 0 : i32
    return %c0_i32, %c0_i32_0 : i32, i32
  }
  func.func @transform_7(%arg0: i32) -> (i32, i32) {
    %c0_i32 = arith.constant 0 : i32
    %c0_i32_0 = arith.constant 0 : i32
    %c0_i32_1 = arith.constant 0 : i32
    return %c0_i32, %c0_i32_0 : i32, i32
  }
}

</mosaic_0001>

<sc_bundles>
// kernel: kernel.11.cloned.1.call-start
scs
__scs_entry_jumppad:
0x0: {  	(pc) =	sbr.rel $0x88, $3  }
0x1: {  	(tag) =	ssettag $0x0;
	lr =	simm.s32 $0x1  }
0x2: {  	[smem:$0x3F98] =	sst lr;
	_ =	strace $0xD0000000  }
0x3: {  	_ = 	snop  }
0x4: {  	_ = 	snop  }
0x5: {  	_ = 	snop  }
0x6: {  	_ = 	snop  }
0x7: {  	_ = 	snop  }
__scs_overlays_trampoline_lowered:
0x8: {  	[smem:$0x3FA7] =	sst s0  }
0x9: {  	[smem:$0x3FA8] =	sst s1  }
0xa: {  	[smem:$0x3FA9] =	sst s2  }
0xb: {  	[smem:$0x3FAA] =	sst s3  }
0xc: {  	[smem:$0x3FAB] =	sst s4  }
0xd: {  	[smem:$0x3FAC] =	sst s5  }
0xe: {  	[smem:$0x3FAD] =	sst s6  }
0xf: {  	[smem:$0x3FAE] =	sst s7  }
0x10: {  	[smem:$0x3FAF] =	sst s8  }
0x11: {  	[smem:$0x3FB0] =	sst s9;
	s0 =	simm.s32 @!p0 $0x0  }
0x12: {  	s1 =	sld [smem:$0x3F96];
	s0 =	simm.s32 @p0 $0x1  }
0x13: {  	[smem:$0x3FB1] =	sst s0;
	s0 =	simm.s32 @!p1 $0x0  }
0x14: {  	s2 =	sld [smem:$0x3F95];
	s0 =	simm.s32 @p1 $0x1  }
0x15: {  	[smem:$0x3FB2] =	sst s0;
	s0 =	simm.s32 @!p2 $0x0  }
0x16: {  	s3 =	sld [smem:$0x3FDB];
	s0 =	simm.s32 @p2 $0x1  }
0x17: {  	s4 =	simm.s32 $0x1BF5;
	[smem:$0x3FB4] =	sst s0  }
0x18: {  	s0 =	sld [smem:$0x3F97];
	_ =	swait.ge [sflag:s4], $0x0  }
0x19: {  	s7 =	sld [smem:$0x3F98]  }
0x1a: {  	s8 =	sadd.s32 $0xFFFFE003, lr  }
0x1b: {  	s9 =	sadd.s32 $0xFFFFFEF7, lr;
	s5 =	simm.s32 $0xFFFFFFFF;
	p2 =	slt.u32 s8, $0xFFFFF086  }
0x1c: {  	p1 =	slt.u32 s9, $0xF7A;
	s5 =	simm.s32 @!p2 $0x0  }
0x1d: {  	s5 =	simm.s32 @p1 $0x1;
	p0 =	seq.s32 s7, s2  }
0x1e: {  	s7 =	smul.u32 @!p0 $0xF7A, s2;
	p2 =	seq.s32 @!p0 s5, $0x0  }
0x1f: {  	s9 =	smul.u32 $0xF7A, s1;
	s8 =	simm.s32 @!p0 $0x1BF5;
	p2 =	por !p2, p0  }
0x20: {  	[sflag:s8] =	ssyncset.s32 @!p0 $0xFFFFF086;
	s6 =	sadd.s32 @!p0 s3, s7;
	s7 =	simm.s32 @!p0 $0x108  }
0x21: {  	s3 =	sadd.s32 s3, s9;
	s6 =	sadd.s32 @!p0 $0x88, s6;
	s7 =	simm.s32 @p2 $0x1082  }
0x22: {  	[simem:s7], [sflag:s8] =	dma.local @!p0 [hbm:s6], $0xF7A  }
0x23: {  	s9 =	sor.u32 $0xD0000000, s2;
	s6 =	simm.s32 $0x108;
	_ =	swait.ge @!p0 [sflag:s8], $0x0  }
0x24: {  	s3 =	sadd.s32 $0x88, s3;
	s6 =	simm.s32 @!p1 $0x1082;
	[sflag:s4] =	ssyncset.s32 $0xFFFFF086  }
0x25: {  	[simem:s6], [sflag:s4] =	dma.local [hbm:s3], $0xF7A  }
0x26: {  	[smem:$0x3F98] =	sst s1;
	(tag) =	ssettag s2;
	_ =	strace s9  }
0x27: {  	s1 =	sld [smem:$0x3FA8]  }
0x28: {  	s2 =	sld [smem:$0x3FA9]  }
0x29: {  	s4 =	sld [smem:$0x3FAB]  }
0x2a: {  	p0 =	seq.s32 s5, $0x0;
	s5 =	sld [smem:$0x3FAC]  }
0x2b: {  	s6 =	sld [smem:$0x3FAD]  }
0x2c: {  	s7 =	sld [smem:$0x3FAE]  }
0x2d: {  	s3 =	simm.s32 $0x108;
	s8 =	sld [smem:$0x3FAF]  }
0x2e: {  	s3 =	simm.s32 @!p0 $0x1082;
	s9 =	sld [smem:$0x3FB0]  }
0x2f: {  	lr =	sadd.s32 s0, s3;
	s0 =	sld [smem:$0x3FA7]  }
0x30: {  	s3 =	sld [smem:$0x3FAA]  }
0x31: {  	[smem:$0x3FB3] =	sst s10  }
0x32: {  	s10 =	sld [smem:$0x3FB1];
	_ =	sdelay $0x3  }
0x33: {  	p0 =	seq.s32 s10, $0x1;
	s10 =	sld [smem:$0x3FB3];
	_ =	sdelay $0x3  }
0x34: {  	[smem:$0x3FB3] =	sst s10  }
0x35: {  	s10 =	sld [smem:$0x3FB2];
	_ =	sdelay $0x3  }
0x36: {  	p1 =	seq.s32 s10, $0x1;
	s10 =	sld [smem:$0x3FB3];
	_ =	sdelay $0x3  }
0x37: {  	[smem:$0x3FB3] =	sst s10  }
0x38: {  	s10 =	sld [smem:$0x3FB4]  }
0x39: {  	_ = 	snop;
	(pc) =	sbr.ind lr, $3  }
0x3a: {  	_ = 	snop  }
0x3b: {  	_ = 	snop  }
0x3c: {  	p2 =	seq.s32 s10, $0x1;
	s10 =	sld [smem:$0x3FB3]  }
0x3d: {  	_ =	shalt  }
0x3e: {  	_ =	shalt  }
0x3f: {  	_ =	shalt  }
0x40: {  	_ =	shalt  }
0x41: {  	_ =	shalt  }
0x42: {  	_ =	shalt  }
0x43: {  	_ =	shalt  }
0x44: {  	_ =	shalt  }
0x45: {  	_ =	shalt  }
0x46: {  	_ =	shalt  }
0x47: {  	_ =	shalt  }
0x48: {  	_ =	shalt  }
0x49: {  	_ =	shalt  }
0x4a: {  	_ =	shalt  }
0x4b: {  	_ =	shalt  }
0x4c: {  	_ =	shalt  }
0x4d: {  	_ =	shalt  }
0x4e: {  	_ =	shalt  }
0x4f: {  	_ =	shalt  }
0x50: {  	_ =	shalt  }
0x51: {  	_ =	shalt  }
0x52: {  	_ =	shalt  }
0x53: {  	_ =	shalt  }
0x54: {  	_ =	shalt  }
0x55: {  	_ =	shalt  }
0x56: {  	_ =	shalt  }
0x57: {  	_ =	shalt  }
0x58: {  	_ =	shalt  }
0x59: {  	_ =	shalt  }
0x5a: {  	_ =	shalt  }
0x5b: {  	_ =	shalt  }
0x5c: {  	_ =	shalt  }
0x5d: {  	_ =	shalt  }
0x5e: {  	_ =	shalt  }
0x5f: {  	_ =	shalt  }
0x60: {  	_ =	shalt  }
0x61: {  	_ =	shalt  }
0x62: {  	_ =	shalt  }
0x63: {  	_ =	shalt  }
0x64: {  	_ =	shalt  }
0x65: {  	_ =	shalt  }
0x66: {  	_ =	shalt  }
0x67: {  	_ =	shalt  }
0x68: {  	_ =	shalt  }
0x69: {  	_ =	shalt  }
0x6a: {  	_ =	shalt  }
0x6b: {  	_ =	shalt  }
0x6c: {  	_ =	shalt  }
0x6d: {  	_ =	shalt  }
0x6e: {  	_ =	shalt  }
0x6f: {  	_ =	shalt  }
0x70: {  	_ =	shalt  }
0x71: {  	_ =	shalt  }
0x72: {  	_ =	shalt  }
0x73: {  	_ =	shalt  }
0x74: {  	_ =	shalt  }
0x75: {  	_ =	shalt  }
0x76: {  	_ =	shalt  }
0x77: {  	_ =	shalt  }
0x78: {  	_ =	shalt  }
0x79: {  	_ =	shalt  }
0x7a: {  	_ =	shalt  }
0x7b: {  	_ =	shalt  }
0x7c: {  	_ =	shalt  }
0x7d: {  	_ =	shalt  }
0x7e: {  	_ =	shalt  }
0x7f: {  	_ =	shalt  }
0x80: {  	_ =	shalt  }
0x81: {  	_ =	shalt  }
0x82: {  	_ =	shalt  }
0x83: {  	_ =	shalt  }
0x84: {  	_ =	shalt  }
0x85: {  	_ =	shalt  }
0x86: {  	_ =	shalt  }
0x87: {  	_ =	shalt  }
.Lfunc_end0:
.L_simem_size_0:
called_computation.1_lowered:
.L_overlay_start_0:
0x88: {  	s2 =	sld [smem:$0x3FD9]  }
0x89: {  	s3 =	sld [smem:$0x3FFE];
	_ =	sdelay $0x1  }
0x8a: {  	s1 =	srdreg.scid  }
0x8b: {  	s0 =	sand.u32 $0x1, s1  }
0x8c: {  	s16 =	sshll.u32 s0, $0xA;
	s2 =	sadd.s32 s3, s2  }
0x8d: {  	s2 =	sadd.s32 s2, s16  }
0x8e: {  	[smem:$0x3FBF] =	sst s2  }
0x8f: {  	_ = 	snop  }
0x90: {  	(tm) =	ssettm $0x1  }
0x91: {  	s17 =	sld [smem:$0x3FFB];
	_ =	sdelay $0x3  }
0x92: {  	_ =	strace s17  }
0x93: {  	s2 =	sld [smem:$0x3FFC];
	_ =	sdelay $0x3  }
0x94: {  	_ =	strace s2  }
0x95: {  	s2 =	sld [smem:$0x3FFD];
	_ =	sdelay $0x3  }
0x96: {  	_ =	strace s2  }
0x97: {  	_ =	strace $0x8FFFFFFF  }
0x98: {  	s18 =	sld [smem:$0x3FDB];
	_ =	sdelay $0x1  }
0x99: {  	s19 =	simm.s32 $_scs_section_size  }
0x9a: {  	s4 =	simm.s32 $_size__tile_overlayer_lowered;
	s5 =	simm.s32 $_tile_overlayer_lowered  }
0x9b: {  	s22 =	simm.s32 $0x1BFF;
	s21 =	sshll.u32 s5, $0x1;
	s2 =	sadd.s32 s19, s18  }
0x9c: {  	s6 =	simm.s32 $0x0;
	s20 =	sshll.u32 s4, $0x1;
	s4 =	sadd.s32 s21, s2  }
0x9d: {  	[timem:s6], [sflag:s22] =	dma.local [hbm:s4], s20  }
0x9e: {  	_ =	swait.ge [sflag:s22], s20  }
0x9f: {  	s3 =	ssub.s32 $0x0, s20;
	[sflag:s22] =	ssyncset.done $0x0  }
0xa0: {  	[sflag:s22] =	ssyncadd.s32 s3;
	_ =	sdelay $0x1  }
0xa1: {  	s23 =	simm.s32 $0x1B8B  }
0xa2: {  	_ =	swait.ge [sflag:s23], $0x1  }
0xa3: {  	[sflag:s23] =	ssyncset.done $0x0  }
0xa4: {  	s25 =	simm.s32 $0x1B8E;
	s24 =	sld [smem:$0x3FFE];
	[sflag:s23] =	ssyncadd.s32 $0xFFFFFFFF  }
0xa5: {  	s26 =	simm.s32 $execute0_lowered;
	[smem:$0x3FD2] =	sst s25  }
0xa6: {  	s4 =	sshll.u32 s26, $0x1;
	_ =	strace $0x80000049;
	[dreg:$0x1] =	wrdreg $0xFFFFFFFF  }
0xa7: {  	s28 =	simm.s32 $_size_execute0_lowered;
	s2 =	sadd.s32 s2, s4;
	[dreg:$0x0] =	wrdreg $0x0  }
0xa8: {  	s4 =	sshll.u32 s28, $0x1;
	[dreg:$0x2] =	wrdreg s2  }
0xa9: {  	[dreg:$0x3] =	wrdreg s4  }
0xaa: {  	[dreg:$0x4] =	wrdreg $0xC0  }
0xab: {  	_ =	task [dreg:s6], $0x5FFFF  }
0xac: {  	[dreg:$0x1] =	wrdreg $0xFFFFFFFF  }
0xad: {  	[dreg:$0x0] =	wrdreg $0x60  }
0xae: {  	[dreg:$0x2] =	wrdreg s24  }
0xaf: {  	[dreg:$0x3] =	wrdreg $0x90000  }
0xb0: {  	[dreg:$0x4] =	wrdreg $0x12E000  }
0xb1: {  	[dreg:$0x5] =	wrdreg $0x9  }
0xb2: {  	_ =	task.clear_ibuf [dreg:s6], $0x6FFFF;
	_ =	strace $0x90000049  }
0xb3: {  	s29 =	simm.s32 $0x9;
	_ =	strace $0x8000004B  }
0xb4: {  	_ =	swait.ge [sflag:s29], $0x1  }
0xb5: {  	[sflag:s29] =	ssyncadd.s32 $0xFFFFFFFF  }
0xb6: {  	_ =	strace $0x9000004B  }
0xb7: {  	_ =	sfence  }
0xb8: {  	s30 =	sld [smem:$0x0];
	_ =	sdelay $0x2  }
0xb9: {  	s31 =	sshll.u32 s1, $0xD;
	s1 =	sshrl.u32 s1, $0x2  }
0xba: {  	s3 =	sand.u32 $0x4000, s31;
	s1 =	sadd.s32 s1, s30  }
0xbb: {  	s0 =	sor.u32 s3, s0;
	s1 =	sshll.u32 s1, $0x11  }
0xbc: {  	s0 =	sor.u32 s1, s0  }
0xbd: {  	s0 =	sadd.s32 $0x8F2B, s0  }
0xbe: {  	[sflag:s0] =	ssyncadd.remote.s32 $0x1  }
0xbf: {  	_ =	sfence.sel $0xFFFF  }
0xc0: {  	[dreg:$0x0] =	wrdreg $0xFFFFFFFF;
	(pc) =	sbr.abs _section_cstart, $3  }
0xc1: {  	[dreg:$0x1] =	wrdreg $0xFFFFFFFF  }
0xc2: {  	_ =	task.clear_ibuf [dreg:s6], $0x2FFFF;
	_ =	strace $0x9FFFFFFF  }
0xc3: {  	(tm) =	ssettm $0x7FFFFFFF  }
tec
execute0_lowered:
.L_overlay_start_1:
0x0: {  	(tag) =	ssettag $0x1  }
0x1: {  	s0 =	rddreg [dreg:$0x0]  }
0x2: {  	s1 =	srdreg.scid;
	s2 =	rddreg [dreg:$0x1]  }
0x3: {  	s25 =	stileid.u32;
	s3 =	rddreg [dreg:$0x2];
	s28 =	simm.s32 $0x3  }
0x4: {  	s30 =	simm.s32 $0x80;
	s31 =	simm.s32 $0x7000;
	s1 =	sand.u32 $0x1, s1  }
0x5: {  	s4 =	sshll.u32 s25, $0x1;
	s6 =	smul.u32 $0x27800, s25;
	s29 =	sadd.s32 $0x96000, s0  }
0x6: {  	s10 =	sshll.u32 s25, $0xA;
	s24 =	sadd.s32 $0x9C000, s3;
	p0 =	sgt.u32 s25, $0xD  }
0x7: {  	s5 =	sor.u32 s1, s4;
	s4 =	simm.s32 $0x0;
	s8 =	smul.u32 $0x13C00, s1  }
0x8: {  	s1 =	ssub.s32 $0x2, s1;
	s15 =	sadd.s32 s29, s10;
	p1 =	sne.s32 @p0 s25, $0xE  }
0x9: {  	s5 =	smul.u32 $0x500, s5;
	[smem:$0x7FF] =	sst s4;
	s26 =	sshrl.u32 s6, $0x2  }
0xa: {  	s9 =	sshrl.u32 s1, $0x1;
	p1 =	por p1, !p0;
	_ =	strace $0x8000004A  }
0xb: {  	s16 =	sadd.s32 s8, s0;
	s7 =	sadd.s32 s5, s0;
	s5 =	sadd.s32 s26, s2  }
0xc: {  	s1 =	ssub.s32 s1, s9;
	[dreg:$0x8] =	wrdreg s15;
	s11 =	sadd.s32 $0x2000, s5  }
0xd: {  	s15 =	sadd.s32 $0xA9800, s0;
	s12 =	sadd.s32 $0x4000, s5;
	[dreg:$0x4] =	wrdreg s11  }
0xe: {  	s24 =	sshrl.u32 @!p1 s24, $0x3;
	s13 =	sadd.s32 $0x6000, s5;
	[dreg:$0x5] =	wrdreg s12  }
0xf: {  	s26 =	smul.u32 $0x13C0, s25;
	s14 =	sadd.s32 $0x8000, s5;
	[dreg:$0x6] =	wrdreg s13  }
0x10: {  	s16 =	sadd.s32 $0xA9A00, s16;
	s12 =	sshll.u32 s25, $0xD;
	[dreg:$0x7] =	wrdreg s14  }
0x11: {  	s16 =	sadd.s32 s26, s16;
	s26 =	simm.s32 $0x5000;
	s11 =	sor.u32 $0x20000, s12  }
0x12: {  	s20 =	sadd.s32 s12, s3;
	s17 =	sor.u32 $0x40000, s12;
	s14 =	sor.u32 $0x60000, s12  }
0x13: {  	s13 =	sshrl.u32 s11, $0x3;
	s21 =	sadd.s32 s11, s3;
	s22 =	sadd.s32 s17, s3  }
0x14: {  	s18 =	sshrl.u32 s14, $0x3;
	s23 =	sadd.s32 s14, s3;
	s20 =	sshrl.u32 s20, $0x3  }
0x15: {  	s11 =	sadd.s32 s29, s13;
	s13 =	sshrl.u32 s17, $0x3;
	s17 =	sor.u32 $0x40, s25  }
0x16: {  	s21 =	sshrl.u32 s21, $0x3;
	s22 =	sshrl.u32 s22, $0x3;
	s23 =	sshrl.u32 s23, $0x3  }
0x17: {  	s12 =	sadd.s32 s29, s13;
	s13 =	sadd.s32 s29, s18;
	s19 =	sshll.u32 s17, $0xA  }
0x18: {  	s18 =	sadd.s32 $0x2000, s7;
	s14 =	sadd.s32 s29, s19;
	s29 =	sshll.u32 s17, $0xD  }
0x19: {  	s17 =	sadd.s32 $0x15E00, s7;
	s19 =	smax.u32 s1, $0x1;
	s0 =	sadd.s32 s29, s3  }
0x1a: {  	v0 =	vimm.f32 $0.0e+00;
	s1 =	simm.s32 $0x1;
	s25 =	sshrl.u32 @!p0 s0, $0x3;
	s0 =	simm.s32 $0x2  }
.LBB2_1:
0x1b: {  	s29 =	simm.s32 $0x100;
	s6 =	simm.s32 $0x0  }
.LBB2_2:
0x1c: {  	p2 =	sne.s32 s29, $0x7F00;
	[tilespmem:s6+$0x5030] =	vst v0;
	s7 =	smov.u32 s29;
	s29 =	sadd.s32 $0x100, s29  }
.Ltmp0:
0x1d: {  	[tilespmem:s6+$0x5020] =	vst v0;
	(pc) =	sbr.rel @p2 .LBB2_2-.Ltmp0, $3  }
0x1e: {  	[tilespmem:s6+$0x5000] =	vst v0  }
0x1f: {  	[tilespmem:s6+$0x5010] =	vst v0;
	_ =	sdelay $0x1  }
0x20: {  	s6 =	sshra.s32 s7, $0x2  }
0x21: {  	[tilespmem:s6+$0x5030] =	vst v0  }
0x22: {  	[tilespmem:s6+$0x5020] =	vst v0  }
0x23: {  	[tilespmem:s6+$0x5000] =	vst v0  }
0x24: {  	[tilespmem:s6+$0x5010] =	vst v0  }
0x25: {  	[spmem:s5] =	stream.linear.scatter [tilespmem:s26], [sflag:$0x3], $0x2000, $0x38;
	[tilespmem:$0x1CC00] =	vst v63  }
0x26: {  	_ =	swait.ge [sflag:s28], $0x2000  }
0x27: {  	[sflag:s28] =	ssyncset.done $0x0  }
0x28: {  	s8 =	rddreg [dreg:$0x4];
	[sflag:s28] =	ssyncadd.s32 $0xFFFFE000  }
0x29: {  	[spmem:s8] =	stream.linear.scatter [tilespmem:s26], [sflag:$0x3], $0x2000, $0x38;
	[tilespmem:$0x1CC00] =	vst v63  }
0x2a: {  	_ =	swait.ge [sflag:s28], $0x2000  }
0x2b: {  	[sflag:s28] =	ssyncset.done $0x0  }
0x2c: {  	s9 =	rddreg [dreg:$0x5];
	[sflag:s28] =	ssyncadd.s32 $0xFFFFE000  }
0x2d: {  	[spmem:s9] =	stream.linear.scatter [tilespmem:s26], [sflag:$0x3], $0x2000, $0x38;
	[tilespmem:$0x1CC00] =	vst v63  }
0x2e: {  	_ =	swait.ge [sflag:s28], $0x2000  }
0x2f: {  	[sflag:s28] =	ssyncset.done $0x0  }
0x30: {  	s10 =	rddreg [dreg:$0x6];
	[sflag:s28] =	ssyncadd.s32 $0xFFFFE000  }
0x31: {  	[spmem:s10] =	stream.linear.scatter [tilespmem:s26], [sflag:$0x3], $0x2000, $0x38;
	[tilespmem:$0x1CC00] =	vst v63  }
0x32: {  	_ =	swait.ge [sflag:s28], $0x2000  }
0x33: {  	[sflag:s28] =	ssyncset.done $0x0  }
0x34: {  	s7 =	rddreg [dreg:$0x7];
	[sflag:s28] =	ssyncadd.s32 $0xFFFFE000  }
0x35: {  	[spmem:s7] =	stream.linear.scatter [tilespmem:s26], [sflag:$0x3], $0x1E00, $0x38;
	[tilespmem:$0x1CC00] =	vst v63  }
0x36: {  	s8 =	stileid.u32;
	_ =	swait.ge [sflag:s28], $0x1E00  }
0x37: {  	s6 =	sshll.u32 s8, $0x6;
	[sflag:s28] =	ssyncset.done $0x0  }
0x38: {  	s29 =	sor.u32 $0x1C03, s6;
	s9 =	rddreg [dreg:$0x8];
	[sflag:s28] =	ssyncadd.s32 $0xFFFFE200  }
0x39: {  	[spmem:s20], [sflag:s29] =	dma.local [hbm:s9], $0x400  }
0x3a: {  	_ =	swait.ge [sflag:s28], $0x400  }
0x3b: {  	[sflag:s28] =	ssyncset.done $0x0  }
0x3c: {  	[sflag:s28] =	ssyncadd.s32 $0xFFFFFC00  }
0x3d: {  	[spmem:s21], [sflag:s29] =	dma.local [hbm:s11], $0x400  }
0x3e: {  	_ =	swait.ge [sflag:s28], $0x400  }
0x3f: {  	[sflag:s28] =	ssyncset.done $0x0  }
0x40: {  	[sflag:s28] =	ssyncadd.s32 $0xFFFFFC00  }
0x41: {  	[spmem:s22], [sflag:s29] =	dma.local [hbm:s12], $0x400  }
0x42: {  	_ =	swait.ge [sflag:s28], $0x400  }
0x43: {  	[sflag:s28] =	ssyncset.done $0x0  }
0x44: {  	[sflag:s28] =	ssyncadd.s32 $0xFFFFFC00  }
0x45: {  	[spmem:s23], [sflag:s29] =	dma.local [hbm:s13], $0x400  }
0x46: {  	_ =	swait.ge [sflag:s28], $0x400  }
0x47: {  	[sflag:s28] =	ssyncset.done $0x0  }
0x48: {  	s6 =	simm.s32 @!p1 $0x3;
	[sflag:s28] =	ssyncadd.s32 $0xFFFFFC00  }
0x49: {  	[spmem:s24], [sflag:s29] =	dma.local @!p1 [hbm:s15], $0x80  }
0x4a: {  	_ =	swait.ge @!p1 [sflag:s6], $0x80  }
0x4b: {  	[sflag:s6] =	ssyncset.done @!p1 $0x0  }
0x4c: {  	[sflag:s6] =	ssyncadd.s32 @!p1 $0xFFFFFF80;
	s6 =	simm.s32 @!p0 $0x3  }
0x4d: {  	[spmem:s25], [sflag:s29] =	dma.local @!p0 [hbm:s14], $0x400  }
0x4e: {  	_ =	swait.ge @!p0 [sflag:s6], $0x400  }
0x4f: {  	[sflag:s6] =	ssyncset.done @!p0 $0x0  }
0x50: {  	[sflag:s6] =	ssyncadd.s32 @!p0 $0xFFFFFC00  }
0x51: {  	s10 =	simm.s32 $0x0;
	[bflag:$0x0] =	sbarrier.arrive $0xFFFF  }
0x52: {  	[tilespmem:s10], [sflag:$0x3] =	stream.linear.gather [hbm4b:s17+s10], $0x2800, $0x38;
	[tilespmem:$0x1CC00] =	vst v63  }
0x53: {  	_ =	swait.ge [sflag:s28], $0x2800  }
0x54: {  	[sflag:s28] =	ssyncset.done $0x0  }
0x55: {  	s7 =	simm.s32 $0x2800;
	[sflag:s28] =	ssyncadd.s32 $0xFFFFD800  }
0x56: {  	[tilespmem:s7], [sflag:$0x3] =	stream.linear.gather [hbm4b:s18+s10], $0x2800, $0x38;
	[tilespmem:$0x1CC00] =	vst v63  }
0x57: {  	_ =	swait.ge [sflag:s28], $0x2800  }
0x58: {  	[sflag:s28] =	ssyncset.done $0x0  }
0x59: {  	[sflag:s28] =	ssyncadd.s32 $0xFFFFD800  }
0x5a: {  	[tilespmem:s26], [sflag:$0x1] =	stream.indirect.gather [spmem:s3], $0x40, s10, s30, $0xb8;
	[tilespmem:$0x1CC00] =	vst v63  }
0x5b: {  	s7 =	simm.s32 $0x80  }
0x5c: {  	[tilespmem:s31], [sflag:$0x2] =	stream.indirect.gather [spmem:s3], $0x40, s7, s30, $0xb8;
	[tilespmem:$0x1CC00] =	vst v63  }
0x5d: {  	_ =	swait.ge [sflag:s1], $0x2000  }
0x5e: {  	[sflag:s1] =	ssyncset.done $0x0  }
0x5f: {  	s8 =	simm.s32 $0x2800;
	[sflag:s1] =	ssyncadd.s32 $0xFFFFE000  }
0x60: {  	[spmem:s2] =	stream.indirect.scatter.add.f32 [tilespmem:s26], [sflag:$0x3], $0x40, s8, s30, $0xb8;
	[tilespmem:$0x1CC00] =	vst v63  }
0x61: {  	_ =	swait.ge [sflag:s28], $0x2000  }
0x62: {  	[sflag:s28] =	ssyncset.done $0x0  }
0x63: {  	s9 =	simm.s32 $0x100;
	[sflag:s28] =	ssyncadd.s32 $0xFFFFE000  }
0x64: {  	[tilespmem:s26], [sflag:$0x1] =	stream.indirect.gather [spmem:s3], $0x40, s9, s30, $0xb8;
	[tilespmem:$0x1CC00] =	vst v63  }
0x65: {  	_ =	swait.ge [sflag:s0], $0x2000  }
0x66: {  	[sflag:s0] =	ssyncset.done $0x0  }
0x67: {  	s10 =	simm.s32 $0x2880;
	[sflag:s0] =	ssyncadd.s32 $0xFFFFE000  }
0x68: {  	[spmem:s2] =	stream.indirect.scatter.add.f32 [tilespmem:s31], [sflag:$0x3], $0x40, s10, s30, $0xb8;
	[tilespmem:$0x1CC00] =	vst v63  }
0x69: {  	_ =	swait.ge [sflag:s28], $0x2000  }
0x6a: {  	s6 =	simm.s32 $0x100;
	s7 =	simm.s32 $0x800;
	[sflag:s28] =	ssyncset.done $0x0  }
.LBB2_4:
0x6b: {  	s8 =	sadd.s32 $0x80, s6  }
0x6c: {  	[sflag:s28] =	ssyncadd.s32 $0xFFFFE000;
	s9 =	smov.u32 s7;
	s10 =	sadd.s32 $0x400, s7  }
0x6d: {  	[tilespmem:s31], [sflag:$0x2] =	stream.indirect.gather [spmem:s3], $0x40, s8, s30, $0xb8;
	[tilespmem:$0x1CC00] =	vst v63  }
0x6e: {  	p2 =	sne.s32 s7, $0x9800;
	_ =	swait.ge [sflag:s1], $0x2000  }
0x6f: {  	[sflag:s1] =	ssyncset.done $0x0  }
0x70: {  	s7 =	sadd.s32 $0x2800, s6;
	[sflag:s1] =	ssyncadd.s32 $0xFFFFE000  }
0x71: {  	[spmem:s2] =	stream.indirect.scatter.add.f32 [tilespmem:s26], [sflag:$0x3], $0x40, s7, s30, $0xb8;
	[tilespmem:$0x1CC00] =	vst v63  }
0x72: {  	_ =	swait.ge [sflag:s28], $0x2000  }
0x73: {  	[sflag:s28] =	ssyncset.done $0x0  }
0x74: {  	s7 =	sadd.s32 $0x100, s6;
	[sflag:s28] =	ssyncadd.s32 $0xFFFFE000  }
0x75: {  	[tilespmem:s26], [sflag:$0x1] =	stream.indirect.gather [spmem:s3], $0x40, s7, s30, $0xb8;
	[tilespmem:$0x1CC00] =	vst v63  }
0x76: {  	_ =	swait.ge [sflag:s0], $0x2000  }
.Ltmp1:
0x77: {  	[sflag:s0] =	ssyncset.done $0x0;
	(pc) =	sbr.rel @p2 .LBB2_4-.Ltmp1, $4  }
0x78: {  	s6 =	sadd.s32 $0x2880, s6;
	[sflag:s0] =	ssyncadd.s32 $0xFFFFE000  }
0x79: {  	[spmem:s2] =	stream.indirect.scatter.add.f32 [tilespmem:s31], [sflag:$0x3], $0x40, s6, s30, $0xb8;
	[tilespmem:$0x1CC00] =	vst v63  }
0x7a: {  	_ =	swait.ge [sflag:s28], $0x2000  }
0x7b: {  	s7 =	smov.u32 s10;
	s6 =	sshra.s32 s9, $0x2;
	[sflag:s28] =	ssyncset.done $0x0  }
0x7c: {  	s7 =	sadd.s32 $0x80, s6;
	[sflag:s28] =	ssyncadd.s32 $0xFFFFE000  }
0x7d: {  	[tilespmem:s31], [sflag:$0x2] =	stream.indirect.gather [spmem:s3], $0x40, s7, s30, $0xb8;
	[tilespmem:$0x1CC00] =	vst v63  }
0x7e: {  	_ =	swait.ge [sflag:s1], $0x2000  }
0x7f: {  	[sflag:s1] =	ssyncset.done $0x0  }
0x80: {  	s8 =	sadd.s32 $0x2800, s6;
	[sflag:s1] =	ssyncadd.s32 $0xFFFFE000  }
0x81: {  	[spmem:s2] =	stream.indirect.scatter.add.f32 [tilespmem:s26], [sflag:$0x3], $0x40, s8, s30, $0xb8;
	[tilespmem:$0x1CC00] =	vst v63  }
0x82: {  	_ =	swait.ge [sflag:s28], $0x2000  }
0x83: {  	[sflag:s28] =	ssyncset.done $0x0  }
0x84: {  	s9 =	sadd.s32 $0x100, s6;
	[sflag:s28] =	ssyncadd.s32 $0xFFFFE000  }
0x85: {  	[tilespmem:s26], [sflag:$0x1] =	stream.indirect.gather [spmem:s3], $0x40, s9, s30, $0xb8;
	[tilespmem:$0x1CC00] =	vst v63  }
0x86: {  	_ =	swait.ge [sflag:s0], $0x2000  }
0x87: {  	[sflag:s0] =	ssyncset.done $0x0  }
0x88: {  	s10 =	sadd.s32 $0x2880, s6;
	[sflag:s0] =	ssyncadd.s32 $0xFFFFE000  }
0x89: {  	[spmem:s2] =	stream.indirect.scatter.add.f32 [tilespmem:s31], [sflag:$0x3], $0x40, s10, s30, $0xb8;
	[tilespmem:$0x1CC00] =	vst v63  }
0x8a: {  	_ =	swait.ge [sflag:s28], $0x2000  }
0x8b: {  	[sflag:s28] =	ssyncset.done $0x0  }
0x8c: {  	s7 =	simm.s32 $0x2780;
	[sflag:s28] =	ssyncadd.s32 $0xFFFFE000  }
0x8d: {  	[tilespmem:s31], [sflag:$0x2] =	stream.indirect.gather [spmem:s3], $0x40, s7, s30, $0xb8;
	[tilespmem:$0x1CC00] =	vst v63  }
0x8e: {  	_ =	swait.ge [sflag:s1], $0x2000  }
0x8f: {  	[sflag:s1] =	ssyncset.done $0x0  }
0x90: {  	s8 =	simm.s32 $0x4F00;
	[sflag:s1] =	ssyncadd.s32 $0xFFFFE000  }
0x91: {  	[spmem:s2] =	stream.indirect.scatter.add.f32 [tilespmem:s26], [sflag:$0x3], $0x40, s8, s30, $0xb8;
	[tilespmem:$0x1CC00] =	vst v63  }
0x92: {  	_ =	swait.ge [sflag:s28], $0x2000  }
0x93: {  	[sflag:s28] =	ssyncset.done $0x0  }
0x94: {  	[sflag:s28] =	ssyncadd.s32 $0xFFFFE000  }
0x95: {  	_ =	swait.ge [sflag:s0], $0x2000  }
0x96: {  	[sflag:s0] =	ssyncset.done $0x0  }
0x97: {  	s9 =	simm.s32 $0x4F80;
	[sflag:s0] =	ssyncadd.s32 $0xFFFFE000  }
0x98: {  	[spmem:s2] =	stream.indirect.scatter.add.f32 [tilespmem:s31], [sflag:$0x3], $0x40, s9, s30, $0xb8;
	[tilespmem:$0x1CC00] =	vst v63  }
0x99: {  	_ =	swait.ge [sflag:s28], $0x2000  }
0x9a: {  	s4 =	sadd.s32 $0x1, s4;
	[sflag:s28] =	ssyncset.done $0x0  }
0x9b: {  	p2 =	sne.s32 s4, s19;
	[sflag:s28] =	ssyncadd.s32 $0xFFFFE000  }
.Ltmp2:
0x9c: {  	s10 =	sshrl.u32 s5, $0x3;
	[bflag:$0x0] =	sbarrier.arrive $0xFFFF;
	(pc) =	sbr.rel @p2 .LBB2_1-.Ltmp2, $4  }
0x9d: {  	[hbm:s16], [sflag:s29] =	dma.local [spmem:s10], $0x13C0  }
0x9e: {  	_ =	swait.ge [sflag:s28], $0x13C0  }
0x9f: {  	[sflag:s28] =	ssyncset.done $0x0  }
0xa0: {  	[sflag:s28] =	ssyncadd.s32 $0xFFFFEC40  }
0xa1: {  	_ =	sfence.sel $0x180000  }
0xa2: {  	[bflag:$0x0] =	sbarrier.arrive $0xFFFF  }
0xa3: {  	_ =	strace $0x9000004A  }
0xa4: {  	s0 =	stileid.u32;
	[bflag:$0x2] =	sbarrier.arrive $0xFFFF  }
0xa5: {  	p0 =	sne.s32 s0, $0x0;
	s0 =	rddreg [dreg:$0x3]  }
0xa6: {  	s0 =	sadd.s32 @!p0 $0x100000, s0  }
0xa7: {  	[sflag:s0] =	ssyncadd.tile.s32 @!p0 $0x1;
	_ =	shalt  }
.Lfunc_end2:
_tile_overlayer_lowered:
.L_overlay_start_2:
0xa8: {  	(tag) =	ssettag $0x2  }
0xa9: {  	s0 =	rddreg [dreg:$0x0];
	s2 =	stileid.u32  }
0xaa: {  	s1 =	rddreg [dreg:$0x1];
	p0 =	sne.s32 s2, $0x0  }
0xab: {  	s3 =	rddreg [dreg:$0x2];
	[bflag:$0x3] =	sbarrier.arrive $0xFFFF;
	s2 =	simm.s32 @!p0 $0x1C03  }
0xac: {  	[timem:s3], [sflag:s2] =	dma.local @!p0 [hbm:s0], s1  }
0xad: {  	s0 =	simm.s32 @!p0 $0x3  }
0xae: {  	_ =	swait.ge @!p0 [sflag:s0], s1  }
0xaf: {  	s1 =	ssub.s32 @!p0 $0x0, s1;
	[sflag:s0] =	ssyncset.done @!p0 $0x0  }
0xb0: {  	[sflag:s0] =	ssyncadd.s32 @!p0 s1  }
0xb1: {  	[bflag:$0x3] =	sbarrier.arrive $0xFFFF  }
0xb2: {  	_ =	shalt  }

// kernel: kernel.14.cloned.1.call-start
scs
__scs_entry_jumppad:
0x0: {  	(pc) =	sbr.rel $0x88, $3  }
0x1: {  	(tag) =	ssettag $0x0;
	lr =	simm.s32 $0x1  }
0x2: {  	[smem:$0x3F98] =	sst lr;
	_ =	strace $0xD0000000  }
0x3: {  	_ = 	snop  }
0x4: {  	_ = 	snop  }
0x5: {  	_ = 	snop  }
0x6: {  	_ = 	snop  }
0x7: {  	_ = 	snop  }
__scs_overlays_trampoline_lowered:
0x8: {  	[smem:$0x3FA7] =	sst s0  }
0x9: {  	[smem:$0x3FA8] =	sst s1  }
0xa: {  	[smem:$0x3FA9] =	sst s2  }
0xb: {  	[smem:$0x3FAA] =	sst s3  }
0xc: {  	[smem:$0x3FAB] =	sst s4  }
0xd: {  	[smem:$0x3FAC] =	sst s5  }
0xe: {  	[smem:$0x3FAD] =	sst s6  }
0xf: {  	[smem:$0x3FAE] =	sst s7  }
0x10: {  	[smem:$0x3FAF] =	sst s8  }
0x11: {  	[smem:$0x3FB0] =	sst s9;
	s0 =	simm.s32 @!p0 $0x0  }
0x12: {  	s1 =	sld [smem:$0x3F96];
	s0 =	simm.s32 @p0 $0x1  }
0x13: {  	[smem:$0x3FB1] =	sst s0;
	s0 =	simm.s32 @!p1 $0x0  }
0x14: {  	s2 =	sld [smem:$0x3F95];
	s0 =	simm.s32 @p1 $0x1  }
0x15: {  	[smem:$0x3FB2] =	sst s0;
	s0 =	simm.s32 @!p2 $0x0  }
0x16: {  	s3 =	sld [smem:$0x3FDB];
	s0 =	simm.s32 @p2 $0x1  }
0x17: {  	s4 =	simm.s32 $0x1BF5;
	[smem:$0x3FB4] =	sst s0  }
0x18: {  	s0 =	sld [smem:$0x3F97];
	_ =	swait.ge [sflag:s4], $0x0  }
0x19: {  	s7 =	sld [smem:$0x3F98]  }
0x1a: {  	s8 =	sadd.s32 $0xFFFFE003, lr  }
0x1b: {  	s9 =	sadd.s32 $0xFFFFFEF7, lr;
	s5 =	simm.s32 $0xFFFFFFFF;
	p2 =	slt.u32 s8, $0xFFFFF086  }
0x1c: {  	p1 =	slt.u32 s9, $0xF7A;
	s5 =	simm.s32 @!p2 $0x0  }
0x1d: {  	s5 =	simm.s32 @p1 $0x1;
	p0 =	seq.s32 s7, s2  }
0x1e: {  	s7 =	smul.u32 @!p0 $0xF7A, s2;
	p2 =	seq.s32 @!p0 s5, $0x0  }
0x1f: {  	s9 =	smul.u32 $0xF7A, s1;
	s8 =	simm.s32 @!p0 $0x1BF5;
	p2 =	por !p2, p0  }
0x20: {  	[sflag:s8] =	ssyncset.s32 @!p0 $0xFFFFF086;
	s6 =	sadd.s32 @!p0 s3, s7;
	s7 =	simm.s32 @!p0 $0x108  }
0x21: {  	s3 =	sadd.s32 s3, s9;
	s6 =	sadd.s32 @!p0 $0x88, s6;
	s7 =	simm.s32 @p2 $0x1082  }
0x22: {  	[simem:s7], [sflag:s8] =	dma.local @!p0 [hbm:s6], $0xF7A  }
0x23: {  	s9 =	sor.u32 $0xD0000000, s2;
	s6 =	simm.s32 $0x108;
	_ =	swait.ge @!p0 [sflag:s8], $0x0  }
0x24: {  	s3 =	sadd.s32 $0x88, s3;
	s6 =	simm.s32 @!p1 $0x1082;
	[sflag:s4] =	ssyncset.s32 $0xFFFFF086  }
0x25: {  	[simem:s6], [sflag:s4] =	dma.local [hbm:s3], $0xF7A  }
0x26: {  	[smem:$0x3F98] =	sst s1;
	(tag) =	ssettag s2;
	_ =	strace s9  }
0x27: {  	s1 =	sld [smem:$0x3FA8]  }
0x28: {  	s2 =	sld [smem:$0x3FA9]  }
0x29: {  	s4 =	sld [smem:$0x3FAB]  }
0x2a: {  	p0 =	seq.s32 s5, $0x0;
	s5 =	sld [smem:$0x3FAC]  }
0x2b: {  	s6 =	sld [smem:$0x3FAD]  }
0x2c: {  	s7 =	sld [smem:$0x3FAE]  }
0x2d: {  	s3 =	simm.s32 $0x108;
	s8 =	sld [smem:$0x3FAF]  }
0x2e: {  	s3 =	simm.s32 @!p0 $0x1082;
	s9 =	sld [smem:$0x3FB0]  }
0x2f: {  	lr =	sadd.s32 s0, s3;
	s0 =	sld [smem:$0x3FA7]  }
0x30: {  	s3 =	sld [smem:$0x3FAA]  }
0x31: {  	[smem:$0x3FB3] =	sst s10  }
0x32: {  	s10 =	sld [smem:$0x3FB1];
	_ =	sdelay $0x3  }
0x33: {  	p0 =	seq.s32 s10, $0x1;
	s10 =	sld [smem:$0x3FB3];
	_ =	sdelay $0x3  }
0x34: {  	[smem:$0x3FB3] =	sst s10  }
0x35: {  	s10 =	sld [smem:$0x3FB2];
	_ =	sdelay $0x3  }
0x36: {  	p1 =	seq.s32 s10, $0x1;
	s10 =	sld [smem:$0x3FB3];
	_ =	sdelay $0x3  }
0x37: {  	[smem:$0x3FB3] =	sst s10  }
0x38: {  	s10 =	sld [smem:$0x3FB4]  }
0x39: {  	_ = 	snop;
	(pc) =	sbr.ind lr, $3  }
0x3a: {  	_ = 	snop  }
0x3b: {  	_ = 	snop  }
0x3c: {  	p2 =	seq.s32 s10, $0x1;
	s10 =	sld [smem:$0x3FB3]  }
0x3d: {  	_ =	shalt  }
0x3e: {  	_ =	shalt  }
0x3f: {  	_ =	shalt  }
0x40: {  	_ =	shalt  }
0x41: {  	_ =	shalt  }
0x42: {  	_ =	shalt  }
0x43: {  	_ =	shalt  }
0x44: {  	_ =	shalt  }
0x45: {  	_ =	shalt  }
0x46: {  	_ =	shalt  }
0x47: {  	_ =	shalt  }
0x48: {  	_ =	shalt  }
0x49: {  	_ =	shalt  }
0x4a: {  	_ =	shalt  }
0x4b: {  	_ =	shalt  }
0x4c: {  	_ =	shalt  }
0x4d: {  	_ =	shalt  }
0x4e: {  	_ =	shalt  }
0x4f: {  	_ =	shalt  }
0x50: {  	_ =	shalt  }
0x51: {  	_ =	shalt  }
0x52: {  	_ =	shalt  }
0x53: {  	_ =	shalt  }
0x54: {  	_ =	shalt  }
0x55: {  	_ =	shalt  }
0x56: {  	_ =	shalt  }
0x57: {  	_ =	shalt  }
0x58: {  	_ =	shalt  }
0x59: {  	_ =	shalt  }
0x5a: {  	_ =	shalt  }
0x5b: {  	_ =	shalt  }
0x5c: {  	_ =	shalt  }
0x5d: {  	_ =	shalt  }
0x5e: {  	_ =	shalt  }
0x5f: {  	_ =	shalt  }
0x60: {  	_ =	shalt  }
0x61: {  	_ =	shalt  }
0x62: {  	_ =	shalt  }
0x63: {  	_ =	shalt  }
0x64: {  	_ =	shalt  }
0x65: {  	_ =	shalt  }
0x66: {  	_ =	shalt  }
0x67: {  	_ =	shalt  }
0x68: {  	_ =	shalt  }
0x69: {  	_ =	shalt  }
0x6a: {  	_ =	shalt  }
0x6b: {  	_ =	shalt  }
0x6c: {  	_ =	shalt  }
0x6d: {  	_ =	shalt  }
0x6e: {  	_ =	shalt  }
0x6f: {  	_ =	shalt  }
0x70: {  	_ =	shalt  }
0x71: {  	_ =	shalt  }
0x72: {  	_ =	shalt  }
0x73: {  	_ =	shalt  }
0x74: {  	_ =	shalt  }
0x75: {  	_ =	shalt  }
0x76: {  	_ =	shalt  }
0x77: {  	_ =	shalt  }
0x78: {  	_ =	shalt  }
0x79: {  	_ =	shalt  }
0x7a: {  	_ =	shalt  }
0x7b: {  	_ =	shalt  }
0x7c: {  	_ =	shalt  }
0x7d: {  	_ =	shalt  }
0x7e: {  	_ =	shalt  }
0x7f: {  	_ =	shalt  }
0x80: {  	_ =	shalt  }
0x81: {  	_ =	shalt  }
0x82: {  	_ =	shalt  }
0x83: {  	_ =	shalt  }
0x84: {  	_ =	shalt  }
0x85: {  	_ =	shalt  }
0x86: {  	_ =	shalt  }
0x87: {  	_ =	shalt  }
.Lfunc_end0:
.L_simem_size_0:
called_computation.2_lowered:
.L_overlay_start_0:
0x88: {  	s2 =	sld [smem:$0x3FD9]  }
0x89: {  	s3 =	sld [smem:$0x3FFE];
	_ =	sdelay $0x1  }
0x8a: {  	s1 =	srdreg.scid  }
0x8b: {  	s0 =	sand.u32 $0x1, s1  }
0x8c: {  	s16 =	sshll.u32 s0, $0xA;
	s2 =	sadd.s32 s3, s2  }
0x8d: {  	s2 =	sadd.s32 s2, s16  }
0x8e: {  	[smem:$0x3FBF] =	sst s2  }
0x8f: {  	_ = 	snop  }
0x90: {  	(tm) =	ssettm $0x1  }
0x91: {  	s17 =	sld [smem:$0x3FFB];
	_ =	sdelay $0x3  }
0x92: {  	_ =	strace s17  }
0x93: {  	s2 =	sld [smem:$0x3FFC];
	_ =	sdelay $0x3  }
0x94: {  	_ =	strace s2  }
0x95: {  	s2 =	sld [smem:$0x3FFD];
	_ =	sdelay $0x3  }
0x96: {  	_ =	strace s2  }
0x97: {  	_ =	strace $0x8FFFFFFF  }
0x98: {  	s18 =	sld [smem:$0x3FDB];
	_ =	sdelay $0x1  }
0x99: {  	s19 =	simm.s32 $_scs_section_size  }
0x9a: {  	s4 =	simm.s32 $_size__tile_overlayer_lowered;
	s5 =	simm.s32 $_tile_overlayer_lowered  }
0x9b: {  	s22 =	simm.s32 $0x1BFF;
	s21 =	sshll.u32 s5, $0x1;
	s2 =	sadd.s32 s19, s18  }
0x9c: {  	s6 =	simm.s32 $0x0;
	s20 =	sshll.u32 s4, $0x1;
	s4 =	sadd.s32 s21, s2  }
0x9d: {  	[timem:s6], [sflag:s22] =	dma.local [hbm:s4], s20  }
0x9e: {  	_ =	swait.ge [sflag:s22], s20  }
0x9f: {  	s3 =	ssub.s32 $0x0, s20;
	[sflag:s22] =	ssyncset.done $0x0  }
0xa0: {  	[sflag:s22] =	ssyncadd.s32 s3;
	_ =	sdelay $0x1  }
0xa1: {  	s23 =	simm.s32 $0x1B8B  }
0xa2: {  	_ =	swait.ge [sflag:s23], $0x1  }
0xa3: {  	[sflag:s23] =	ssyncset.done $0x0  }
0xa4: {  	s25 =	simm.s32 $0x1B8E;
	s24 =	sld [smem:$0x3FFE];
	[sflag:s23] =	ssyncadd.s32 $0xFFFFFFFF  }
0xa5: {  	s26 =	simm.s32 $execute0_lowered;
	[smem:$0x3FD2] =	sst s25  }
0xa6: {  	s4 =	sshll.u32 s26, $0x1;
	_ =	strace $0x8000004C;
	[dreg:$0x1] =	wrdreg $0xFFFFFFFF  }
0xa7: {  	s28 =	simm.s32 $_size_execute0_lowered;
	s2 =	sadd.s32 s2, s4;
	[dreg:$0x0] =	wrdreg $0x0  }
0xa8: {  	s4 =	sshll.u32 s28, $0x1;
	[dreg:$0x2] =	wrdreg s2  }
0xa9: {  	[dreg:$0x3] =	wrdreg s4  }
0xaa: {  	[dreg:$0x4] =	wrdreg $0xC0  }
0xab: {  	_ =	task [dreg:s6], $0x5FFFF  }
0xac: {  	[dreg:$0x1] =	wrdreg $0xFFFFFFFF  }
0xad: {  	[dreg:$0x0] =	wrdreg $0x60  }
0xae: {  	[dreg:$0x2] =	wrdreg s24  }
0xaf: {  	[dreg:$0x3] =	wrdreg $0x90000  }
0xb0: {  	[dreg:$0x4] =	wrdreg $0x12E000  }
0xb1: {  	[dreg:$0x5] =	wrdreg $0x9  }
0xb2: {  	_ =	task.clear_ibuf [dreg:s6], $0x6FFFF;
	_ =	strace $0x9000004C  }
0xb3: {  	s29 =	simm.s32 $0x9;
	_ =	strace $0x8000004E  }
0xb4: {  	_ =	swait.ge [sflag:s29], $0x1  }
0xb5: {  	[sflag:s29] =	ssyncadd.s32 $0xFFFFFFFF  }
0xb6: {  	_ =	strace $0x9000004E  }
0xb7: {  	_ =	sfence  }
0xb8: {  	s30 =	sld [smem:$0x0];
	_ =	sdelay $0x2  }
0xb9: {  	s31 =	sshll.u32 s1, $0xD;
	s1 =	sshrl.u32 s1, $0x2  }
0xba: {  	s3 =	sand.u32 $0x4000, s31;
	s1 =	sadd.s32 s1, s30  }
0xbb: {  	s0 =	sor.u32 s3, s0;
	s1 =	sshll.u32 s1, $0x11  }
0xbc: {  	s0 =	sor.u32 s1, s0  }
0xbd: {  	s0 =	sadd.s32 $0x8F2B, s0  }
0xbe: {  	[sflag:s0] =	ssyncadd.remote.s32 $0x1  }
0xbf: {  	_ =	sfence.sel $0xFFFF  }
0xc0: {  	[dreg:$0x0] =	wrdreg $0xFFFFFFFF;
	(pc) =	sbr.abs _section_cstart, $3  }
0xc1: {  	[dreg:$0x1] =	wrdreg $0xFFFFFFFF  }
0xc2: {  	_ =	task.clear_ibuf [dreg:s6], $0x2FFFF;
	_ =	strace $0x9FFFFFFF  }
0xc3: {  	(tm) =	ssettm $0x7FFFFFFF  }
tec
execute0_lowered:
.L_overlay_start_1:
0x0: {  	(tag) =	ssettag $0x1  }
0x1: {  	s0 =	rddreg [dreg:$0x0]  }
0x2: {  	s1 =	srdreg.scid;
	s2 =	rddreg [dreg:$0x1]  }
0x3: {  	s25 =	stileid.u32;
	s3 =	rddreg [dreg:$0x2];
	s28 =	simm.s32 $0x3  }
0x4: {  	s30 =	simm.s32 $0x80;
	s31 =	simm.s32 $0x7000;
	s1 =	sand.u32 $0x1, s1  }
0x5: {  	s4 =	sshll.u32 s25, $0x1;
	s6 =	smul.u32 $0x27800, s25;
	s29 =	sadd.s32 $0x6EE00, s0  }
0x6: {  	s10 =	sshll.u32 s25, $0xA;
	s24 =	sadd.s32 $0x9C000, s3;
	p0 =	sgt.u32 s25, $0xD  }
0x7: {  	s5 =	sor.u32 s1, s4;
	s4 =	simm.s32 $0x0;
	s8 =	smul.u32 $0x13C00, s1  }
0x8: {  	s1 =	ssub.s32 $0x2, s1;
	s15 =	sadd.s32 s29, s10;
	p1 =	sne.s32 @p0 s25, $0xE  }
0x9: {  	s5 =	smul.u32 $0x500, s5;
	[smem:$0x7FF] =	sst s4;
	s26 =	sshrl.u32 s6, $0x2  }
0xa: {  	s9 =	sshrl.u32 s1, $0x1;
	p1 =	por p1, !p0;
	_ =	strace $0x8000004D  }
0xb: {  	s16 =	sadd.s32 s8, s0;
	s7 =	sadd.s32 s5, s0;
	s5 =	sadd.s32 s26, s2  }
0xc: {  	s1 =	ssub.s32 s1, s9;
	[dreg:$0x8] =	wrdreg s15;
	s11 =	sadd.s32 $0x2000, s5  }
0xd: {  	s15 =	sadd.s32 $0x82600, s0;
	s12 =	sadd.s32 $0x4000, s5;
	[dreg:$0x4] =	wrdreg s11  }
0xe: {  	s24 =	sshrl.u32 @!p1 s24, $0x3;
	s13 =	sadd.s32 $0x6000, s5;
	[dreg:$0x5] =	wrdreg s12  }
0xf: {  	s26 =	smul.u32 $0x13C0, s25;
	s14 =	sadd.s32 $0x8000, s5;
	[dreg:$0x6] =	wrdreg s13  }
0x10: {  	s16 =	sadd.s32 $0x82800, s16;
	s12 =	sshll.u32 s25, $0xD;
	[dreg:$0x7] =	wrdreg s14  }
0x11: {  	s16 =	sadd.s32 s26, s16;
	s26 =	simm.s32 $0x5000;
	s11 =	sor.u32 $0x20000, s12  }
0x12: {  	s20 =	sadd.s32 s12, s3;
	s17 =	sor.u32 $0x40000, s12;
	s14 =	sor.u32 $0x60000, s12  }
0x13: {  	s13 =	sshrl.u32 s11, $0x3;
	s21 =	sadd.s32 s11, s3;
	s22 =	sadd.s32 s17, s3  }
0x14: {  	s18 =	sshrl.u32 s14, $0x3;
	s23 =	sadd.s32 s14, s3;
	s20 =	sshrl.u32 s20, $0x3  }
0x15: {  	s11 =	sadd.s32 s29, s13;
	s13 =	sshrl.u32 s17, $0x3;
	s17 =	sor.u32 $0x40, s25  }
0x16: {  	s21 =	sshrl.u32 s21, $0x3;
	s22 =	sshrl.u32 s22, $0x3;
	s23 =	sshrl.u32 s23, $0x3  }
0x17: {  	s12 =	sadd.s32 s29, s13;
	s13 =	sadd.s32 s29, s18;
	s19 =	sshll.u32 s17, $0xA  }
0x18: {  	s18 =	sadd.s32 $0x2000, s7;
	s14 =	sadd.s32 s29, s19;
	s29 =	sshll.u32 s17, $0xD  }
0x19: {  	s17 =	sadd.s32 $0x15E00, s7;
	s19 =	smax.u32 s1, $0x1;
	s0 =	sadd.s32 s29, s3  }
0x1a: {  	v0 =	vimm.f32 $0.0e+00;
	s1 =	simm.s32 $0x1;
	s25 =	sshrl.u32 @!p0 s0, $0x3;
	s0 =	simm.s32 $0x2  }
.LBB2_1:
0x1b: {  	s29 =	simm.s32 $0x100;
	s6 =	simm.s32 $0x0  }
.LBB2_2:
0x1c: {  	p2 =	sne.s32 s29, $0x7F00;
	[tilespmem:s6+$0x5030] =	vst v0;
	s7 =	smov.u32 s29;
	s29 =	sadd.s32 $0x100, s29  }
.Ltmp0:
0x1d: {  	[tilespmem:s6+$0x5020] =	vst v0;
	(pc) =	sbr.rel @p2 .LBB2_2-.Ltmp0, $3  }
0x1e: {  	[tilespmem:s6+$0x5000] =	vst v0  }
0x1f: {  	[tilespmem:s6+$0x5010] =	vst v0;
	_ =	sdelay $0x1  }
0x20: {  	s6 =	sshra.s32 s7, $0x2  }
0x21: {  	[tilespmem:s6+$0x5030] =	vst v0  }
0x22: {  	[tilespmem:s6+$0x5020] =	vst v0  }
0x23: {  	[tilespmem:s6+$0x5000] =	vst v0  }
0x24: {  	[tilespmem:s6+$0x5010] =	vst v0  }
0x25: {  	[spmem:s5] =	stream.linear.scatter [tilespmem:s26], [sflag:$0x3], $0x2000, $0x38;
	[tilespmem:$0x1CC00] =	vst v63  }
0x26: {  	_ =	swait.ge [sflag:s28], $0x2000  }
0x27: {  	[sflag:s28] =	ssyncset.done $0x0  }
0x28: {  	s8 =	rddreg [dreg:$0x4];
	[sflag:s28] =	ssyncadd.s32 $0xFFFFE000  }
0x29: {  	[spmem:s8] =	stream.linear.scatter [tilespmem:s26], [sflag:$0x3], $0x2000, $0x38;
	[tilespmem:$0x1CC00] =	vst v63  }
0x2a: {  	_ =	swait.ge [sflag:s28], $0x2000  }
0x2b: {  	[sflag:s28] =	ssyncset.done $0x0  }
0x2c: {  	s9 =	rddreg [dreg:$0x5];
	[sflag:s28] =	ssyncadd.s32 $0xFFFFE000  }
0x2d: {  	[spmem:s9] =	stream.linear.scatter [tilespmem:s26], [sflag:$0x3], $0x2000, $0x38;
	[tilespmem:$0x1CC00] =	vst v63  }
0x2e: {  	_ =	swait.ge [sflag:s28], $0x2000  }
0x2f: {  	[sflag:s28] =	ssyncset.done $0x0  }
0x30: {  	s10 =	rddreg [dreg:$0x6];
	[sflag:s28] =	ssyncadd.s32 $0xFFFFE000  }
0x31: {  	[spmem:s10] =	stream.linear.scatter [tilespmem:s26], [sflag:$0x3], $0x2000, $0x38;
	[tilespmem:$0x1CC00] =	vst v63  }
0x32: {  	_ =	swait.ge [sflag:s28], $0x2000  }
0x33: {  	[sflag:s28] =	ssyncset.done $0x0  }
0x34: {  	s7 =	rddreg [dreg:$0x7];
	[sflag:s28] =	ssyncadd.s32 $0xFFFFE000  }
0x35: {  	[spmem:s7] =	stream.linear.scatter [tilespmem:s26], [sflag:$0x3], $0x1E00, $0x38;
	[tilespmem:$0x1CC00] =	vst v63  }
0x36: {  	s8 =	stileid.u32;
	_ =	swait.ge [sflag:s28], $0x1E00  }
0x37: {  	s6 =	sshll.u32 s8, $0x6;
	[sflag:s28] =	ssyncset.done $0x0  }
0x38: {  	s29 =	sor.u32 $0x1C03, s6;
	s9 =	rddreg [dreg:$0x8];
	[sflag:s28] =	ssyncadd.s32 $0xFFFFE200  }
0x39: {  	[spmem:s20], [sflag:s29] =	dma.local [hbm:s9], $0x400  }
0x3a: {  	_ =	swait.ge [sflag:s28], $0x400  }
0x3b: {  	[sflag:s28] =	ssyncset.done $0x0  }
0x3c: {  	[sflag:s28] =	ssyncadd.s32 $0xFFFFFC00  }
0x3d: {  	[spmem:s21], [sflag:s29] =	dma.local [hbm:s11], $0x400  }
0x3e: {  	_ =	swait.ge [sflag:s28], $0x400  }
0x3f: {  	[sflag:s28] =	ssyncset.done $0x0  }
0x40: {  	[sflag:s28] =	ssyncadd.s32 $0xFFFFFC00  }
0x41: {  	[spmem:s22], [sflag:s29] =	dma.local [hbm:s12], $0x400  }
0x42: {  	_ =	swait.ge [sflag:s28], $0x400  }
0x43: {  	[sflag:s28] =	ssyncset.done $0x0  }
0x44: {  	[sflag:s28] =	ssyncadd.s32 $0xFFFFFC00  }
0x45: {  	[spmem:s23], [sflag:s29] =	dma.local [hbm:s13], $0x400  }
0x46: {  	_ =	swait.ge [sflag:s28], $0x400  }
0x47: {  	[sflag:s28] =	ssyncset.done $0x0  }
0x48: {  	s6 =	simm.s32 @!p1 $0x3;
	[sflag:s28] =	ssyncadd.s32 $0xFFFFFC00  }
0x49: {  	[spmem:s24], [sflag:s29] =	dma.local @!p1 [hbm:s15], $0x80  }
0x4a: {  	_ =	swait.ge @!p1 [sflag:s6], $0x80  }
0x4b: {  	[sflag:s6] =	ssyncset.done @!p1 $0x0  }
0x4c: {  	[sflag:s6] =	ssyncadd.s32 @!p1 $0xFFFFFF80;
	s6 =	simm.s32 @!p0 $0x3  }
0x4d: {  	[spmem:s25], [sflag:s29] =	dma.local @!p0 [hbm:s14], $0x400  }
0x4e: {  	_ =	swait.ge @!p0 [sflag:s6], $0x400  }
0x4f: {  	[sflag:s6] =	ssyncset.done @!p0 $0x0  }
0x50: {  	[sflag:s6] =	ssyncadd.s32 @!p0 $0xFFFFFC00  }
0x51: {  	s10 =	simm.s32 $0x0;
	[bflag:$0x0] =	sbarrier.arrive $0xFFFF  }
0x52: {  	[tilespmem:s10], [sflag:$0x3] =	stream.linear.gather [hbm4b:s17+s10], $0x2800, $0x38;
	[tilespmem:$0x1CC00] =	vst v63  }
0x53: {  	_ =	swait.ge [sflag:s28], $0x2800  }
0x54: {  	[sflag:s28] =	ssyncset.done $0x0  }
0x55: {  	s7 =	simm.s32 $0x2800;
	[sflag:s28] =	ssyncadd.s32 $0xFFFFD800  }
0x56: {  	[tilespmem:s7], [sflag:$0x3] =	stream.linear.gather [hbm4b:s18+s10], $0x2800, $0x38;
	[tilespmem:$0x1CC00] =	vst v63  }
0x57: {  	_ =	swait.ge [sflag:s28], $0x2800  }
0x58: {  	[sflag:s28] =	ssyncset.done $0x0  }
0x59: {  	[sflag:s28] =	ssyncadd.s32 $0xFFFFD800  }
0x5a: {  	[tilespmem:s26], [sflag:$0x1] =	stream.indirect.gather [spmem:s3], $0x40, s10, s30, $0xb8;
	[tilespmem:$0x1CC00] =	vst v63  }
0x5b: {  	s7 =	simm.s32 $0x80  }
0x5c: {  	[tilespmem:s31], [sflag:$0x2] =	stream.indirect.gather [spmem:s3], $0x40, s7, s30, $0xb8;
	[tilespmem:$0x1CC00] =	vst v63  }
0x5d: {  	_ =	swait.ge [sflag:s1], $0x2000  }
0x5e: {  	[sflag:s1] =	ssyncset.done $0x0  }
0x5f: {  	s8 =	simm.s32 $0x2800;
	[sflag:s1] =	ssyncadd.s32 $0xFFFFE000  }
0x60: {  	[spmem:s2] =	stream.indirect.scatter.add.f32 [tilespmem:s26], [sflag:$0x3], $0x40, s8, s30, $0xb8;
	[tilespmem:$0x1CC00] =	vst v63  }
0x61: {  	_ =	swait.ge [sflag:s28], $0x2000  }
0x62: {  	[sflag:s28] =	ssyncset.done $0x0  }
0x63: {  	s9 =	simm.s32 $0x100;
	[sflag:s28] =	ssyncadd.s32 $0xFFFFE000  }
0x64: {  	[tilespmem:s26], [sflag:$0x1] =	stream.indirect.gather [spmem:s3], $0x40, s9, s30, $0xb8;
	[tilespmem:$0x1CC00] =	vst v63  }
0x65: {  	_ =	swait.ge [sflag:s0], $0x2000  }
0x66: {  	[sflag:s0] =	ssyncset.done $0x0  }
0x67: {  	s10 =	simm.s32 $0x2880;
	[sflag:s0] =	ssyncadd.s32 $0xFFFFE000  }
0x68: {  	[spmem:s2] =	stream.indirect.scatter.add.f32 [tilespmem:s31], [sflag:$0x3], $0x40, s10, s30, $0xb8;
	[tilespmem:$0x1CC00] =	vst v63  }
0x69: {  	_ =	swait.ge [sflag:s28], $0x2000  }
0x6a: {  	s6 =	simm.s32 $0x100;
	s7 =	simm.s32 $0x800;
	[sflag:s28] =	ssyncset.done $0x0  }
.LBB2_4:
0x6b: {  	s8 =	sadd.s32 $0x80, s6  }
0x6c: {  	[sflag:s28] =	ssyncadd.s32 $0xFFFFE000;
	s9 =	smov.u32 s7;
	s10 =	sadd.s32 $0x400, s7  }
0x6d: {  	[tilespmem:s31], [sflag:$0x2] =	stream.indirect.gather [spmem:s3], $0x40, s8, s30, $0xb8;
	[tilespmem:$0x1CC00] =	vst v63  }
0x6e: {  	p2 =	sne.s32 s7, $0x9800;
	_ =	swait.ge [sflag:s1], $0x2000  }
0x6f: {  	[sflag:s1] =	ssyncset.done $0x0  }
0x70: {  	s7 =	sadd.s32 $0x2800, s6;
	[sflag:s1] =	ssyncadd.s32 $0xFFFFE000  }
0x71: {  	[spmem:s2] =	stream.indirect.scatter.add.f32 [tilespmem:s26], [sflag:$0x3], $0x40, s7, s30, $0xb8;
	[tilespmem:$0x1CC00] =	vst v63  }
0x72: {  	_ =	swait.ge [sflag:s28], $0x2000  }
0x73: {  	[sflag:s28] =	ssyncset.done $0x0  }
0x74: {  	s7 =	sadd.s32 $0x100, s6;
	[sflag:s28] =	ssyncadd.s32 $0xFFFFE000  }
0x75: {  	[tilespmem:s26], [sflag:$0x1] =	stream.indirect.gather [spmem:s3], $0x40, s7, s30, $0xb8;
	[tilespmem:$0x1CC00] =	vst v63  }
0x76: {  	_ =	swait.ge [sflag:s0], $0x2000  }
.Ltmp1:
0x77: {  	[sflag:s0] =	ssyncset.done $0x0;
	(pc) =	sbr.rel @p2 .LBB2_4-.Ltmp1, $4  }
0x78: {  	s6 =	sadd.s32 $0x2880, s6;
	[sflag:s0] =	ssyncadd.s32 $0xFFFFE000  }
0x79: {  	[spmem:s2] =	stream.indirect.scatter.add.f32 [tilespmem:s31], [sflag:$0x3], $0x40, s6, s30, $0xb8;
	[tilespmem:$0x1CC00] =	vst v63  }
0x7a: {  	_ =	swait.ge [sflag:s28], $0x2000  }
0x7b: {  	s7 =	smov.u32 s10;
	s6 =	sshra.s32 s9, $0x2;
	[sflag:s28] =	ssyncset.done $0x0  }
0x7c: {  	s7 =	sadd.s32 $0x80, s6;
	[sflag:s28] =	ssyncadd.s32 $0xFFFFE000  }
0x7d: {  	[tilespmem:s31], [sflag:$0x2] =	stream.indirect.gather [spmem:s3], $0x40, s7, s30, $0xb8;
	[tilespmem:$0x1CC00] =	vst v63  }
0x7e: {  	_ =	swait.ge [sflag:s1], $0x2000  }
0x7f: {  	[sflag:s1] =	ssyncset.done $0x0  }
0x80: {  	s8 =	sadd.s32 $0x2800, s6;
	[sflag:s1] =	ssyncadd.s32 $0xFFFFE000  }
0x81: {  	[spmem:s2] =	stream.indirect.scatter.add.f32 [tilespmem:s26], [sflag:$0x3], $0x40, s8, s30, $0xb8;
	[tilespmem:$0x1CC00] =	vst v63  }
0x82: {  	_ =	swait.ge [sflag:s28], $0x2000  }
0x83: {  	[sflag:s28] =	ssyncset.done $0x0  }
0x84: {  	s9 =	sadd.s32 $0x100, s6;
	[sflag:s28] =	ssyncadd.s32 $0xFFFFE000  }
0x85: {  	[tilespmem:s26], [sflag:$0x1] =	stream.indirect.gather [spmem:s3], $0x40, s9, s30, $0xb8;
	[tilespmem:$0x1CC00] =	vst v63  }
0x86: {  	_ =	swait.ge [sflag:s0], $0x2000  }
0x87: {  	[sflag:s0] =	ssyncset.done $0x0  }
0x88: {  	s10 =	sadd.s32 $0x2880, s6;
	[sflag:s0] =	ssyncadd.s32 $0xFFFFE000  }
0x89: {  	[spmem:s2] =	stream.indirect.scatter.add.f32 [tilespmem:s31], [sflag:$0x3], $0x40, s10, s30, $0xb8;
	[tilespmem:$0x1CC00] =	vst v63  }
0x8a: {  	_ =	swait.ge [sflag:s28], $0x2000  }
0x8b: {  	[sflag:s28] =	ssyncset.done $0x0  }
0x8c: {  	s7 =	simm.s32 $0x2780;
	[sflag:s28] =	ssyncadd.s32 $0xFFFFE000  }
0x8d: {  	[tilespmem:s31], [sflag:$0x2] =	stream.indirect.gather [spmem:s3], $0x40, s7, s30, $0xb8;
	[tilespmem:$0x1CC00] =	vst v63  }
0x8e: {  	_ =	swait.ge [sflag:s1], $0x2000  }
0x8f: {  	[sflag:s1] =	ssyncset.done $0x0  }
0x90: {  	s8 =	simm.s32 $0x4F00;
	[sflag:s1] =	ssyncadd.s32 $0xFFFFE000  }
0x91: {  	[spmem:s2] =	stream.indirect.scatter.add.f32 [tilespmem:s26], [sflag:$0x3], $0x40, s8, s30, $0xb8;
	[tilespmem:$0x1CC00] =	vst v63  }
0x92: {  	_ =	swait.ge [sflag:s28], $0x2000  }
0x93: {  	[sflag:s28] =	ssyncset.done $0x0  }
0x94: {  	[sflag:s28] =	ssyncadd.s32 $0xFFFFE000  }
0x95: {  	_ =	swait.ge [sflag:s0], $0x2000  }
0x96: {  	[sflag:s0] =	ssyncset.done $0x0  }
0x97: {  	s9 =	simm.s32 $0x4F80;
	[sflag:s0] =	ssyncadd.s32 $0xFFFFE000  }
0x98: {  	[spmem:s2] =	stream.indirect.scatter.add.f32 [tilespmem:s31], [sflag:$0x3], $0x40, s9, s30, $0xb8;
	[tilespmem:$0x1CC00] =	vst v63  }
0x99: {  	_ =	swait.ge [sflag:s28], $0x2000  }
0x9a: {  	s4 =	sadd.s32 $0x1, s4;
	[sflag:s28] =	ssyncset.done $0x0  }
0x9b: {  	p2 =	sne.s32 s4, s19;
	[sflag:s28] =	ssyncadd.s32 $0xFFFFE000  }
.Ltmp2:
0x9c: {  	s10 =	sshrl.u32 s5, $0x3;
	[bflag:$0x0] =	sbarrier.arrive $0xFFFF;
	(pc) =	sbr.rel @p2 .LBB2_1-.Ltmp2, $4  }
0x9d: {  	[hbm:s16], [sflag:s29] =	dma.local [spmem:s10], $0x13C0  }
0x9e: {  	_ =	swait.ge [sflag:s28], $0x13C0  }
0x9f: {  	[sflag:s28] =	ssyncset.done $0x0  }
0xa0: {  	[sflag:s28] =	ssyncadd.s32 $0xFFFFEC40  }
0xa1: {  	_ =	sfence.sel $0x180000  }
0xa2: {  	[bflag:$0x0] =	sbarrier.arrive $0xFFFF  }
0xa3: {  	_ =	strace $0x9000004D  }
0xa4: {  	s0 =	stileid.u32;
	[bflag:$0x2] =	sbarrier.arrive $0xFFFF  }
0xa5: {  	p0 =	sne.s32 s0, $0x0;
	s0 =	rddreg [dreg:$0x3]  }
0xa6: {  	s0 =	sadd.s32 @!p0 $0x100000, s0  }
0xa7: {  	[sflag:s0] =	ssyncadd.tile.s32 @!p0 $0x1;
	_ =	shalt  }
.Lfunc_end2:
_tile_overlayer_lowered:
.L_overlay_start_2:
0xa8: {  	(tag) =	ssettag $0x2  }
0xa9: {  	s0 =	rddreg [dreg:$0x0];
	s2 =	stileid.u32  }
0xaa: {  	s1 =	rddreg [dreg:$0x1];
	p0 =	sne.s32 s2, $0x0  }
0xab: {  	s3 =	rddreg [dreg:$0x2];
	[bflag:$0x3] =	sbarrier.arrive $0xFFFF;
	s2 =	simm.s32 @!p0 $0x1C03  }
0xac: {  	[timem:s3], [sflag:s2] =	dma.local @!p0 [hbm:s0], s1  }
0xad: {  	s0 =	simm.s32 @!p0 $0x3  }
0xae: {  	_ =	swait.ge @!p0 [sflag:s0], s1  }
0xaf: {  	s1 =	ssub.s32 @!p0 $0x0, s1;
	[sflag:s0] =	ssyncset.done @!p0 $0x0  }
0xb0: {  	[sflag:s0] =	ssyncadd.s32 @!p0 s1  }
0xb1: {  	[bflag:$0x3] =	sbarrier.arrive $0xFFFF  }
0xb2: {  	_ =	shalt  }

// kernel: kernel.8.cloned.1.call-start
scs
__scs_entry_jumppad:
0x0: {  	(pc) =	sbr.rel $0x88, $3  }
0x1: {  	(tag) =	ssettag $0x0;
	lr =	simm.s32 $0x1  }
0x2: {  	[smem:$0x3F98] =	sst lr;
	_ =	strace $0xD0000000  }
0x3: {  	_ = 	snop  }
0x4: {  	_ = 	snop  }
0x5: {  	_ = 	snop  }
0x6: {  	_ = 	snop  }
0x7: {  	_ = 	snop  }
__scs_overlays_trampoline_lowered:
0x8: {  	[smem:$0x3FA7] =	sst s0  }
0x9: {  	[smem:$0x3FA8] =	sst s1  }
0xa: {  	[smem:$0x3FA9] =	sst s2  }
0xb: {  	[smem:$0x3FAA] =	sst s3  }
0xc: {  	[smem:$0x3FAB] =	sst s4  }
0xd: {  	[smem:$0x3FAC] =	sst s5  }
0xe: {  	[smem:$0x3FAD] =	sst s6  }
0xf: {  	[smem:$0x3FAE] =	sst s7  }
0x10: {  	[smem:$0x3FAF] =	sst s8  }
0x11: {  	[smem:$0x3FB0] =	sst s9;
	s0 =	simm.s32 @!p0 $0x0  }
0x12: {  	s1 =	sld [smem:$0x3F96];
	s0 =	simm.s32 @p0 $0x1  }
0x13: {  	[smem:$0x3FB1] =	sst s0;
	s0 =	simm.s32 @!p1 $0x0  }
0x14: {  	s2 =	sld [smem:$0x3F95];
	s0 =	simm.s32 @p1 $0x1  }
0x15: {  	[smem:$0x3FB2] =	sst s0;
	s0 =	simm.s32 @!p2 $0x0  }
0x16: {  	s3 =	sld [smem:$0x3FDB];
	s0 =	simm.s32 @p2 $0x1  }
0x17: {  	s4 =	simm.s32 $0x1BF5;
	[smem:$0x3FB4] =	sst s0  }
0x18: {  	s0 =	sld [smem:$0x3F97];
	_ =	swait.ge [sflag:s4], $0x0  }
0x19: {  	s7 =	sld [smem:$0x3F98]  }
0x1a: {  	s8 =	sadd.s32 $0xFFFFE003, lr  }
0x1b: {  	s9 =	sadd.s32 $0xFFFFFEF7, lr;
	s5 =	simm.s32 $0xFFFFFFFF;
	p2 =	slt.u32 s8, $0xFFFFF086  }
0x1c: {  	p1 =	slt.u32 s9, $0xF7A;
	s5 =	simm.s32 @!p2 $0x0  }
0x1d: {  	s5 =	simm.s32 @p1 $0x1;
	p0 =	seq.s32 s7, s2  }
0x1e: {  	s7 =	smul.u32 @!p0 $0xF7A, s2;
	p2 =	seq.s32 @!p0 s5, $0x0  }
0x1f: {  	s9 =	smul.u32 $0xF7A, s1;
	s8 =	simm.s32 @!p0 $0x1BF5;
	p2 =	por !p2, p0  }
0x20: {  	[sflag:s8] =	ssyncset.s32 @!p0 $0xFFFFF086;
	s6 =	sadd.s32 @!p0 s3, s7;
	s7 =	simm.s32 @!p0 $0x108  }
0x21: {  	s3 =	sadd.s32 s3, s9;
	s6 =	sadd.s32 @!p0 $0x88, s6;
	s7 =	simm.s32 @p2 $0x1082  }
0x22: {  	[simem:s7], [sflag:s8] =	dma.local @!p0 [hbm:s6], $0xF7A  }
0x23: {  	s9 =	sor.u32 $0xD0000000, s2;
	s6 =	simm.s32 $0x108;
	_ =	swait.ge @!p0 [sflag:s8], $0x0  }
0x24: {  	s3 =	sadd.s32 $0x88, s3;
	s6 =	simm.s32 @!p1 $0x1082;
	[sflag:s4] =	ssyncset.s32 $0xFFFFF086  }
0x25: {  	[simem:s6], [sflag:s4] =	dma.local [hbm:s3], $0xF7A  }
0x26: {  	[smem:$0x3F98] =	sst s1;
	(tag) =	ssettag s2;
	_ =	strace s9  }
0x27: {  	s1 =	sld [smem:$0x3FA8]  }
0x28: {  	s2 =	sld [smem:$0x3FA9]  }
0x29: {  	s4 =	sld [smem:$0x3FAB]  }
0x2a: {  	p0 =	seq.s32 s5, $0x0;
	s5 =	sld [smem:$0x3FAC]  }
0x2b: {  	s6 =	sld [smem:$0x3FAD]  }
0x2c: {  	s7 =	sld [smem:$0x3FAE]  }
0x2d: {  	s3 =	simm.s32 $0x108;
	s8 =	sld [smem:$0x3FAF]  }
0x2e: {  	s3 =	simm.s32 @!p0 $0x1082;
	s9 =	sld [smem:$0x3FB0]  }
0x2f: {  	lr =	sadd.s32 s0, s3;
	s0 =	sld [smem:$0x3FA7]  }
0x30: {  	s3 =	sld [smem:$0x3FAA]  }
0x31: {  	[smem:$0x3FB3] =	sst s10  }
0x32: {  	s10 =	sld [smem:$0x3FB1];
	_ =	sdelay $0x3  }
0x33: {  	p0 =	seq.s32 s10, $0x1;
	s10 =	sld [smem:$0x3FB3];
	_ =	sdelay $0x3  }
0x34: {  	[smem:$0x3FB3] =	sst s10  }
0x35: {  	s10 =	sld [smem:$0x3FB2];
	_ =	sdelay $0x3  }
0x36: {  	p1 =	seq.s32 s10, $0x1;
	s10 =	sld [smem:$0x3FB3];
	_ =	sdelay $0x3  }
0x37: {  	[smem:$0x3FB3] =	sst s10  }
0x38: {  	s10 =	sld [smem:$0x3FB4]  }
0x39: {  	_ = 	snop;
	(pc) =	sbr.ind lr, $3  }
0x3a: {  	_ = 	snop  }
0x3b: {  	_ = 	snop  }
0x3c: {  	p2 =	seq.s32 s10, $0x1;
	s10 =	sld [smem:$0x3FB3]  }
0x3d: {  	_ =	shalt  }
0x3e: {  	_ =	shalt  }
0x3f: {  	_ =	shalt  }
0x40: {  	_ =	shalt  }
0x41: {  	_ =	shalt  }
0x42: {  	_ =	shalt  }
0x43: {  	_ =	shalt  }
0x44: {  	_ =	shalt  }
0x45: {  	_ =	shalt  }
0x46: {  	_ =	shalt  }
0x47: {  	_ =	shalt  }
0x48: {  	_ =	shalt  }
0x49: {  	_ =	shalt  }
0x4a: {  	_ =	shalt  }
0x4b: {  	_ =	shalt  }
0x4c: {  	_ =	shalt  }
0x4d: {  	_ =	shalt  }
0x4e: {  	_ =	shalt  }
0x4f: {  	_ =	shalt  }
0x50: {  	_ =	shalt  }
0x51: {  	_ =	shalt  }
0x52: {  	_ =	shalt  }
0x53: {  	_ =	shalt  }
0x54: {  	_ =	shalt  }
0x55: {  	_ =	shalt  }
0x56: {  	_ =	shalt  }
0x57: {  	_ =	shalt  }
0x58: {  	_ =	shalt  }
0x59: {  	_ =	shalt  }
0x5a: {  	_ =	shalt  }
0x5b: {  	_ =	shalt  }
0x5c: {  	_ =	shalt  }
0x5d: {  	_ =	shalt  }
0x5e: {  	_ =	shalt  }
0x5f: {  	_ =	shalt  }
0x60: {  	_ =	shalt  }
0x61: {  	_ =	shalt  }
0x62: {  	_ =	shalt  }
0x63: {  	_ =	shalt  }
0x64: {  	_ =	shalt  }
0x65: {  	_ =	shalt  }
0x66: {  	_ =	shalt  }
0x67: {  	_ =	shalt  }
0x68: {  	_ =	shalt  }
0x69: {  	_ =	shalt  }
0x6a: {  	_ =	shalt  }
0x6b: {  	_ =	shalt  }
0x6c: {  	_ =	shalt  }
0x6d: {  	_ =	shalt  }
0x6e: {  	_ =	shalt  }
0x6f: {  	_ =	shalt  }
0x70: {  	_ =	shalt  }
0x71: {  	_ =	shalt  }
0x72: {  	_ =	shalt  }
0x73: {  	_ =	shalt  }
0x74: {  	_ =	shalt  }
0x75: {  	_ =	shalt  }
0x76: {  	_ =	shalt  }
0x77: {  	_ =	shalt  }
0x78: {  	_ =	shalt  }
0x79: {  	_ =	shalt  }
0x7a: {  	_ =	shalt  }
0x7b: {  	_ =	shalt  }
0x7c: {  	_ =	shalt  }
0x7d: {  	_ =	shalt  }
0x7e: {  	_ =	shalt  }
0x7f: {  	_ =	shalt  }
0x80: {  	_ =	shalt  }
0x81: {  	_ =	shalt  }
0x82: {  	_ =	shalt  }
0x83: {  	_ =	shalt  }
0x84: {  	_ =	shalt  }
0x85: {  	_ =	shalt  }
0x86: {  	_ =	shalt  }
0x87: {  	_ =	shalt  }
.Lfunc_end0:
.L_simem_size_0:
called_computation_lowered:
.L_overlay_start_0:
0x88: {  	s2 =	sld [smem:$0x3FD9]  }
0x89: {  	s3 =	sld [smem:$0x3FFE];
	_ =	sdelay $0x1  }
0x8a: {  	s1 =	srdreg.scid  }
0x8b: {  	s0 =	sand.u32 $0x1, s1  }
0x8c: {  	s16 =	sshll.u32 s0, $0xA;
	s2 =	sadd.s32 s3, s2  }
0x8d: {  	s2 =	sadd.s32 s2, s16  }
0x8e: {  	[smem:$0x3FBF] =	sst s2  }
0x8f: {  	_ = 	snop  }
0x90: {  	(tm) =	ssettm $0x1  }
0x91: {  	s17 =	sld [smem:$0x3FFB];
	_ =	sdelay $0x3  }
0x92: {  	_ =	strace s17  }
0x93: {  	s2 =	sld [smem:$0x3FFC];
	_ =	sdelay $0x3  }
0x94: {  	_ =	strace s2  }
0x95: {  	s2 =	sld [smem:$0x3FFD];
	_ =	sdelay $0x3  }
0x96: {  	_ =	strace s2  }
0x97: {  	_ =	strace $0x8FFFFFFF  }
0x98: {  	s18 =	sld [smem:$0x3FDB];
	_ =	sdelay $0x1  }
0x99: {  	s19 =	simm.s32 $_scs_section_size  }
0x9a: {  	s4 =	simm.s32 $_size__tile_overlayer_lowered;
	s5 =	simm.s32 $_tile_overlayer_lowered  }
0x9b: {  	s22 =	simm.s32 $0x1BFF;
	s21 =	sshll.u32 s5, $0x1;
	s2 =	sadd.s32 s19, s18  }
0x9c: {  	s6 =	simm.s32 $0x0;
	s20 =	sshll.u32 s4, $0x1;
	s4 =	sadd.s32 s21, s2  }
0x9d: {  	[timem:s6], [sflag:s22] =	dma.local [hbm:s4], s20  }
0x9e: {  	_ =	swait.ge [sflag:s22], s20  }
0x9f: {  	s3 =	ssub.s32 $0x0, s20;
	[sflag:s22] =	ssyncset.done $0x0  }
0xa0: {  	[sflag:s22] =	ssyncadd.s32 s3;
	_ =	sdelay $0x1  }
0xa1: {  	s23 =	simm.s32 $0x1B8B  }
0xa2: {  	_ =	swait.ge [sflag:s23], $0x1  }
0xa3: {  	[sflag:s23] =	ssyncset.done $0x0  }
0xa4: {  	s25 =	simm.s32 $0x1B8E;
	s24 =	sld [smem:$0x3FFE];
	[sflag:s23] =	ssyncadd.s32 $0xFFFFFFFF  }
0xa5: {  	s26 =	simm.s32 $execute0_lowered;
	[smem:$0x3FD2] =	sst s25  }
0xa6: {  	s4 =	sshll.u32 s26, $0x1;
	_ =	strace $0x80000046;
	[dreg:$0x1] =	wrdreg $0xFFFFFFFF  }
0xa7: {  	s28 =	simm.s32 $_size_execute0_lowered;
	s2 =	sadd.s32 s2, s4;
	[dreg:$0x0] =	wrdreg $0x0  }
0xa8: {  	s4 =	sshll.u32 s28, $0x1;
	[dreg:$0x2] =	wrdreg s2  }
0xa9: {  	[dreg:$0x3] =	wrdreg s4  }
0xaa: {  	[dreg:$0x4] =	wrdreg $0xC0  }
0xab: {  	_ =	task [dreg:s6], $0x5FFFF  }
0xac: {  	[dreg:$0x1] =	wrdreg $0xFFFFFFFF  }
0xad: {  	[dreg:$0x0] =	wrdreg $0x60  }
0xae: {  	[dreg:$0x2] =	wrdreg s24  }
0xaf: {  	[dreg:$0x3] =	wrdreg $0x38000  }
0xb0: {  	[dreg:$0x4] =	wrdreg $0x9  }
0xb1: {  	_ =	task.clear_ibuf [dreg:s6], $0x5FFFF;
	_ =	strace $0x90000046  }
0xb2: {  	s29 =	simm.s32 $0x9;
	_ =	strace $0x80000048  }
0xb3: {  	_ =	swait.ge [sflag:s29], $0x1  }
0xb4: {  	[sflag:s29] =	ssyncadd.s32 $0xFFFFFFFF  }
0xb5: {  	_ =	strace $0x90000048  }
0xb6: {  	_ =	sfence  }
0xb7: {  	s30 =	sld [smem:$0x0];
	_ =	sdelay $0x2  }
0xb8: {  	s31 =	sshll.u32 s1, $0xD;
	s1 =	sshrl.u32 s1, $0x2  }
0xb9: {  	s3 =	sand.u32 $0x4000, s31;
	s1 =	sadd.s32 s1, s30  }
0xba: {  	s0 =	sor.u32 s3, s0;
	s1 =	sshll.u32 s1, $0x11  }
0xbb: {  	s0 =	sor.u32 s1, s0  }
0xbc: {  	s0 =	sadd.s32 $0x8F2B, s0  }
0xbd: {  	[sflag:s0] =	ssyncadd.remote.s32 $0x1  }
0xbe: {  	_ =	sfence.sel $0xFFFF  }
0xbf: {  	[dreg:$0x0] =	wrdreg $0xFFFFFFFF;
	(pc) =	sbr.abs _section_cstart, $3  }
0xc0: {  	[dreg:$0x1] =	wrdreg $0xFFFFFFFF  }
0xc1: {  	_ =	task.clear_ibuf [dreg:s6], $0x2FFFF;
	_ =	strace $0x9FFFFFFF  }
0xc2: {  	(tm) =	ssettm $0x7FFFFFFF  }
0xc3: {  	_ =	shalt  }
tec
execute0_lowered:
.L_overlay_start_1:
0x0: {  	(tag) =	ssettag $0x1  }
0x1: {  	s5 =	rddreg [dreg:$0x0]  }
0x2: {  	s2 =	rddreg [dreg:$0x1]  }
0x3: {  	s0 =	rddreg [dreg:$0x2];
	s4 =	srdreg.scid  }
0x4: {  	s1 =	stileid.u32;
	s3 =	simm.s32 $0x0;
	s13 =	simm.s32 $0x80  }
0x5: {  	s14 =	simm.s32 $0x2800;
	s4 =	sand.u32 $0x1, s4;
	s7 =	smul.u32 $0x9E00, s1  }
0x6: {  	s6 =	sshll.u32 s1, $0x1;
	[smem:$0x7FF] =	sst s3;
	s16 =	smul.u32 $0x4F0, s1  }
0x7: {  	s17 =	sshll.u32 s1, $0x6;
	s6 =	sor.u32 s4, s6;
	s8 =	smul.u32 $0x4F00, s4  }
0x8: {  	s9 =	ssub.s32 $0x2, s4;
	s6 =	smul.u32 $0x500, s6;
	s30 =	sshrl.u32 s7, $0x2  }
0x9: {  	_ =	strace $0x80000047;
	s31 =	sshrl.u32 s9, $0x1;
	s4 =	sadd.s32 s30, s2  }
0xa: {  	s11 =	sadd.s32 s8, s5;
	s12 =	ssub.s32 s9, s31;
	s10 =	sadd.s32 s6, s5  }
0xb: {  	s5 =	sadd.s32 $0x800, s4;
	s6 =	sadd.s32 $0x1000, s4;
	s7 =	sadd.s32 $0x1800, s4  }
0xc: {  	s8 =	sadd.s32 $0x2000, s4;
	s15 =	sadd.s32 $0xC000, s11;
	s11 =	simm.s32 $0x3000  }
0xd: {  	s9 =	sadd.s32 $0x2000, s10;
	s10 =	smax.u32 s12, $0x1;
	s12 =	simm.s32 $0x1  }
0xe: {  	v0 =	vimm.f32 $1.000000000e+00;
	v1 =	vimm.f32 $0.0e+00;
	s15 =	sadd.s32 s16, s15;
	s16 =	sor.u32 $0x1C01, s17;
	s17 =	sshrl.u32 s4, $0x3  }
.LBB2_1:
0xf: {  	s18 =	simm.s32 $0x40;
	s19 =	simm.s32 $0x0  }
.LBB2_2:
0x10: {  	p0 =	sne.s32 s18, $0x1FC0;
	[tilespmem:s19+$0x2800] =	vst v0;
	s20 =	smov.u32 s18;
	s18 =	sadd.s32 $0x40, s18  }
.Ltmp0:
0x11: {  	[tilespmem:s19+$0x3000] =	vst v1;
	(pc) =	sbr.rel @p0 .LBB2_2-.Ltmp0, $2  }
0x12: {  	_ =	sdelay $0x2  }
0x13: {  	s19 =	sshra.s32 s20, $0x2  }
0x14: {  	[tilespmem:s19+$0x2800] =	vst v0  }
0x15: {  	[tilespmem:s19+$0x3000] =	vst v1  }
0x16: {  	[spmem:s4] =	stream.linear.scatter [tilespmem:s11], [sflag:$0x1], $0x800, $0x38;
	[tilespmem:$0x5F80] =	vst v63  }
0x17: {  	_ =	swait.ge [sflag:s12], $0x800  }
0x18: {  	[sflag:s12] =	ssyncset.done $0x0  }
0x19: {  	[sflag:s12] =	ssyncadd.s32 $0xFFFFF800  }
0x1a: {  	[spmem:s5] =	stream.linear.scatter [tilespmem:s11], [sflag:$0x1], $0x800, $0x38;
	[tilespmem:$0x5F80] =	vst v63  }
0x1b: {  	_ =	swait.ge [sflag:s12], $0x800  }
0x1c: {  	[sflag:s12] =	ssyncset.done $0x0  }
0x1d: {  	[sflag:s12] =	ssyncadd.s32 $0xFFFFF800  }
0x1e: {  	[spmem:s6] =	stream.linear.scatter [tilespmem:s11], [sflag:$0x1], $0x800, $0x38;
	[tilespmem:$0x5F80] =	vst v63  }
0x1f: {  	_ =	swait.ge [sflag:s12], $0x800  }
0x20: {  	[sflag:s12] =	ssyncset.done $0x0  }
0x21: {  	[sflag:s12] =	ssyncadd.s32 $0xFFFFF800  }
0x22: {  	[spmem:s7] =	stream.linear.scatter [tilespmem:s11], [sflag:$0x1], $0x800, $0x38;
	[tilespmem:$0x5F80] =	vst v63  }
0x23: {  	_ =	swait.ge [sflag:s12], $0x800  }
0x24: {  	[sflag:s12] =	ssyncset.done $0x0  }
0x25: {  	[sflag:s12] =	ssyncadd.s32 $0xFFFFF800  }
0x26: {  	[spmem:s8] =	stream.linear.scatter [tilespmem:s11], [sflag:$0x1], $0x780, $0x38;
	[tilespmem:$0x5F80] =	vst v63  }
0x27: {  	_ =	swait.ge [sflag:s12], $0x780  }
0x28: {  	[sflag:s12] =	ssyncset.done $0x0  }
0x29: {  	[sflag:s12] =	ssyncadd.s32 $0xFFFFF880  }
0x2a: {  	s18 =	simm.s32 $0x0;
	[bflag:$0x0] =	sbarrier.arrive $0xFFFF  }
0x2b: {  	[tilespmem:s18], [sflag:$0x1] =	stream.linear.gather [hbm4b:s9+s18], $0x2800, $0x38;
	[tilespmem:$0x5F80] =	vst v63  }
0x2c: {  	_ =	swait.ge [sflag:s12], $0x2800  }
0x2d: {  	[sflag:s12] =	ssyncset.done $0x0  }
0x2e: {  	s31 =	simm.s32 $0x0;
	[sflag:s12] =	ssyncadd.s32 $0xFFFFD800  }
0x2f: {  	[spmem:s2] =	stream.indirect.scatter.add.f32 [tilespmem:s14], [sflag:$0x1], $0x10, s31, s13, $0xb8;
	[tilespmem:$0x5F80] =	vst v63  }
0x30: {  	_ =	swait.ge [sflag:s12], $0x800  }
0x31: {  	s18 =	simm.s32 $0x200;
	[sflag:s12] =	ssyncset.done $0x0  }
.LBB2_4:
0x32: {  	s19 =	sshra.s32 s18, $0x2;
	[sflag:s12] =	ssyncadd.s32 $0xFFFFF800;
	p0 =	sne.s32 s18, $0x9E00  }
0x33: {  	[spmem:s2] =	stream.indirect.scatter.add.f32 [tilespmem:s14], [sflag:$0x1], $0x10, s19, s13, $0xb8;
	[tilespmem:$0x5F80] =	vst v63  }
.Ltmp1:
0x34: {  	_ = 	snop;
	(pc) =	sbr.rel @p0 .LBB2_4-.Ltmp1, $4  }
0x35: {  	_ = 	snop  }
0x36: {  	s18 =	sadd.s32 $0x200, s18  }
0x37: {  	_ =	swait.ge [sflag:s12], $0x800  }
0x38: {  	[sflag:s12] =	ssyncset.done $0x0  }
0x39: {  	s3 =	sadd.s32 $0x1, s3  }
0x3a: {  	[sflag:s12] =	ssyncadd.s32 $0xFFFFF800;
	p0 =	sne.s32 s3, s10  }
.Ltmp2:
0x3b: {  	[bflag:$0x0] =	sbarrier.arrive $0xFFFF;
	(pc) =	sbr.rel @p0 .LBB2_1-.Ltmp2, $4  }
0x3c: {  	[hbm:s15], [sflag:s16] =	dma.local [spmem:s17], $0x4F0  }
0x3d: {  	_ =	swait.ge [sflag:s12], $0x4F0  }
0x3e: {  	[sflag:s12] =	ssyncset.done $0x0  }
0x3f: {  	[sflag:s12] =	ssyncadd.s32 $0xFFFFFB10  }
0x40: {  	_ =	sfence.sel $0x180000  }
0x41: {  	[bflag:$0x0] =	sbarrier.arrive $0xFFFF  }
0x42: {  	p0 =	sne.s32 s1, $0x0;
	_ =	strace $0x90000047  }
0x43: {  	s0 =	sadd.s32 @!p0 $0x100000, s0;
	[bflag:$0x2] =	sbarrier.arrive $0xFFFF  }
0x44: {  	[sflag:s0] =	ssyncadd.tile.s32 @!p0 $0x1;
	_ =	shalt  }
.Lfunc_end2:
_tile_overlayer_lowered:
.L_overlay_start_2:
0x45: {  	(tag) =	ssettag $0x2  }
0x46: {  	s0 =	rddreg [dreg:$0x0];
	s2 =	stileid.u32  }
0x47: {  	s1 =	rddreg [dreg:$0x1];
	p0 =	sne.s32 s2, $0x0  }
0x48: {  	s3 =	rddreg [dreg:$0x2];
	[bflag:$0x3] =	sbarrier.arrive $0xFFFF;
	s2 =	simm.s32 @!p0 $0x1C01  }
0x49: {  	[timem:s3], [sflag:s2] =	dma.local @!p0 [hbm:s0], s1  }
0x4a: {  	s0 =	simm.s32 @!p0 $0x1  }
0x4b: {  	_ =	swait.ge @!p0 [sflag:s0], s1  }
0x4c: {  	s1 =	ssub.s32 @!p0 $0x0, s1;
	[sflag:s0] =	ssyncset.done @!p0 $0x0  }
0x4d: {  	[sflag:s0] =	ssyncadd.s32 @!p0 s1  }
0x4e: {  	[bflag:$0x3] =	sbarrier.arrive $0xFFFF  }
0x4f: {  	_ =	shalt  }

</sc_bundles>
